<compile_context>
chip_gen: v7x
topology: tpu7x:2x2x1
jax: 0.10.2.dev20260603
libtpu: 0.0.44.dev20260713+nightly
codegen_flags: <defaults>
</compile_context>

<pallas_src>
import jax
import jax.numpy as jnp
from jax.experimental import pallas as pl
from jax.experimental.pallas import tpu as pltpu
from jax.experimental.pallas import tpu_sc as plsc

HIDDEN = 768
FFN = 3072
NEXP = 64
TOKENS = 2048

RT = 256
TM = 128
BF = 1536
NF = FFN // BF
RPAD = 4736


def _router_body(x_ref, wr_ref, oh1_ref, oh2_ref, roh1_ref, roh2_ref,
                 wts_ref, counts_ref):
    i = pl.program_id(0)

    @pl.when(i == 0)
    def _():
        counts_ref[...] = jnp.zeros_like(counts_ref)

    carry = counts_ref[...]
    logits = jax.lax.dot_general(
        x_ref[...], wr_ref[...], (((1,), (1,)), ((), ())),
        preferred_element_type=jnp.float32)

    lane = jax.lax.broadcasted_iota(jnp.int32, (RT, NEXP), 1)
    m1 = jnp.max(logits, axis=1, keepdims=True)
    i1 = jnp.min(jnp.where(logits == m1, lane, NEXP), axis=1, keepdims=True)
    oh1 = (lane == i1).astype(jnp.float32)
    masked = jnp.where(lane == i1, -jnp.inf, logits)
    m2 = jnp.max(masked, axis=1, keepdims=True)
    i2 = jnp.min(jnp.where(masked == m2, lane, NEXP), axis=1, keepdims=True)
    oh2 = (lane == i2).astype(jnp.float32)

    w1c = 1.0 / (1.0 + jnp.exp(m2 - m1))

    m = oh1 + oh2
    row = jax.lax.broadcasted_iota(jnp.int32, (RT, RT), 0)
    col = jax.lax.broadcasted_iota(jnp.int32, (RT, RT), 1)
    tri = (col < row).astype(jnp.float32)
    cex = jnp.dot(tri, m, preferred_element_type=jnp.float32) + carry

    oh1_ref[...] = oh1
    oh2_ref[...] = oh2
    roh1_ref[...] = cex * oh1
    roh2_ref[...] = cex * oh2
    wts_ref[...] = jnp.concatenate([w1c, 1.0 - w1c], axis=1)
    counts_ref[...] = carry + jnp.sum(m, axis=0, keepdims=True)


def _router(x2d, w_router):
    nrt = TOKENS // RT
    return pl.pallas_call(
        _router_body,
        grid=(nrt,),
        in_specs=[
            pl.BlockSpec((RT, HIDDEN), lambda i: (i, 0)),
            pl.BlockSpec((NEXP, HIDDEN), lambda i: (0, 0)),
        ],
        out_specs=[
            pl.BlockSpec((RT, NEXP), lambda i: (i, 0)),
            pl.BlockSpec((RT, NEXP), lambda i: (i, 0)),
            pl.BlockSpec((RT, NEXP), lambda i: (i, 0)),
            pl.BlockSpec((RT, NEXP), lambda i: (i, 0)),
            pl.BlockSpec((RT, 2), lambda i: (i, 0)),
            pl.BlockSpec((1, NEXP), lambda i: (0, 0)),
        ],
        out_shape=[
            jax.ShapeDtypeStruct((TOKENS, NEXP), jnp.float32),
            jax.ShapeDtypeStruct((TOKENS, NEXP), jnp.float32),
            jax.ShapeDtypeStruct((TOKENS, NEXP), jnp.float32),
            jax.ShapeDtypeStruct((TOKENS, NEXP), jnp.float32),
            jax.ShapeDtypeStruct((TOKENS, 2), jnp.float32),
            jax.ShapeDtypeStruct((1, NEXP), jnp.float32),
        ],
        compiler_params=pltpu.CompilerParams(
            dimension_semantics=("arbitrary",)),
    )(x2d, w_router)


def _positions_body(counts_ref, oh1_ref, oh2_ref, roh1_ref, roh2_ref,
                    pos_ref, offs_ref):
    counts = counts_ref[...].astype(jnp.int32)
    ca = ((counts + 7) // 8 * 8).astype(jnp.float32)
    row = jax.lax.broadcasted_iota(jnp.int32, (NEXP, NEXP), 0)
    col = jax.lax.broadcasted_iota(jnp.int32, (NEXP, NEXP), 1)
    upper = (row < col).astype(jnp.float32)
    offs = jnp.dot(ca, upper, preferred_element_type=jnp.float32)
    total = jnp.sum(ca, axis=1, keepdims=True)

    pos1 = jnp.sum(roh1_ref[...] + oh1_ref[...] * offs, axis=1, keepdims=True)
    pos2 = jnp.sum(roh2_ref[...] + oh2_ref[...] * offs, axis=1, keepdims=True)
    pos_ref[...] = jnp.concatenate([pos1, pos2], axis=1).astype(jnp.int32)

    padded = jnp.concatenate(
        [offs, total, jnp.zeros((1, 63), jnp.float32)], axis=1)
    offs_ref[...] = padded.astype(jnp.int32)


def _positions(counts, oh1, oh2, roh1, roh2):
    return pl.pallas_call(
        _positions_body,
        out_shape=[
            jax.ShapeDtypeStruct((TOKENS, 2), jnp.int32),
            jax.ShapeDtypeStruct((1, 128), jnp.int32),
        ],
    )(counts, oh1, oh2, roh1, roh2)


NWORK = 32
TPW = TOKENS // NWORK


def _sc_dispatch_body(x_hbm, p1_hbm, p2_hbm, xs_hbm, rows_v, i1_v, i2_v, sem):
    wid = jax.lax.axis_index("s") * 2 + jax.lax.axis_index("c")
    base = wid * TPW
    pltpu.sync_copy(x_hbm.at[pl.ds(base, TPW)], rows_v)
    pltpu.sync_copy(p1_hbm.at[pl.ds(base, TPW)], i1_v)
    pltpu.sync_copy(p2_hbm.at[pl.ds(base, TPW)], i2_v)
    c1 = pltpu.make_async_copy(rows_v, xs_hbm.at[i1_v], sem)
    c2 = pltpu.make_async_copy(rows_v, xs_hbm.at[i2_v], sem)
    c1.start()
    c2.start()
    c1.wait()
    c2.wait()


def _dispatch(pos1, pos2, x2d):
    mesh = plsc.VectorSubcoreMesh(core_axis_name="c", subcore_axis_name="s")
    fn = pl.kernel(
        _sc_dispatch_body,
        out_type=jax.ShapeDtypeStruct((RPAD, HIDDEN), jnp.float32),
        mesh=mesh,
        scratch_types=[
            pltpu.VMEM((TPW, HIDDEN), jnp.float32),
            pltpu.VMEM((TPW,), jnp.int32),
            pltpu.VMEM((TPW,), jnp.int32),
            pltpu.SemaphoreType.DMA,
        ],
    )
    return fn(x2d, pos1, pos2)


def _ffn_body(offs_ref, xs_ref, w1_ref, w2_ref, ys_ref):
    f = pl.program_id(1)
    e = pl.program_id(0)
    off = offs_ref[e]
    cnt = offs_ref[e + 1] - off
    ntiles = (cnt + TM - 1) // TM
    w1b = w1_ref[0]
    w2b = w2_ref[0]

    def tile(i, _):
        r0 = pl.multiple_of(off + i * TM, 8)
        xt = xs_ref[pl.ds(r0, TM), :]
        h = jnp.dot(xt, w1b, preferred_element_type=jnp.float32)
        h = h * 0.5 * (1.0 + jax.lax.erf(h * 0.7071067811865476))
        yp = jnp.dot(h, w2b, preferred_element_type=jnp.float32)

        @pl.when(f == 0)
        def _():
            ys_ref[pl.ds(r0, TM), :] = yp

        @pl.when(f != 0)
        def _():
            ys_ref[pl.ds(r0, TM), :] = ys_ref[pl.ds(r0, TM), :] + yp

        return 0

    jax.lax.fori_loop(0, ntiles, tile, 0)


def _ffn(offs, xs, w1, w2):
    grid_spec = pltpu.PrefetchScalarGridSpec(
        num_scalar_prefetch=1,
        grid=(NEXP, NF),
        in_specs=[
            pl.BlockSpec((RPAD, HIDDEN), lambda e, f, offs: (0, 0)),
            pl.BlockSpec((1, HIDDEN, BF), lambda e, f, offs: (e, 0, f)),
            pl.BlockSpec((1, BF, HIDDEN), lambda e, f, offs: (e, f, 0)),
        ],
        out_specs=pl.BlockSpec((RPAD, HIDDEN), lambda e, f, offs: (0, 0)),
    )
    return pl.pallas_call(
        _ffn_body,
        grid_spec=grid_spec,
        out_shape=jax.ShapeDtypeStruct((RPAD, HIDDEN), jnp.float32),
        compiler_params=pltpu.CompilerParams(
            dimension_semantics=("arbitrary", "arbitrary"),
            vmem_limit_bytes=100 * 1024 * 1024),
    )(offs, xs, w1, w2)


def _sc_combine_body(ys_hbm, p1_hbm, p2_hbm, w1_hbm, w2_hbm, out_hbm,
                     r1_v, r2_v, i1_v, i2_v, w1_v, w2_v, sem):
    wid = jax.lax.axis_index("s") * 2 + jax.lax.axis_index("c")
    base = wid * TPW
    pltpu.sync_copy(p1_hbm.at[pl.ds(base, TPW)], i1_v)
    pltpu.sync_copy(p2_hbm.at[pl.ds(base, TPW)], i2_v)
    pltpu.sync_copy(w1_hbm.at[pl.ds(base, TPW)], w1_v)
    pltpu.sync_copy(w2_hbm.at[pl.ds(base, TPW)], w2_v)
    g1 = pltpu.make_async_copy(ys_hbm.at[i1_v], r1_v, sem)
    g2 = pltpu.make_async_copy(ys_hbm.at[i2_v], r2_v, sem)
    g1.start()
    g2.start()
    g1.wait()
    g2.wait()

    @pl.loop(0, TPW)
    def _tok(i):
        w1v = w1_v[i, :]
        w2v = w2_v[i, :]
        for c in range(HIDDEN // 16):
            sl = pl.ds(c * 16, 16)
            r1_v[i, sl] = r1_v[i, sl] * w1v + r2_v[i, sl] * w2v

    pltpu.sync_copy(r1_v, out_hbm.at[pl.ds(base, TPW)])


def _combine(pos1, pos2, wts, ys):
    mesh = plsc.VectorSubcoreMesh(core_axis_name="c", subcore_axis_name="s")
    fn = pl.kernel(
        _sc_combine_body,
        out_type=jax.ShapeDtypeStruct((TOKENS, HIDDEN), jnp.float32),
        mesh=mesh,
        scratch_types=[
            pltpu.VMEM((TPW, HIDDEN), jnp.float32),
            pltpu.VMEM((TPW, HIDDEN), jnp.float32),
            pltpu.VMEM((TPW,), jnp.int32),
            pltpu.VMEM((TPW,), jnp.int32),
            pltpu.VMEM((TPW, 16), jnp.float32),
            pltpu.VMEM((TPW, 16), jnp.float32),
            pltpu.SemaphoreType.DMA,
        ],
    )
    w1bc = jnp.broadcast_to(wts[:, 0:1], (TOKENS, 16))
    w2bc = jnp.broadcast_to(wts[:, 1:2], (TOKENS, 16))
    return fn(ys, pos1, pos2, w1bc, w2bc)


def kernel(x, w_router, w1, w2):
    b, t, h = x.shape
    x2d = x.reshape(t, h)
    oh1, oh2, roh1, roh2, wts, counts = _router(x2d, w_router)
    pos, offs_pad = _positions(counts, oh1, oh2, roh1, roh2)
    offs = offs_pad[0, :NEXP + 1]
    pos1 = pos[:, 0]
    pos2 = pos[:, 1]
    xs = _dispatch(pos1, pos2, x2d)
    ys = _ffn(offs, xs, w1, w2)
    out = _combine(pos1, pos2, wts, ys)
    return out.reshape(b, t, h)

# --- scband reference (transcript-rebuilt; emitter-appended) ---
"""Pipeline reference for scband-mo-elayer-19327352832722 (READ-ONLY COPY).

The authoritative reference and input builder live on the scoring server;
editing this copy changes nothing except your own understanding.
"""

import jax, jax.numpy as jnp
import numpy as np

HIDDEN = 768
FFN = 3072
E = 64
TOPK = 2
B = 1
T = 2048


def setup_inputs(seed: int = 0) -> dict:
    key = jax.random.key(seed)
    ks = jax.random.split(key, 4)
    x = jax.random.normal(ks[0], (B, T, HIDDEN), dtype=jnp.float32)
    w_router = jax.random.normal(ks[1], (E, HIDDEN), dtype=jnp.float32) * 0.02
    w1 = jax.random.normal(ks[2], (E, HIDDEN, FFN), dtype=jnp.float32) * 0.02
    w2 = jax.random.normal(ks[3], (E, FFN, HIDDEN), dtype=jnp.float32) * 0.02
    return {"x": x, "w_router": w_router, "w1": w1, "w2": w2}


def reference(x, w_router, w1, w2):
    Bq, Tq, H = x.shape
    x_flat = x.reshape(-1, H)
    # router (eval mode: no jitter noise)
    router_logits = x_flat @ w_router.T
    router_probs = jax.nn.softmax(router_logits, axis=-1)
    top_k_probs, top_k_indices = jax.lax.top_k(router_probs, TOPK)
    top_k_probs = top_k_probs / jnp.sum(top_k_probs, axis=-1, keepdims=True)
    flat_indices = top_k_indices.reshape(-1)
    flat_weights = top_k_probs.reshape(-1)
    # repeat_interleave tokens for each of their top_k expert slots
    x_repeated = jnp.repeat(x_flat, TOPK, axis=0)
    output_repeated = jnp.zeros_like(x_repeated)
    for i in range(E):
        mask = flat_indices == i
        h = jax.nn.gelu(x_repeated @ w1[i], approximate=False)
        h = h @ w2[i]
        output_repeated = jnp.where(mask[:, None], h, output_repeated)
    output_repeated = output_repeated * flat_weights[:, None]
    output = output_repeated.reshape(Bq * Tq, TOPK, H).sum(axis=1)
    return output.reshape(Bq, Tq, H)

if __name__ == "__main__":
    import jax
    _d = setup_inputs()
    print(jax.jit(kernel)(*tuple(_d.values())))

</pallas_src>

<mosaic_0001>
#map = affine_map<(d0, d1) -> (0, 0)>
#map1 = affine_map<(d0, d1) -> (0)>
module attributes {stable_mosaic.version = 14 : i64} {
  func.func @_sc_dispatch_body(%arg0: i32, %arg1: i32, %arg2: memref<2048x768xf32, #tpu.memory_space<hbm>>, %arg3: memref<2048xi32, #tpu.memory_space<hbm>>, %arg4: memref<2048xi32, #tpu.memory_space<hbm>>, %arg5: memref<4736x768xf32, #tpu.memory_space<hbm>>, %arg6: memref<64x768xf32, #tpu.memory_space<vmem>>, %arg7: memref<64xi32, #tpu.memory_space<vmem>>, %arg8: memref<64xi32, #tpu.memory_space<vmem>>, %arg9: memref<!tpu.dma_semaphore, #tpu.memory_space<semaphore_mem>>) attributes {dimension_semantics = [#tpu.dimension_semantics<core_parallel>, #tpu.dimension_semantics<subcore_parallel>], iteration_bounds = array<i64: 2, 16>, scalar_prefetch = 0 : i64, scratch_operands = 4 : i64, tpu.core_type = #tpu.core_type<sc_vector_subcore>, window_params = [{transform_indices = #map}, {transform_indices = #map1}, {transform_indices = #map1}, {transform_indices = #map}]} {
    %mul3A = arith.constant 2 : i32
    %mul3A_0 = arith.muli %arg1, %mul3A : i32
    %add3A = arith.addi %mul3A_0, %arg0 : i32
    %mul3A_1 = arith.constant 64 : i32
    %mul3A_2 = arith.muli %add3A, %mul3A_1 : i32
    "tpu.region"() ({
      %run_scoped3A = tpu.sem_alloc : memref<!tpu.dma_semaphore, #tpu.memory_space<semaphore_mem>>
      %dma_start3A_13 = arith.constant 0 : i32
      %dma_start3A_14 = tpu.memref_slice %arg2[%mul3A_2, %dma_start3A_13] : memref<2048x768xf32, #tpu.memory_space<hbm>> -> memref<64x768xf32, #tpu.memory_space<hbm>>
      %dma_start3A_15 = arith.constant 0 : i32
      %dma_start3A_16 = tpu.memref_slice %arg2[%mul3A_2, %dma_start3A_15] : memref<2048x768xf32, #tpu.memory_space<hbm>> -> memref<64x768xf32, #tpu.memory_space<hbm>>
      tpu.enqueue_dma source(%dma_start3A_16 : memref<64x768xf32, #tpu.memory_space<hbm>>) target(%arg6 : memref<64x768xf32, #tpu.memory_space<vmem>>) target_semaphore(%run_scoped3A : memref<!tpu.dma_semaphore, #tpu.memory_space<semaphore_mem>>)
      %dma_wait3A_17 = arith.constant 0 : i32
      %dma_wait3A_18 = tpu.memref_slice %arg2[%mul3A_2, %dma_wait3A_17] : memref<2048x768xf32, #tpu.memory_space<hbm>> -> memref<64x768xf32, #tpu.memory_space<hbm>>
      %dma_wait3A_19 = arith.constant 0 : i32
      %dma_wait3A_20 = tpu.memref_slice %arg2[%mul3A_2, %dma_wait3A_19] : memref<2048x768xf32, #tpu.memory_space<hbm>> -> memref<64x768xf32, #tpu.memory_space<hbm>>
      tpu.wait_dma2 semaphore(%run_scoped3A : memref<!tpu.dma_semaphore, #tpu.memory_space<semaphore_mem>>) src(%dma_wait3A_20 : memref<64x768xf32, #tpu.memory_space<hbm>>) dst(%arg6 : memref<64x768xf32, #tpu.memory_space<vmem>>)
      tpu.yield
    }) : () -> ()
    "tpu.region"() ({
      %run_scoped3A = tpu.sem_alloc : memref<!tpu.dma_semaphore, #tpu.memory_space<semaphore_mem>>
      %dma_start3A_13 = tpu.memref_slice %arg3[%mul3A_2] : memref<2048xi32, #tpu.memory_space<hbm>> -> memref<64xi32, #tpu.memory_space<hbm>>
      %dma_start3A_14 = tpu.memref_slice %arg3[%mul3A_2] : memref<2048xi32, #tpu.memory_space<hbm>> -> memref<64xi32, #tpu.memory_space<hbm>>
      tpu.enqueue_dma source(%dma_start3A_14 : memref<64xi32, #tpu.memory_space<hbm>>) target(%arg7 : memref<64xi32, #tpu.memory_space<vmem>>) target_semaphore(%run_scoped3A : memref<!tpu.dma_semaphore, #tpu.memory_space<semaphore_mem>>)
      %dma_wait3A_15 = tpu.memref_slice %arg3[%mul3A_2] : memref<2048xi32, #tpu.memory_space<hbm>> -> memref<64xi32, #tpu.memory_space<hbm>>
      %dma_wait3A_16 = tpu.memref_slice %arg3[%mul3A_2] : memref<2048xi32, #tpu.memory_space<hbm>> -> memref<64xi32, #tpu.memory_space<hbm>>
      tpu.wait_dma2 semaphore(%run_scoped3A : memref<!tpu.dma_semaphore, #tpu.memory_space<semaphore_mem>>) src(%dma_wait3A_16 : memref<64xi32, #tpu.memory_space<hbm>>) dst(%arg7 : memref<64xi32, #tpu.memory_space<vmem>>)
      tpu.yield
    }) : () -> ()
    "tpu.region"() ({
      %run_scoped3A = tpu.sem_alloc : memref<!tpu.dma_semaphore, #tpu.memory_space<semaphore_mem>>
      %dma_start3A_13 = tpu.memref_slice %arg4[%mul3A_2] : memref<2048xi32, #tpu.memory_space<hbm>> -> memref<64xi32, #tpu.memory_space<hbm>>
      %dma_start3A_14 = tpu.memref_slice %arg4[%mul3A_2] : memref<2048xi32, #tpu.memory_space<hbm>> -> memref<64xi32, #tpu.memory_space<hbm>>
      tpu.enqueue_dma source(%dma_start3A_14 : memref<64xi32, #tpu.memory_space<hbm>>) target(%arg8 : memref<64xi32, #tpu.memory_space<vmem>>) target_semaphore(%run_scoped3A : memref<!tpu.dma_semaphore, #tpu.memory_space<semaphore_mem>>)
      %dma_wait3A_15 = tpu.memref_slice %arg4[%mul3A_2] : memref<2048xi32, #tpu.memory_space<hbm>> -> memref<64xi32, #tpu.memory_space<hbm>>
      %dma_wait3A_16 = tpu.memref_slice %arg4[%mul3A_2] : memref<2048xi32, #tpu.memory_space<hbm>> -> memref<64xi32, #tpu.memory_space<hbm>>
      tpu.wait_dma2 semaphore(%run_scoped3A : memref<!tpu.dma_semaphore, #tpu.memory_space<semaphore_mem>>) src(%dma_wait3A_16 : memref<64xi32, #tpu.memory_space<hbm>>) dst(%arg8 : memref<64xi32, #tpu.memory_space<vmem>>)
      tpu.yield
    }) : () -> ()
    %dma_start3A = arith.constant 0 : i32
    %dma_start3A_3 = arith.constant 0 : i32
    %dma_start3A_4 = tpu.memref_slice %arg5[%dma_start3A, %dma_start3A_3] : memref<4736x768xf32, #tpu.memory_space<hbm>> -> memref<4736x768xf32, #tpu.memory_space<hbm>>
    tpu.enqueue_indirect_dma source(%arg6 : memref<64x768xf32, #tpu.memory_space<vmem>>) target(%dma_start3A_4 : memref<4736x768xf32, #tpu.memory_space<hbm>>) offsets(%arg7 : memref<64xi32, #tpu.memory_space<vmem>>) semaphore(%arg9 : memref<!tpu.dma_semaphore, #tpu.memory_space<semaphore_mem>>)
    %dma_start3A_5 = arith.constant 0 : i32
    %dma_start3A_6 = arith.constant 0 : i32
    %dma_start3A_7 = tpu.memref_slice %arg5[%dma_start3A_5, %dma_start3A_6] : memref<4736x768xf32, #tpu.memory_space<hbm>> -> memref<4736x768xf32, #tpu.memory_space<hbm>>
    tpu.enqueue_indirect_dma source(%arg6 : memref<64x768xf32, #tpu.memory_space<vmem>>) target(%dma_start3A_7 : memref<4736x768xf32, #tpu.memory_space<hbm>>) offsets(%arg8 : memref<64xi32, #tpu.memory_space<vmem>>) semaphore(%arg9 : memref<!tpu.dma_semaphore, #tpu.memory_space<semaphore_mem>>)
    %dma_wait3A = arith.constant 0 : i32
    %dma_wait3A_8 = arith.constant 0 : i32
    %dma_wait3A_9 = tpu.memref_slice %arg5[%dma_wait3A, %dma_wait3A_8] : memref<4736x768xf32, #tpu.memory_space<hbm>> -> memref<4736x768xf32, #tpu.memory_space<hbm>>
    tpu.wait_indirect_dma semaphore(%arg9 : memref<!tpu.dma_semaphore, #tpu.memory_space<semaphore_mem>>) src(%arg6 : memref<64x768xf32, #tpu.memory_space<vmem>>) dst(%dma_wait3A_9 : memref<4736x768xf32, #tpu.memory_space<hbm>>)
    %dma_wait3A_10 = arith.constant 0 : i32
    %dma_wait3A_11 = arith.constant 0 : i32
    %dma_wait3A_12 = tpu.memref_slice %arg5[%dma_wait3A_10, %dma_wait3A_11] : memref<4736x768xf32, #tpu.memory_space<hbm>> -> memref<4736x768xf32, #tpu.memory_space<hbm>>
    tpu.wait_indirect_dma semaphore(%arg9 : memref<!tpu.dma_semaphore, #tpu.memory_space<semaphore_mem>>) src(%arg6 : memref<64x768xf32, #tpu.memory_space<vmem>>) dst(%dma_wait3A_12 : memref<4736x768xf32, #tpu.memory_space<hbm>>)
    return
  }
}

#map = affine_map<(d0, d1) -> (0, 0)>
#map1 = affine_map<(d0, d1) -> (0)>
module attributes {stable_mosaic.version = 14 : i64} {
  func.func @_sc_combine_body(%arg0: i32, %arg1: i32, %arg2: memref<4736x768xf32, #tpu.memory_space<hbm>>, %arg3: memref<2048xi32, #tpu.memory_space<hbm>>, %arg4: memref<2048xi32, #tpu.memory_space<hbm>>, %arg5: memref<2048x16xf32, #tpu.memory_space<hbm>>, %arg6: memref<2048x16xf32, #tpu.memory_space<hbm>>, %arg7: memref<2048x768xf32, #tpu.memory_space<hbm>>, %arg8: memref<64x768xf32, #tpu.memory_space<vmem>>, %arg9: memref<64x768xf32, #tpu.memory_space<vmem>>, %arg10: memref<64xi32, #tpu.memory_space<vmem>>, %arg11: memref<64xi32, #tpu.memory_space<vmem>>, %arg12: memref<64x16xf32, #tpu.memory_space<vmem>>, %arg13: memref<64x16xf32, #tpu.memory_space<vmem>>, %arg14: memref<!tpu.dma_semaphore, #tpu.memory_space<semaphore_mem>>) attributes {dimension_semantics = [#tpu.dimension_semantics<core_parallel>, #tpu.dimension_semantics<subcore_parallel>], iteration_bounds = array<i64: 2, 16>, scalar_prefetch = 0 : i64, scratch_operands = 7 : i64, tpu.core_type = #tpu.core_type<sc_vector_subcore>, window_params = [{transform_indices = #map}, {transform_indices = #map1}, {transform_indices = #map1}, {transform_indices = #map}, {transform_indices = #map}, {transform_indices = #map}]} {
    %mul3A = arith.constant 2 : i32
    %mul3A_0 = arith.muli %arg1, %mul3A : i32
    %add3A = arith.addi %mul3A_0, %arg0 : i32
    %mul3A_1 = arith.constant 64 : i32
    %mul3A_2 = arith.muli %add3A, %mul3A_1 : i32
    "tpu.region"() ({
      %run_scoped3A = tpu.sem_alloc : memref<!tpu.dma_semaphore, #tpu.memory_space<semaphore_mem>>
      %dma_start3A_17 = tpu.memref_slice %arg3[%mul3A_2] : memref<2048xi32, #tpu.memory_space<hbm>> -> memref<64xi32, #tpu.memory_space<hbm>>
      %dma_start3A_18 = tpu.memref_slice %arg3[%mul3A_2] : memref<2048xi32, #tpu.memory_space<hbm>> -> memref<64xi32, #tpu.memory_space<hbm>>
      tpu.enqueue_dma source(%dma_start3A_18 : memref<64xi32, #tpu.memory_space<hbm>>) target(%arg10 : memref<64xi32, #tpu.memory_space<vmem>>) target_semaphore(%run_scoped3A : memref<!tpu.dma_semaphore, #tpu.memory_space<semaphore_mem>>)
      %dma_wait3A_19 = tpu.memref_slice %arg3[%mul3A_2] : memref<2048xi32, #tpu.memory_space<hbm>> -> memref<64xi32, #tpu.memory_space<hbm>>
      %dma_wait3A_20 = tpu.memref_slice %arg3[%mul3A_2] : memref<2048xi32, #tpu.memory_space<hbm>> -> memref<64xi32, #tpu.memory_space<hbm>>
      tpu.wait_dma2 semaphore(%run_scoped3A : memref<!tpu.dma_semaphore, #tpu.memory_space<semaphore_mem>>) src(%dma_wait3A_20 : memref<64xi32, #tpu.memory_space<hbm>>) dst(%arg10 : memref<64xi32, #tpu.memory_space<vmem>>)
      tpu.yield
    }) : () -> ()
    "tpu.region"() ({
      %run_scoped3A = tpu.sem_alloc : memref<!tpu.dma_semaphore, #tpu.memory_space<semaphore_mem>>
      %dma_start3A_17 = tpu.memref_slice %arg4[%mul3A_2] : memref<2048xi32, #tpu.memory_space<hbm>> -> memref<64xi32, #tpu.memory_space<hbm>>
      %dma_start3A_18 = tpu.memref_slice %arg4[%mul3A_2] : memref<2048xi32, #tpu.memory_space<hbm>> -> memref<64xi32, #tpu.memory_space<hbm>>
      tpu.enqueue_dma source(%dma_start3A_18 : memref<64xi32, #tpu.memory_space<hbm>>) target(%arg11 : memref<64xi32, #tpu.memory_space<vmem>>) target_semaphore(%run_scoped3A : memref<!tpu.dma_semaphore, #tpu.memory_space<semaphore_mem>>)
      %dma_wait3A_19 = tpu.memref_slice %arg4[%mul3A_2] : memref<2048xi32, #tpu.memory_space<hbm>> -> memref<64xi32, #tpu.memory_space<hbm>>
      %dma_wait3A_20 = tpu.memref_slice %arg4[%mul3A_2] : memref<2048xi32, #tpu.memory_space<hbm>> -> memref<64xi32, #tpu.memory_space<hbm>>
      tpu.wait_dma2 semaphore(%run_scoped3A : memref<!tpu.dma_semaphore, #tpu.memory_space<semaphore_mem>>) src(%dma_wait3A_20 : memref<64xi32, #tpu.memory_space<hbm>>) dst(%arg11 : memref<64xi32, #tpu.memory_space<vmem>>)
      tpu.yield
    }) : () -> ()
    "tpu.region"() ({
      %run_scoped3A = tpu.sem_alloc : memref<!tpu.dma_semaphore, #tpu.memory_space<semaphore_mem>>
      %dma_start3A_17 = arith.constant 0 : i32
      %dma_start3A_18 = tpu.memref_slice %arg5[%mul3A_2, %dma_start3A_17] : memref<2048x16xf32, #tpu.memory_space<hbm>> -> memref<64x16xf32, #tpu.memory_space<hbm>>
      %dma_start3A_19 = arith.constant 0 : i32
      %dma_start3A_20 = tpu.memref_slice %arg5[%mul3A_2, %dma_start3A_19] : memref<2048x16xf32, #tpu.memory_space<hbm>> -> memref<64x16xf32, #tpu.memory_space<hbm>>
      tpu.enqueue_dma source(%dma_start3A_20 : memref<64x16xf32, #tpu.memory_space<hbm>>) target(%arg12 : memref<64x16xf32, #tpu.memory_space<vmem>>) target_semaphore(%run_scoped3A : memref<!tpu.dma_semaphore, #tpu.memory_space<semaphore_mem>>)
      %dma_wait3A_21 = arith.constant 0 : i32
      %dma_wait3A_22 = tpu.memref_slice %arg5[%mul3A_2, %dma_wait3A_21] : memref<2048x16xf32, #tpu.memory_space<hbm>> -> memref<64x16xf32, #tpu.memory_space<hbm>>
      %dma_wait3A_23 = arith.constant 0 : i32
      %dma_wait3A_24 = tpu.memref_slice %arg5[%mul3A_2, %dma_wait3A_23] : memref<2048x16xf32, #tpu.memory_space<hbm>> -> memref<64x16xf32, #tpu.memory_space<hbm>>
      tpu.wait_dma2 semaphore(%run_scoped3A : memref<!tpu.dma_semaphore, #tpu.memory_space<semaphore_mem>>) src(%dma_wait3A_24 : memref<64x16xf32, #tpu.memory_space<hbm>>) dst(%arg12 : memref<64x16xf32, #tpu.memory_space<vmem>>)
      tpu.yield
    }) : () -> ()
    "tpu.region"() ({
      %run_scoped3A = tpu.sem_alloc : memref<!tpu.dma_semaphore, #tpu.memory_space<semaphore_mem>>
      %dma_start3A_17 = arith.constant 0 : i32
      %dma_start3A_18 = tpu.memref_slice %arg6[%mul3A_2, %dma_start3A_17] : memref<2048x16xf32, #tpu.memory_space<hbm>> -> memref<64x16xf32, #tpu.memory_space<hbm>>
      %dma_start3A_19 = arith.constant 0 : i32
      %dma_start3A_20 = tpu.memref_slice %arg6[%mul3A_2, %dma_start3A_19] : memref<2048x16xf32, #tpu.memory_space<hbm>> -> memref<64x16xf32, #tpu.memory_space<hbm>>
      tpu.enqueue_dma source(%dma_start3A_20 : memref<64x16xf32, #tpu.memory_space<hbm>>) target(%arg13 : memref<64x16xf32, #tpu.memory_space<vmem>>) target_semaphore(%run_scoped3A : memref<!tpu.dma_semaphore, #tpu.memory_space<semaphore_mem>>)
      %dma_wait3A_21 = arith.constant 0 : i32
      %dma_wait3A_22 = tpu.memref_slice %arg6[%mul3A_2, %dma_wait3A_21] : memref<2048x16xf32, #tpu.memory_space<hbm>> -> memref<64x16xf32, #tpu.memory_space<hbm>>
      %dma_wait3A_23 = arith.constant 0 : i32
      %dma_wait3A_24 = tpu.memref_slice %arg6[%mul3A_2, %dma_wait3A_23] : memref<2048x16xf32, #tpu.memory_space<hbm>> -> memref<64x16xf32, #tpu.memory_space<hbm>>
      tpu.wait_dma2 semaphore(%run_scoped3A : memref<!tpu.dma_semaphore, #tpu.memory_space<semaphore_mem>>) src(%dma_wait3A_24 : memref<64x16xf32, #tpu.memory_space<hbm>>) dst(%arg13 : memref<64x16xf32, #tpu.memory_space<vmem>>)
      tpu.yield
    }) : () -> ()
    %dma_start3A = arith.constant 0 : i32
    %dma_start3A_3 = arith.constant 0 : i32
    %dma_start3A_4 = tpu.memref_slice %arg2[%dma_start3A, %dma_start3A_3] : memref<4736x768xf32, #tpu.memory_space<hbm>> -> memref<4736x768xf32, #tpu.memory_space<hbm>>
    tpu.enqueue_indirect_dma source(%dma_start3A_4 : memref<4736x768xf32, #tpu.memory_space<hbm>>) target(%arg8 : memref<64x768xf32, #tpu.memory_space<vmem>>) offsets(%arg10 : memref<64xi32, #tpu.memory_space<vmem>>) semaphore(%arg14 : memref<!tpu.dma_semaphore, #tpu.memory_space<semaphore_mem>>)
    %dma_start3A_5 = arith.constant 0 : i32
    %dma_start3A_6 = arith.constant 0 : i32
    %dma_start3A_7 = tpu.memref_slice %arg2[%dma_start3A_5, %dma_start3A_6] : memref<4736x768xf32, #tpu.memory_space<hbm>> -> memref<4736x768xf32, #tpu.memory_space<hbm>>
    tpu.enqueue_indirect_dma source(%dma_start3A_7 : memref<4736x768xf32, #tpu.memory_space<hbm>>) target(%arg9 : memref<64x768xf32, #tpu.memory_space<vmem>>) offsets(%arg11 : memref<64xi32, #tpu.memory_space<vmem>>) semaphore(%arg14 : memref<!tpu.dma_semaphore, #tpu.memory_space<semaphore_mem>>)
    %dma_wait3A = arith.constant 0 : i32
    %dma_wait3A_8 = arith.constant 0 : i32
    %dma_wait3A_9 = tpu.memref_slice %arg2[%dma_wait3A, %dma_wait3A_8] : memref<4736x768xf32, #tpu.memory_space<hbm>> -> memref<4736x768xf32, #tpu.memory_space<hbm>>
    tpu.wait_indirect_dma semaphore(%arg14 : memref<!tpu.dma_semaphore, #tpu.memory_space<semaphore_mem>>) src(%dma_wait3A_9 : memref<4736x768xf32, #tpu.memory_space<hbm>>) dst(%arg8 : memref<64x768xf32, #tpu.memory_space<vmem>>)
    %dma_wait3A_10 = arith.constant 0 : i32
    %dma_wait3A_11 = arith.constant 0 : i32
    %dma_wait3A_12 = tpu.memref_slice %arg2[%dma_wait3A_10, %dma_wait3A_11] : memref<4736x768xf32, #tpu.memory_space<hbm>> -> memref<4736x768xf32, #tpu.memory_space<hbm>>
    tpu.wait_indirect_dma semaphore(%arg14 : memref<!tpu.dma_semaphore, #tpu.memory_space<semaphore_mem>>) src(%dma_wait3A_12 : memref<4736x768xf32, #tpu.memory_space<hbm>>) dst(%arg9 : memref<64x768xf32, #tpu.memory_space<vmem>>)
    %scan3A = arith.constant 0 : i32
    %scan3A_13 = arith.constant 64 : i32
    %scan3A_14 = arith.addi %scan3A, %scan3A_13 : i32
    %scan3A_15 = arith.constant 1 : i32
    scf.for %scan3A_17 = %scan3A to %scan3A_14 step %scan3A_15  : i32 {
      %mul3A_18 = arith.constant 1 : i32
      %mul3A_19 = arith.muli %scan3A_17, %mul3A_18 : i32
      %add3A_20 = arith.constant 0 : i32
      %add3A_21 = arith.addi %add3A_20, %mul3A_19 : i32
      %get3A = arith.index_cast %add3A_21 : i32 to index
      %get3A_22 = arith.constant 0 : index
      %get3A_23 = tpu.vector_load %arg12[%get3A, %get3A_22] {strides = array<i32>} : memref<64x16xf32, #tpu.memory_space<vmem>>, vector<1x16xf32>,
      %get3A_24 = vector.shape_cast %get3A_23 : vector<1x16xf32> to vector<16xf32>
      %get3A_25 = arith.index_cast %add3A_21 : i32 to index
      %get3A_26 = arith.constant 0 : index
      %get3A_27 = tpu.vector_load %arg13[%get3A_25, %get3A_26] {strides = array<i32>} : memref<64x16xf32, #tpu.memory_space<vmem>>, vector<1x16xf32>,
      %get3A_28 = vector.shape_cast %get3A_27 : vector<1x16xf32> to vector<16xf32>
      %get3A_29 = arith.index_cast %add3A_21 : i32 to index
      %get3A_30 = arith.constant 0 : index
      %get3A_31 = tpu.vector_load %arg8[%get3A_29, %get3A_30] {strides = array<i32>} : memref<64x768xf32, #tpu.memory_space<vmem>>, vector<1x16xf32>,
      %get3A_32 = vector.shape_cast %get3A_31 : vector<1x16xf32> to vector<16xf32>
      %mul3A_33 = arith.mulf %get3A_32, %get3A_24 : vector<16xf32>
      %get3A_34 = arith.index_cast %add3A_21 : i32 to index
      %get3A_35 = arith.constant 0 : index
      %get3A_36 = tpu.vector_load %arg9[%get3A_34, %get3A_35] {strides = array<i32>} : memref<64x768xf32, #tpu.memory_space<vmem>>, vector<1x16xf32>,
      %get3A_37 = vector.shape_cast %get3A_36 : vector<1x16xf32> to vector<16xf32>
      %mul3A_38 = arith.mulf %get3A_37, %get3A_28 : vector<16xf32>
      %add3A_39 = arith.addf %mul3A_33, %mul3A_38 : vector<16xf32>
      %swap3A = arith.index_cast %add3A_21 : i32 to index
      %swap3A_40 = arith.constant 0 : index
      %swap3A_41 = tpu.vector_load %arg8[%swap3A, %swap3A_40] {strides = array<i32>} : memref<64x768xf32, #tpu.memory_space<vmem>>, vector<1x16xf32>,
      %swap3A_42 = vector.shape_cast %swap3A_41 : vector<1x16xf32> to vector<16xf32>
      %swap3A_43 = vector.shape_cast %add3A_39 : vector<16xf32> to vector<1x16xf32>
      tpu.vector_store %arg8[%swap3A, %swap3A_40], %swap3A_43 {strides = array<i32>} : memref<64x768xf32, #tpu.memory_space<vmem>>, vector<1x16xf32>,
      %get3A_44 = arith.index_cast %add3A_21 : i32 to index
      %get3A_45 = arith.constant 16 : index
      %get3A_46 = tpu.vector_load %arg8[%get3A_44, %get3A_45] {strides = array<i32>} : memref<64x768xf32, #tpu.memory_space<vmem>>, vector<1x16xf32>,
      %get3A_47 = vector.shape_cast %get3A_46 : vector<1x16xf32> to vector<16xf32>
      %mul3A_48 = arith.mulf %get3A_47, %get3A_24 : vector<16xf32>
      %get3A_49 = arith.index_cast %add3A_21 : i32 to index
      %get3A_50 = arith.constant 16 : index
      %get3A_51 = tpu.vector_load %arg9[%get3A_49, %get3A_50] {strides = array<i32>} : memref<64x768xf32, #tpu.memory_space<vmem>>, vector<1x16xf32>,
      %get3A_52 = vector.shape_cast %get3A_51 : vector<1x16xf32> to vector<16xf32>
      %mul3A_53 = arith.mulf %get3A_52, %get3A_28 : vector<16xf32>
      %add3A_54 = arith.addf %mul3A_48, %mul3A_53 : vector<16xf32>
      %swap3A_55 = arith.index_cast %add3A_21 : i32 to index
      %swap3A_56 = arith.constant 16 : index
      %swap3A_57 = tpu.vector_load %arg8[%swap3A_55, %swap3A_56] {strides = array<i32>} : memref<64x768xf32, #tpu.memory_space<vmem>>, vector<1x16xf32>,
      %swap3A_58 = vector.shape_cast %swap3A_57 : vector<1x16xf32> to vector<16xf32>
      %swap3A_59 = vector.shape_cast %add3A_54 : vector<16xf32> to vector<1x16xf32>
      tpu.vector_store %arg8[%swap3A_55, %swap3A_56], %swap3A_59 {strides = array<i32>} : memref<64x768xf32, #tpu.memory_space<vmem>>, vector<1x16xf32>,
      %get3A_60 = arith.index_cast %add3A_21 : i32 to index
      %get3A_61 = arith.constant 32 : index
      %get3A_62 = tpu.vector_load %arg8[%get3A_60, %get3A_61] {strides = array<i32>} : memref<64x768xf32, #tpu.memory_space<vmem>>, vector<1x16xf32>,
      %get3A_63 = vector.shape_cast %get3A_62 : vector<1x16xf32> to vector<16xf32>
      %mul3A_64 = arith.mulf %get3A_63, %get3A_24 : vector<16xf32>
      %get3A_65 = arith.index_cast %add3A_21 : i32 to index
      %get3A_66 = arith.constant 32 : index
      %get3A_67 = tpu.vector_load %arg9[%get3A_65, %get3A_66] {strides = array<i32>} : memref<64x768xf32, #tpu.memory_space<vmem>>, vector<1x16xf32>,
      %get3A_68 = vector.shape_cast %get3A_67 : vector<1x16xf32> to vector<16xf32>
      %mul3A_69 = arith.mulf %get3A_68, %get3A_28 : vector<16xf32>
      %add3A_70 = arith.addf %mul3A_64, %mul3A_69 : vector<16xf32>
      %swap3A_71 = arith.index_cast %add3A_21 : i32 to index
      %swap3A_72 = arith.constant 32 : index
      %swap3A_73 = tpu.vector_load %arg8[%swap3A_71, %swap3A_72] {strides = array<i32>} : memref<64x768xf32, #tpu.memory_space<vmem>>, vector<1x16xf32>,
      %swap3A_74 = vector.shape_cast %swap3A_73 : vector<1x16xf32> to vector<16xf32>
      %swap3A_75 = vector.shape_cast %add3A_70 : vector<16xf32> to vector<1x16xf32>
      tpu.vector_store %arg8[%swap3A_71, %swap3A_72], %swap3A_75 {strides = array<i32>} : memref<64x768xf32, #tpu.memory_space<vmem>>, vector<1x16xf32>,
      %get3A_76 = arith.index_cast %add3A_21 : i32 to index
      %get3A_77 = arith.constant 48 : index
      %get3A_78 = tpu.vector_load %arg8[%get3A_76, %get3A_77] {strides = array<i32>} : memref<64x768xf32, #tpu.memory_space<vmem>>, vector<1x16xf32>,
      %get3A_79 = vector.shape_cast %get3A_78 : vector<1x16xf32> to vector<16xf32>
      %mul3A_80 = arith.mulf %get3A_79, %get3A_24 : vector<16xf32>
      %get3A_81 = arith.index_cast %add3A_21 : i32 to index
      %get3A_82 = arith.constant 48 : index
      %get3A_83 = tpu.vector_load %arg9[%get3A_81, %get3A_82] {strides = array<i32>} : memref<64x768xf32, #tpu.memory_space<vmem>>, vector<1x16xf32>,
      %get3A_84 = vector.shape_cast %get3A_83 : vector<1x16xf32> to vector<16xf32>
      %mul3A_85 = arith.mulf %get3A_84, %get3A_28 : vector<16xf32>
      %add3A_86 = arith.addf %mul3A_80, %mul3A_85 : vector<16xf32>
      %swap3A_87 = arith.index_cast %add3A_21 : i32 to index
      %swap3A_88 = arith.constant 48 : index
      %swap3A_89 = tpu.vector_load %arg8[%swap3A_87, %swap3A_88] {strides = array<i32>} : memref<64x768xf32, #tpu.memory_space<vmem>>, vector<1x16xf32>,
      %swap3A_90 = vector.shape_cast %swap3A_89 : vector<1x16xf32> to vector<16xf32>
      %swap3A_91 = vector.shape_cast %add3A_86 : vector<16xf32> to vector<1x16xf32>
      tpu.vector_store %arg8[%swap3A_87, %swap3A_88], %swap3A_91 {strides = array<i32>} : memref<64x768xf32, #tpu.memory_space<vmem>>, vector<1x16xf32>,
      %get3A_92 = arith.index_cast %add3A_21 : i32 to index
      %get3A_93 = arith.constant 64 : index
      %get3A_94 = tpu.vector_load %arg8[%get3A_92, %get3A_93] {strides = array<i32>} : memref<64x768xf32, #tpu.memory_space<vmem>>, vector<1x16xf32>,
      %get3A_95 = vector.shape_cast %get3A_94 : vector<1x16xf32> to vector<16xf32>
      %mul3A_96 = arith.mulf %get3A_95, %get3A_24 : vector<16xf32>
      %get3A_97 = arith.index_cast %add3A_21 : i32 to index
      %get3A_98 = arith.constant 64 : index
      %get3A_99 = tpu.vector_load %arg9[%get3A_97, %get3A_98] {strides = array<i32>} : memref<64x768xf32, #tpu.memory_space<vmem>>, vector<1x16xf32>,
      %get3A_100 = vector.shape_cast %get3A_99 : vector<1x16xf32> to vector<16xf32>
      %mul3A_101 = arith.mulf %get3A_100, %get3A_28 : vector<16xf32>
      %add3A_102 = arith.addf %mul3A_96, %mul3A_101 : vector<16xf32>
      %swap3A_103 = arith.index_cast %add3A_21 : i32 to index
      %swap3A_104 = arith.constant 64 : index
      %swap3A_105 = tpu.vector_load %arg8[%swap3A_103, %swap3A_104] {strides = array<i32>} : memref<64x768xf32, #tpu.memory_space<vmem>>, vector<1x16xf32>,
      %swap3A_106 = vector.shape_cast %swap3A_105 : vector<1x16xf32> to vector<16xf32>
      %swap3A_107 = vector.shape_cast %add3A_102 : vector<16xf32> to vector<1x16xf32>
      tpu.vector_store %arg8[%swap3A_103, %swap3A_104], %swap3A_107 {strides = array<i32>} : memref<64x768xf32, #tpu.memory_space<vmem>>, vector<1x16xf32>,
      %get3A_108 = arith.index_cast %add3A_21 : i32 to index
      %get3A_109 = arith.constant 80 : index
      %get3A_110 = tpu.vector_load %arg8[%get3A_108, %get3A_109] {strides = array<i32>} : memref<64x768xf32, #tpu.memory_space<vmem>>, vector<1x16xf32>,
      %get3A_111 = vector.shape_cast %get3A_110 : vector<1x16xf32> to vector<16xf32>
      %mul3A_112 = arith.mulf %get3A_111, %get3A_24 : vector<16xf32>
      %get3A_113 = arith.index_cast %add3A_21 : i32 to index
      %get3A_114 = arith.constant 80 : index
      %get3A_115 = tpu.vector_load %arg9[%get3A_113, %get3A_114] {strides = array<i32>} : memref<64x768xf32, #tpu.memory_space<vmem>>, vector<1x16xf32>,
      %get3A_116 = vector.shape_cast %get3A_115 : vector<1x16xf32> to vector<16xf32>
      %mul3A_117 = arith.mulf %get3A_116, %get3A_28 : vector<16xf32>
      %add3A_118 = arith.addf %mul3A_112, %mul3A_117 : vector<16xf32>
      %swap3A_119 = arith.index_cast %add3A_21 : i32 to index
      %swap3A_120 = arith.constant 80 : index
      %swap3A_121 = tpu.vector_load %arg8[%swap3A_119, %swap3A_120] {strides = array<i32>} : memref<64x768xf32, #tpu.memory_space<vmem>>, vector<1x16xf32>,
      %swap3A_122 = vector.shape_cast %swap3A_121 : vector<1x16xf32> to vector<16xf32>
      %swap3A_123 = vector.shape_cast %add3A_118 : vector<16xf32> to vector<1x16xf32>
      tpu.vector_store %arg8[%swap3A_119, %swap3A_120], %swap3A_123 {strides = array<i32>} : memref<64x768xf32, #tpu.memory_space<vmem>>, vector<1x16xf32>,
      %get3A_124 = arith.index_cast %add3A_21 : i32 to index
      %get3A_125 = arith.constant 96 : index
      %get3A_126 = tpu.vector_load %arg8[%get3A_124, %get3A_125] {strides = array<i32>} : memref<64x768xf32, #tpu.memory_space<vmem>>, vector<1x16xf32>,
      %get3A_127 = vector.shape_cast %get3A_126 : vector<1x16xf32> to vector<16xf32>
      %mul3A_128 = arith.mulf %get3A_127, %get3A_24 : vector<16xf32>
      %get3A_129 = arith.index_cast %add3A_21 : i32 to index
      %get3A_130 = arith.constant 96 : index
      %get3A_131 = tpu.vector_load %arg9[%get3A_129, %get3A_130] {strides = array<i32>} : memref<64x768xf32, #tpu.memory_space<vmem>>, vector<1x16xf32>,
      %get3A_132 = vector.shape_cast %get3A_131 : vector<1x16xf32> to vector<16xf32>
      %mul3A_133 = arith.mulf %get3A_132, %get3A_28 : vector<16xf32>
      %add3A_134 = arith.addf %mul3A_128, %mul3A_133 : vector<16xf32>
      %swap3A_135 = arith.index_cast %add3A_21 : i32 to index
      %swap3A_136 = arith.constant 96 : index
      %swap3A_137 = tpu.vector_load %arg8[%swap3A_135, %swap3A_136] {strides = array<i32>} : memref<64x768xf32, #tpu.memory_space<vmem>>, vector<1x16xf32>,
      %swap3A_138 = vector.shape_cast %swap3A_137 : vector<1x16xf32> to vector<16xf32>
      %swap3A_139 = vector.shape_cast %add3A_134 : vector<16xf32> to vector<1x16xf32>
      tpu.vector_store %arg8[%swap3A_135, %swap3A_136], %swap3A_139 {strides = array<i32>} : memref<64x768xf32, #tpu.memory_space<vmem>>, vector<1x16xf32>,
      %get3A_140 = arith.index_cast %add3A_21 : i32 to index
      %get3A_141 = arith.constant 112 : index
      %get3A_142 = tpu.vector_load %arg8[%get3A_140, %get3A_141] {strides = array<i32>} : memref<64x768xf32, #tpu.memory_space<vmem>>, vector<1x16xf32>,
      %get3A_143 = vector.shape_cast %get3A_142 : vector<1x16xf32> to vector<16xf32>
      %mul3A_144 = arith.mulf %get3A_143, %get3A_24 : vector<16xf32>
      %get3A_145 = arith.index_cast %add3A_21 : i32 to index
      %get3A_146 = arith.constant 112 : index
      %get3A_147 = tpu.vector_load %arg9[%get3A_145, %get3A_146] {strides = array<i32>} : memref<64x768xf32, #tpu.memory_space<vmem>>, vector<1x16xf32>,
      %get3A_148 = vector.shape_cast %get3A_147 : vector<1x16xf32> to vector<16xf32>
      %mul3A_149 = arith.mulf %get3A_148, %get3A_28 : vector<16xf32>
      %add3A_150 = arith.addf %mul3A_144, %mul3A_149 : vector<16xf32>
      %swap3A_151 = arith.index_cast %add3A_21 : i32 to index
      %swap3A_152 = arith.constant 112 : index
      %swap3A_153 = tpu.vector_load %arg8[%swap3A_151, %swap3A_152] {strides = array<i32>} : memref<64x768xf32, #tpu.memory_space<vmem>>, vector<1x16xf32>,
      %swap3A_154 = vector.shape_cast %swap3A_153 : vector<1x16xf32> to vector<16xf32>
      %swap3A_155 = vector.shape_cast %add3A_150 : vector<16xf32> to vector<1x16xf32>
      tpu.vector_store %arg8[%swap3A_151, %swap3A_152], %swap3A_155 {strides = array<i32>} : memref<64x768xf32, #tpu.memory_space<vmem>>, vector<1x16xf32>,
      %get3A_156 = arith.index_cast %add3A_21 : i32 to index
      %get3A_157 = arith.constant 128 : index
      %get3A_158 = tpu.vector_load %arg8[%get3A_156, %get3A_157] {strides = array<i32>} : memref<64x768xf32, #tpu.memory_space<vmem>>, vector<1x16xf32>,
      %get3A_159 = vector.shape_cast %get3A_158 : vector<1x16xf32> to vector<16xf32>
      %mul3A_160 = arith.mulf %get3A_159, %get3A_24 : vector<16xf32>
      %get3A_161 = arith.index_cast %add3A_21 : i32 to index
      %get3A_162 = arith.constant 128 : index
      %get3A_163 = tpu.vector_load %arg9[%get3A_161, %get3A_162] {strides = array<i32>} : memref<64x768xf32, #tpu.memory_space<vmem>>, vector<1x16xf32>,
      %get3A_164 = vector.shape_cast %get3A_163 : vector<1x16xf32> to vector<16xf32>
      %mul3A_165 = arith.mulf %get3A_164, %get3A_28 : vector<16xf32>
      %add3A_166 = arith.addf %mul3A_160, %mul3A_165 : vector<16xf32>
      %swap3A_167 = arith.index_cast %add3A_21 : i32 to index
      %swap3A_168 = arith.constant 128 : index
      %swap3A_169 = tpu.vector_load %arg8[%swap3A_167, %swap3A_168] {strides = array<i32>} : memref<64x768xf32, #tpu.memory_space<vmem>>, vector<1x16xf32>,
      %swap3A_170 = vector.shape_cast %swap3A_169 : vector<1x16xf32> to vector<16xf32>
      %swap3A_171 = vector.shape_cast %add3A_166 : vector<16xf32> to vector<1x16xf32>
      tpu.vector_store %arg8[%swap3A_167, %swap3A_168], %swap3A_171 {strides = array<i32>} : memref<64x768xf32, #tpu.memory_space<vmem>>, vector<1x16xf32>,
      %get3A_172 = arith.index_cast %add3A_21 : i32 to index
      %get3A_173 = arith.constant 144 : index
      %get3A_174 = tpu.vector_load %arg8[%get3A_172, %get3A_173] {strides = array<i32>} : memref<64x768xf32, #tpu.memory_space<vmem>>, vector<1x16xf32>,
      %get3A_175 = vector.shape_cast %get3A_174 : vector<1x16xf32> to vector<16xf32>
      %mul3A_176 = arith.mulf %get3A_175, %get3A_24 : vector<16xf32>
      %get3A_177 = arith.index_cast %add3A_21 : i32 to index
      %get3A_178 = arith.constant 144 : index
      %get3A_179 = tpu.vector_load %arg9[%get3A_177, %get3A_178] {strides = array<i32>} : memref<64x768xf32, #tpu.memory_space<vmem>>, vector<1x16xf32>,
      %get3A_180 = vector.shape_cast %get3A_179 : vector<1x16xf32> to vector<16xf32>
      %mul3A_181 = arith.mulf %get3A_180, %get3A_28 : vector<16xf32>
      %add3A_182 = arith.addf %mul3A_176, %mul3A_181 : vector<16xf32>
      %swap3A_183 = arith.index_cast %add3A_21 : i32 to index
      %swap3A_184 = arith.constant 144 : index
      %swap3A_185 = tpu.vector_load %arg8[%swap3A_183, %swap3A_184] {strides = array<i32>} : memref<64x768xf32, #tpu.memory_space<vmem>>, vector<1x16xf32>,
      %swap3A_186 = vector.shape_cast %swap3A_185 : vector<1x16xf32> to vector<16xf32>
      %swap3A_187 = vector.shape_cast %add3A_182 : vector<16xf32> to vector<1x16xf32>
      tpu.vector_store %arg8[%swap3A_183, %swap3A_184], %swap3A_187 {strides = array<i32>} : memref<64x768xf32, #tpu.memory_space<vmem>>, vector<1x16xf32>,
      %get3A_188 = arith.index_cast %add3A_21 : i32 to index
      %get3A_189 = arith.constant 160 : index
      %get3A_190 = tpu.vector_load %arg8[%get3A_188, %get3A_189] {strides = array<i32>} : memref<64x768xf32, #tpu.memory_space<vmem>>, vector<1x16xf32>,
      %get3A_191 = vector.shape_cast %get3A_190 : vector<1x16xf32> to vector<16xf32>
      %mul3A_192 = arith.mulf %get3A_191, %get3A_24 : vector<16xf32>
      %get3A_193 = arith.index_cast %add3A_21 : i32 to index
      %get3A_194 = arith.constant 160 : index
      %get3A_195 = tpu.vector_load %arg9[%get3A_193, %get3A_194] {strides = array<i32>} : memref<64x768xf32, #tpu.memory_space<vmem>>, vector<1x16xf32>,
      %get3A_196 = vector.shape_cast %get3A_195 : vector<1x16xf32> to vector<16xf32>
      %mul3A_197 = arith.mulf %get3A_196, %get3A_28 : vector<16xf32>
      %add3A_198 = arith.addf %mul3A_192, %mul3A_197 : vector<16xf32>
      %swap3A_199 = arith.index_cast %add3A_21 : i32 to index
      %swap3A_200 = arith.constant 160 : index
      %swap3A_201 = tpu.vector_load %arg8[%swap3A_199, %swap3A_200] {strides = array<i32>} : memref<64x768xf32, #tpu.memory_space<vmem>>, vector<1x16xf32>,
      %swap3A_202 = vector.shape_cast %swap3A_201 : vector<1x16xf32> to vector<16xf32>
      %swap3A_203 = vector.shape_cast %add3A_198 : vector<16xf32> to vector<1x16xf32>
      tpu.vector_store %arg8[%swap3A_199, %swap3A_200], %swap3A_203 {strides = array<i32>} : memref<64x768xf32, #tpu.memory_space<vmem>>, vector<1x16xf32>,
      %get3A_204 = arith.index_cast %add3A_21 : i32 to index
      %get3A_205 = arith.constant 176 : index
      %get3A_206 = tpu.vector_load %arg8[%get3A_204, %get3A_205] {strides = array<i32>} : memref<64x768xf32, #tpu.memory_space<vmem>>, vector<1x16xf32>,
      %get3A_207 = vector.shape_cast %get3A_206 : vector<1x16xf32> to vector<16xf32>
      %mul3A_208 = arith.mulf %get3A_207, %get3A_24 : vector<16xf32>
      %get3A_209 = arith.index_cast %add3A_21 : i32 to index
      %get3A_210 = arith.constant 176 : index
      %get3A_211 = tpu.vector_load %arg9[%get3A_209, %get3A_210] {strides = array<i32>} : memref<64x768xf32, #tpu.memory_space<vmem>>, vector<1x16xf32>,
      %get3A_212 = vector.shape_cast %get3A_211 : vector<1x16xf32> to vector<16xf32>
      %mul3A_213 = arith.mulf %get3A_212, %get3A_28 : vector<16xf32>
      %add3A_214 = arith.addf %mul3A_208, %mul3A_213 : vector<16xf32>
      %swap3A_215 = arith.index_cast %add3A_21 : i32 to index
      %swap3A_216 = arith.constant 176 : index
      %swap3A_217 = tpu.vector_load %arg8[%swap3A_215, %swap3A_216] {strides = array<i32>} : memref<64x768xf32, #tpu.memory_space<vmem>>, vector<1x16xf32>,
      %swap3A_218 = vector.shape_cast %swap3A_217 : vector<1x16xf32> to vector<16xf32>
      %swap3A_219 = vector.shape_cast %add3A_214 : vector<16xf32> to vector<1x16xf32>
      tpu.vector_store %arg8[%swap3A_215, %swap3A_216], %swap3A_219 {strides = array<i32>} : memref<64x768xf32, #tpu.memory_space<vmem>>, vector<1x16xf32>,
      %get3A_220 = arith.index_cast %add3A_21 : i32 to index
      %get3A_221 = arith.constant 192 : index
      %get3A_222 = tpu.vector_load %arg8[%get3A_220, %get3A_221] {strides = array<i32>} : memref<64x768xf32, #tpu.memory_space<vmem>>, vector<1x16xf32>,
      %get3A_223 = vector.shape_cast %get3A_222 : vector<1x16xf32> to vector<16xf32>
      %mul3A_224 = arith.mulf %get3A_223, %get3A_24 : vector<16xf32>
      %get3A_225 = arith.index_cast %add3A_21 : i32 to index
      %get3A_226 = arith.constant 192 : index
      %get3A_227 = tpu.vector_load %arg9[%get3A_225, %get3A_226] {strides = array<i32>} : memref<64x768xf32, #tpu.memory_space<vmem>>, vector<1x16xf32>,
      %get3A_228 = vector.shape_cast %get3A_227 : vector<1x16xf32> to vector<16xf32>
      %mul3A_229 = arith.mulf %get3A_228, %get3A_28 : vector<16xf32>
      %add3A_230 = arith.addf %mul3A_224, %mul3A_229 : vector<16xf32>
      %swap3A_231 = arith.index_cast %add3A_21 : i32 to index
      %swap3A_232 = arith.constant 192 : index
      %swap3A_233 = tpu.vector_load %arg8[%swap3A_231, %swap3A_232] {strides = array<i32>} : memref<64x768xf32, #tpu.memory_space<vmem>>, vector<1x16xf32>,
      %swap3A_234 = vector.shape_cast %swap3A_233 : vector<1x16xf32> to vector<16xf32>
      %swap3A_235 = vector.shape_cast %add3A_230 : vector<16xf32> to vector<1x16xf32>
      tpu.vector_store %arg8[%swap3A_231, %swap3A_232], %swap3A_235 {strides = array<i32>} : memref<64x768xf32, #tpu.memory_space<vmem>>, vector<1x16xf32>,
      %get3A_236 = arith.index_cast %add3A_21 : i32 to index
      %get3A_237 = arith.constant 208 : index
      %get3A_238 = tpu.vector_load %arg8[%get3A_236, %get3A_237] {strides = array<i32>} : memref<64x768xf32, #tpu.memory_space<vmem>>, vector<1x16xf32>,
      %get3A_239 = vector.shape_cast %get3A_238 : vector<1x16xf32> to vector<16xf32>
      %mul3A_240 = arith.mulf %get3A_239, %get3A_24 : vector<16xf32>
      %get3A_241 = arith.index_cast %add3A_21 : i32 to index
      %get3A_242 = arith.constant 208 : index
      %get3A_243 = tpu.vector_load %arg9[%get3A_241, %get3A_242] {strides = array<i32>} : memref<64x768xf32, #tpu.memory_space<vmem>>, vector<1x16xf32>,
      %get3A_244 = vector.shape_cast %get3A_243 : vector<1x16xf32> to vector<16xf32>
      %mul3A_245 = arith.mulf %get3A_244, %get3A_28 : vector<16xf32>
      %add3A_246 = arith.addf %mul3A_240, %mul3A_245 : vector<16xf32>
      %swap3A_247 = arith.index_cast %add3A_21 : i32 to index
      %swap3A_248 = arith.constant 208 : index
      %swap3A_249 = tpu.vector_load %arg8[%swap3A_247, %swap3A_248] {strides = array<i32>} : memref<64x768xf32, #tpu.memory_space<vmem>>, vector<1x16xf32>,
      %swap3A_250 = vector.shape_cast %swap3A_249 : vector<1x16xf32> to vector<16xf32>
      %swap3A_251 = vector.shape_cast %add3A_246 : vector<16xf32> to vector<1x16xf32>
      tpu.vector_store %arg8[%swap3A_247, %swap3A_248], %swap3A_251 {strides = array<i32>} : memref<64x768xf32, #tpu.memory_space<vmem>>, vector<1x16xf32>,
      %get3A_252 = arith.index_cast %add3A_21 : i32 to index
      %get3A_253 = arith.constant 224 : index
      %get3A_254 = tpu.vector_load %arg8[%get3A_252, %get3A_253] {strides = array<i32>} : memref<64x768xf32, #tpu.memory_space<vmem>>, vector<1x16xf32>,
      %get3A_255 = vector.shape_cast %get3A_254 : vector<1x16xf32> to vector<16xf32>
      %mul3A_256 = arith.mulf %get3A_255, %get3A_24 : vector<16xf32>
      %get3A_257 = arith.index_cast %add3A_21 : i32 to index
      %get3A_258 = arith.constant 224 : index
      %get3A_259 = tpu.vector_load %arg9[%get3A_257, %get3A_258] {strides = array<i32>} : memref<64x768xf32, #tpu.memory_space<vmem>>, vector<1x16xf32>,
      %get3A_260 = vector.shape_cast %get3A_259 : vector<1x16xf32> to vector<16xf32>
      %mul3A_261 = arith.mulf %get3A_260, %get3A_28 : vector<16xf32>
      %add3A_262 = arith.addf %mul3A_256, %mul3A_261 : vector<16xf32>
      %swap3A_263 = arith.index_cast %add3A_21 : i32 to index
      %swap3A_264 = arith.constant 224 : index
      %swap3A_265 = tpu.vector_load %arg8[%swap3A_263, %swap3A_264] {strides = array<i32>} : memref<64x768xf32, #tpu.memory_space<vmem>>, vector<1x16xf32>,
      %swap3A_266 = vector.shape_cast %swap3A_265 : vector<1x16xf32> to vector<16xf32>
      %swap3A_267 = vector.shape_cast %add3A_262 : vector<16xf32> to vector<1x16xf32>
      tpu.vector_store %arg8[%swap3A_263, %swap3A_264], %swap3A_267 {strides = array<i32>} : memref<64x768xf32, #tpu.memory_space<vmem>>, vector<1x16xf32>,
      %get3A_268 = arith.index_cast %add3A_21 : i32 to index
      %get3A_269 = arith.constant 240 : index
      %get3A_270 = tpu.vector_load %arg8[%get3A_268, %get3A_269] {strides = array<i32>} : memref<64x768xf32, #tpu.memory_space<vmem>>, vector<1x16xf32>,
      %get3A_271 = vector.shape_cast %get3A_270 : vector<1x16xf32> to vector<16xf32>
      %mul3A_272 = arith.mulf %get3A_271, %get3A_24 : vector<16xf32>
      %get3A_273 = arith.index_cast %add3A_21 : i32 to index
      %get3A_274 = arith.constant 240 : index
      %get3A_275 = tpu.vector_load %arg9[%get3A_273, %get3A_274] {strides = array<i32>} : memref<64x768xf32, #tpu.memory_space<vmem>>, vector<1x16xf32>,
      %get3A_276 = vector.shape_cast %get3A_275 : vector<1x16xf32> to vector<16xf32>
      %mul3A_277 = arith.mulf %get3A_276, %get3A_28 : vector<16xf32>
      %add3A_278 = arith.addf %mul3A_272, %mul3A_277 : vector<16xf32>
      %swap3A_279 = arith.index_cast %add3A_21 : i32 to index
      %swap3A_280 = arith.constant 240 : index
      %swap3A_281 = tpu.vector_load %arg8[%swap3A_279, %swap3A_280] {strides = array<i32>} : memref<64x768xf32, #tpu.memory_space<vmem>>, vector<1x16xf32>,
      %swap3A_282 = vector.shape_cast %swap3A_281 : vector<1x16xf32> to vector<16xf32>
      %swap3A_283 = vector.shape_cast %add3A_278 : vector<16xf32> to vector<1x16xf32>
      tpu.vector_store %arg8[%swap3A_279, %swap3A_280], %swap3A_283 {strides = array<i32>} : memref<64x768xf32, #tpu.memory_space<vmem>>, vector<1x16xf32>,
      %get3A_284 = arith.index_cast %add3A_21 : i32 to index
      %get3A_285 = arith.constant 256 : index
      %get3A_286 = tpu.vector_load %arg8[%get3A_284, %get3A_285] {strides = array<i32>} : memref<64x768xf32, #tpu.memory_space<vmem>>, vector<1x16xf32>,
      %get3A_287 = vector.shape_cast %get3A_286 : vector<1x16xf32> to vector<16xf32>
      %mul3A_288 = arith.mulf %get3A_287, %get3A_24 : vector<16xf32>
      %get3A_289 = arith.index_cast %add3A_21 : i32 to index
      %get3A_290 = arith.constant 256 : index
      %get3A_291 = tpu.vector_load %arg9[%get3A_289, %get3A_290] {strides = array<i32>} : memref<64x768xf32, #tpu.memory_space<vmem>>, vector<1x16xf32>,
      %get3A_292 = vector.shape_cast %get3A_291 : vector<1x16xf32> to vector<16xf32>
      %mul3A_293 = arith.mulf %get3A_292, %get3A_28 : vector<16xf32>
      %add3A_294 = arith.addf %mul3A_288, %mul3A_293 : vector<16xf32>
      %swap3A_295 = arith.index_cast %add3A_21 : i32 to index
      %swap3A_296 = arith.constant 256 : index
      %swap3A_297 = tpu.vector_load %arg8[%swap3A_295, %swap3A_296] {strides = array<i32>} : memref<64x768xf32, #tpu.memory_space<vmem>>, vector<1x16xf32>,
      %swap3A_298 = vector.shape_cast %swap3A_297 : vector<1x16xf32> to vector<16xf32>
      %swap3A_299 = vector.shape_cast %add3A_294 : vector<16xf32> to vector<1x16xf32>
      tpu.vector_store %arg8[%swap3A_295, %swap3A_296], %swap3A_299 {strides = array<i32>} : memref<64x768xf32, #tpu.memory_space<vmem>>, vector<1x16xf32>,
      %get3A_300 = arith.index_cast %add3A_21 : i32 to index
      %get3A_301 = arith.constant 272 : index
      %get3A_302 = tpu.vector_load %arg8[%get3A_300, %get3A_301] {strides = array<i32>} : memref<64x768xf32, #tpu.memory_space<vmem>>, vector<1x16xf32>,
      %get3A_303 = vector.shape_cast %get3A_302 : vector<1x16xf32> to vector<16xf32>
      %mul3A_304 = arith.mulf %get3A_303, %get3A_24 : vector<16xf32>
      %get3A_305 = arith.index_cast %add3A_21 : i32 to index
      %get3A_306 = arith.constant 272 : index
      %get3A_307 = tpu.vector_load %arg9[%get3A_305, %get3A_306] {strides = array<i32>} : memref<64x768xf32, #tpu.memory_space<vmem>>, vector<1x16xf32>,
      %get3A_308 = vector.shape_cast %get3A_307 : vector<1x16xf32> to vector<16xf32>
      %mul3A_309 = arith.mulf %get3A_308, %get3A_28 : vector<16xf32>
      %add3A_310 = arith.addf %mul3A_304, %mul3A_309 : vector<16xf32>
      %swap3A_311 = arith.index_cast %add3A_21 : i32 to index
      %swap3A_312 = arith.constant 272 : index
      %swap3A_313 = tpu.vector_load %arg8[%swap3A_311, %swap3A_312] {strides = array<i32>} : memref<64x768xf32, #tpu.memory_space<vmem>>, vector<1x16xf32>,
      %swap3A_314 = vector.shape_cast %swap3A_313 : vector<1x16xf32> to vector<16xf32>
      %swap3A_315 = vector.shape_cast %add3A_310 : vector<16xf32> to vector<1x16xf32>
      tpu.vector_store %arg8[%swap3A_311, %swap3A_312], %swap3A_315 {strides = array<i32>} : memref<64x768xf32, #tpu.memory_space<vmem>>, vector<1x16xf32>,
      %get3A_316 = arith.index_cast %add3A_21 : i32 to index
      %get3A_317 = arith.constant 288 : index
      %get3A_318 = tpu.vector_load %arg8[%get3A_316, %get3A_317] {strides = array<i32>} : memref<64x768xf32, #tpu.memory_space<vmem>>, vector<1x16xf32>,
      %get3A_319 = vector.shape_cast %get3A_318 : vector<1x16xf32> to vector<16xf32>
      %mul3A_320 = arith.mulf %get3A_319, %get3A_24 : vector<16xf32>
      %get3A_321 = arith.index_cast %add3A_21 : i32 to index
      %get3A_322 = arith.constant 288 : index
      %get3A_323 = tpu.vector_load %arg9[%get3A_321, %get3A_322] {strides = array<i32>} : memref<64x768xf32, #tpu.memory_space<vmem>>, vector<1x16xf32>,
      %get3A_324 = vector.shape_cast %get3A_323 : vector<1x16xf32> to vector<16xf32>
      %mul3A_325 = arith.mulf %get3A_324, %get3A_28 : vector<16xf32>
      %add3A_326 = arith.addf %mul3A_320, %mul3A_325 : vector<16xf32>
      %swap3A_327 = arith.index_cast %add3A_21 : i32 to index
      %swap3A_328 = arith.constant 288 : index
      %swap3A_329 = tpu.vector_load %arg8[%swap3A_327, %swap3A_328] {strides = array<i32>} : memref<64x768xf32, #tpu.memory_space<vmem>>, vector<1x16xf32>,
      %swap3A_330 = vector.shape_cast %swap3A_329 : vector<1x16xf32> to vector<16xf32>
      %swap3A_331 = vector.shape_cast %add3A_326 : vector<16xf32> to vector<1x16xf32>
      tpu.vector_store %arg8[%swap3A_327, %swap3A_328], %swap3A_331 {strides = array<i32>} : memref<64x768xf32, #tpu.memory_space<vmem>>, vector<1x16xf32>,
      %get3A_332 = arith.index_cast %add3A_21 : i32 to index
      %get3A_333 = arith.constant 304 : index
      %get3A_334 = tpu.vector_load %arg8[%get3A_332, %get3A_333] {strides = array<i32>} : memref<64x768xf32, #tpu.memory_space<vmem>>, vector<1x16xf32>,
      %get3A_335 = vector.shape_cast %get3A_334 : vector<1x16xf32> to vector<16xf32>
      %mul3A_336 = arith.mulf %get3A_335, %get3A_24 : vector<16xf32>
      %get3A_337 = arith.index_cast %add3A_21 : i32 to index
      %get3A_338 = arith.constant 304 : index
      %get3A_339 = tpu.vector_load %arg9[%get3A_337, %get3A_338] {strides = array<i32>} : memref<64x768xf32, #tpu.memory_space<vmem>>, vector<1x16xf32>,
      %get3A_340 = vector.shape_cast %get3A_339 : vector<1x16xf32> to vector<16xf32>
      %mul3A_341 = arith.mulf %get3A_340, %get3A_28 : vector<16xf32>
      %add3A_342 = arith.addf %mul3A_336, %mul3A_341 : vector<16xf32>
      %swap3A_343 = arith.index_cast %add3A_21 : i32 to index
      %swap3A_344 = arith.constant 304 : index
      %swap3A_345 = tpu.vector_load %arg8[%swap3A_343, %swap3A_344] {strides = array<i32>} : memref<64x768xf32, #tpu.memory_space<vmem>>, vector<1x16xf32>,
      %swap3A_346 = vector.shape_cast %swap3A_345 : vector<1x16xf32> to vector<16xf32>
      %swap3A_347 = vector.shape_cast %add3A_342 : vector<16xf32> to vector<1x16xf32>
      tpu.vector_store %arg8[%swap3A_343, %swap3A_344], %swap3A_347 {strides = array<i32>} : memref<64x768xf32, #tpu.memory_space<vmem>>, vector<1x16xf32>,
      %get3A_348 = arith.index_cast %add3A_21 : i32 to index
      %get3A_349 = arith.constant 320 : index
      %get3A_350 = tpu.vector_load %arg8[%get3A_348, %get3A_349] {strides = array<i32>} : memref<64x768xf32, #tpu.memory_space<vmem>>, vector<1x16xf32>,
      %get3A_351 = vector.shape_cast %get3A_350 : vector<1x16xf32> to vector<16xf32>
      %mul3A_352 = arith.mulf %get3A_351, %get3A_24 : vector<16xf32>
      %get3A_353 = arith.index_cast %add3A_21 : i32 to index
      %get3A_354 = arith.constant 320 : index
      %get3A_355 = tpu.vector_load %arg9[%get3A_353, %get3A_354] {strides = array<i32>} : memref<64x768xf32, #tpu.memory_space<vmem>>, vector<1x16xf32>,
      %get3A_356 = vector.shape_cast %get3A_355 : vector<1x16xf32> to vector<16xf32>
      %mul3A_357 = arith.mulf %get3A_356, %get3A_28 : vector<16xf32>
      %add3A_358 = arith.addf %mul3A_352, %mul3A_357 : vector<16xf32>
      %swap3A_359 = arith.index_cast %add3A_21 : i32 to index
      %swap3A_360 = arith.constant 320 : index
      %swap3A_361 = tpu.vector_load %arg8[%swap3A_359, %swap3A_360] {strides = array<i32>} : memref<64x768xf32, #tpu.memory_space<vmem>>, vector<1x16xf32>,
      %swap3A_362 = vector.shape_cast %swap3A_361 : vector<1x16xf32> to vector<16xf32>
      %swap3A_363 = vector.shape_cast %add3A_358 : vector<16xf32> to vector<1x16xf32>
      tpu.vector_store %arg8[%swap3A_359, %swap3A_360], %swap3A_363 {strides = array<i32>} : memref<64x768xf32, #tpu.memory_space<vmem>>, vector<1x16xf32>,
      %get3A_364 = arith.index_cast %add3A_21 : i32 to index
      %get3A_365 = arith.constant 336 : index
      %get3A_366 = tpu.vector_load %arg8[%get3A_364, %get3A_365] {strides = array<i32>} : memref<64x768xf32, #tpu.memory_space<vmem>>, vector<1x16xf32>,
      %get3A_367 = vector.shape_cast %get3A_366 : vector<1x16xf32> to vector<16xf32>
      %mul3A_368 = arith.mulf %get3A_367, %get3A_24 : vector<16xf32>
      %get3A_369 = arith.index_cast %add3A_21 : i32 to index
      %get3A_370 = arith.constant 336 : index
      %get3A_371 = tpu.vector_load %arg9[%get3A_369, %get3A_370] {strides = array<i32>} : memref<64x768xf32, #tpu.memory_space<vmem>>, vector<1x16xf32>,
      %get3A_372 = vector.shape_cast %get3A_371 : vector<1x16xf32> to vector<16xf32>
      %mul3A_373 = arith.mulf %get3A_372, %get3A_28 : vector<16xf32>
      %add3A_374 = arith.addf %mul3A_368, %mul3A_373 : vector<16xf32>
      %swap3A_375 = arith.index_cast %add3A_21 : i32 to index
      %swap3A_376 = arith.constant 336 : index
      %swap3A_377 = tpu.vector_load %arg8[%swap3A_375, %swap3A_376] {strides = array<i32>} : memref<64x768xf32, #tpu.memory_space<vmem>>, vector<1x16xf32>,
      %swap3A_378 = vector.shape_cast %swap3A_377 : vector<1x16xf32> to vector<16xf32>
      %swap3A_379 = vector.shape_cast %add3A_374 : vector<16xf32> to vector<1x16xf32>
      tpu.vector_store %arg8[%swap3A_375, %swap3A_376], %swap3A_379 {strides = array<i32>} : memref<64x768xf32, #tpu.memory_space<vmem>>, vector<1x16xf32>,
      %get3A_380 = arith.index_cast %add3A_21 : i32 to index
      %get3A_381 = arith.constant 352 : index
      %get3A_382 = tpu.vector_load %arg8[%get3A_380, %get3A_381] {strides = array<i32>} : memref<64x768xf32, #tpu.memory_space<vmem>>, vector<1x16xf32>,
      %get3A_383 = vector.shape_cast %get3A_382 : vector<1x16xf32> to vector<16xf32>
      %mul3A_384 = arith.mulf %get3A_383, %get3A_24 : vector<16xf32>
      %get3A_385 = arith.index_cast %add3A_21 : i32 to index
      %get3A_386 = arith.constant 352 : index
      %get3A_387 = tpu.vector_load %arg9[%get3A_385, %get3A_386] {strides = array<i32>} : memref<64x768xf32, #tpu.memory_space<vmem>>, vector<1x16xf32>,
      %get3A_388 = vector.shape_cast %get3A_387 : vector<1x16xf32> to vector<16xf32>
      %mul3A_389 = arith.mulf %get3A_388, %get3A_28 : vector<16xf32>
      %add3A_390 = arith.addf %mul3A_384, %mul3A_389 : vector<16xf32>
      %swap3A_391 = arith.index_cast %add3A_21 : i32 to index
      %swap3A_392 = arith.constant 352 : index
      %swap3A_393 = tpu.vector_load %arg8[%swap3A_391, %swap3A_392] {strides = array<i32>} : memref<64x768xf32, #tpu.memory_space<vmem>>, vector<1x16xf32>,
      %swap3A_394 = vector.shape_cast %swap3A_393 : vector<1x16xf32> to vector<16xf32>
      %swap3A_395 = vector.shape_cast %add3A_390 : vector<16xf32> to vector<1x16xf32>
      tpu.vector_store %arg8[%swap3A_391, %swap3A_392], %swap3A_395 {strides = array<i32>} : memref<64x768xf32, #tpu.memory_space<vmem>>, vector<1x16xf32>,
      %get3A_396 = arith.index_cast %add3A_21 : i32 to index
      %get3A_397 = arith.constant 368 : index
      %get3A_398 = tpu.vector_load %arg8[%get3A_396, %get3A_397] {strides = array<i32>} : memref<64x768xf32, #tpu.memory_space<vmem>>, vector<1x16xf32>,
      %get3A_399 = vector.shape_cast %get3A_398 : vector<1x16xf32> to vector<16xf32>
      %mul3A_400 = arith.mulf %get3A_399, %get3A_24 : vector<16xf32>
      %get3A_401 = arith.index_cast %add3A_21 : i32 to index
      %get3A_402 = arith.constant 368 : index
      %get3A_403 = tpu.vector_load %arg9[%get3A_401, %get3A_402] {strides = array<i32>} : memref<64x768xf32, #tpu.memory_space<vmem>>, vector<1x16xf32>,
      %get3A_404 = vector.shape_cast %get3A_403 : vector<1x16xf32> to vector<16xf32>
      %mul3A_405 = arith.mulf %get3A_404, %get3A_28 : vector<16xf32>
      %add3A_406 = arith.addf %mul3A_400, %mul3A_405 : vector<16xf32>
      %swap3A_407 = arith.index_cast %add3A_21 : i32 to index
      %swap3A_408 = arith.constant 368 : index
      %swap3A_409 = tpu.vector_load %arg8[%swap3A_407, %swap3A_408] {strides = array<i32>} : memref<64x768xf32, #tpu.memory_space<vmem>>, vector<1x16xf32>,
      %swap3A_410 = vector.shape_cast %swap3A_409 : vector<1x16xf32> to vector<16xf32>
      %swap3A_411 = vector.shape_cast %add3A_406 : vector<16xf32> to vector<1x16xf32>
      tpu.vector_store %arg8[%swap3A_407, %swap3A_408], %swap3A_411 {strides = array<i32>} : memref<64x768xf32, #tpu.memory_space<vmem>>, vector<1x16xf32>,
      %get3A_412 = arith.index_cast %add3A_21 : i32 to index
      %get3A_413 = arith.constant 384 : index
      %get3A_414 = tpu.vector_load %arg8[%get3A_412, %get3A_413] {strides = array<i32>} : memref<64x768xf32, #tpu.memory_space<vmem>>, vector<1x16xf32>,
      %get3A_415 = vector.shape_cast %get3A_414 : vector<1x16xf32> to vector<16xf32>
      %mul3A_416 = arith.mulf %get3A_415, %get3A_24 : vector<16xf32>
      %get3A_417 = arith.index_cast %add3A_21 : i32 to index
      %get3A_418 = arith.constant 384 : index
      %get3A_419 = tpu.vector_load %arg9[%get3A_417, %get3A_418] {strides = array<i32>} : memref<64x768xf32, #tpu.memory_space<vmem>>, vector<1x16xf32>,
      %get3A_420 = vector.shape_cast %get3A_419 : vector<1x16xf32> to vector<16xf32>
      %mul3A_421 = arith.mulf %get3A_420, %get3A_28 : vector<16xf32>
      %add3A_422 = arith.addf %mul3A_416, %mul3A_421 : vector<16xf32>
      %swap3A_423 = arith.index_cast %add3A_21 : i32 to index
      %swap3A_424 = arith.constant 384 : index
      %swap3A_425 = tpu.vector_load %arg8[%swap3A_423, %swap3A_424] {strides = array<i32>} : memref<64x768xf32, #tpu.memory_space<vmem>>, vector<1x16xf32>,
      %swap3A_426 = vector.shape_cast %swap3A_425 : vector<1x16xf32> to vector<16xf32>
      %swap3A_427 = vector.shape_cast %add3A_422 : vector<16xf32> to vector<1x16xf32>
      tpu.vector_store %arg8[%swap3A_423, %swap3A_424], %swap3A_427 {strides = array<i32>} : memref<64x768xf32, #tpu.memory_space<vmem>>, vector<1x16xf32>,
      %get3A_428 = arith.index_cast %add3A_21 : i32 to index
      %get3A_429 = arith.constant 400 : index
      %get3A_430 = tpu.vector_load %arg8[%get3A_428, %get3A_429] {strides = array<i32>} : memref<64x768xf32, #tpu.memory_space<vmem>>, vector<1x16xf32>,
      %get3A_431 = vector.shape_cast %get3A_430 : vector<1x16xf32> to vector<16xf32>
      %mul3A_432 = arith.mulf %get3A_431, %get3A_24 : vector<16xf32>
      %get3A_433 = arith.index_cast %add3A_21 : i32 to index
      %get3A_434 = arith.constant 400 : index
      %get3A_435 = tpu.vector_load %arg9[%get3A_433, %get3A_434] {strides = array<i32>} : memref<64x768xf32, #tpu.memory_space<vmem>>, vector<1x16xf32>,
      %get3A_436 = vector.shape_cast %get3A_435 : vector<1x16xf32> to vector<16xf32>
      %mul3A_437 = arith.mulf %get3A_436, %get3A_28 : vector<16xf32>
      %add3A_438 = arith.addf %mul3A_432, %mul3A_437 : vector<16xf32>
      %swap3A_439 = arith.index_cast %add3A_21 : i32 to index
      %swap3A_440 = arith.constant 400 : index
      %swap3A_441 = tpu.vector_load %arg8[%swap3A_439, %swap3A_440] {strides = array<i32>} : memref<64x768xf32, #tpu.memory_space<vmem>>, vector<1x16xf32>,
      %swap3A_442 = vector.shape_cast %swap3A_441 : vector<1x16xf32> to vector<16xf32>
      %swap3A_443 = vector.shape_cast %add3A_438 : vector<16xf32> to vector<1x16xf32>
      tpu.vector_store %arg8[%swap3A_439, %swap3A_440], %swap3A_443 {strides = array<i32>} : memref<64x768xf32, #tpu.memory_space<vmem>>, vector<1x16xf32>,
      %get3A_444 = arith.index_cast %add3A_21 : i32 to index
      %get3A_445 = arith.constant 416 : index
      %get3A_446 = tpu.vector_load %arg8[%get3A_444, %get3A_445] {strides = array<i32>} : memref<64x768xf32, #tpu.memory_space<vmem>>, vector<1x16xf32>,
      %get3A_447 = vector.shape_cast %get3A_446 : vector<1x16xf32> to vector<16xf32>
      %mul3A_448 = arith.mulf %get3A_447, %get3A_24 : vector<16xf32>
      %get3A_449 = arith.index_cast %add3A_21 : i32 to index
      %get3A_450 = arith.constant 416 : index
      %get3A_451 = tpu.vector_load %arg9[%get3A_449, %get3A_450] {strides = array<i32>} : memref<64x768xf32, #tpu.memory_space<vmem>>, vector<1x16xf32>,
      %get3A_452 = vector.shape_cast %get3A_451 : vector<1x16xf32> to vector<16xf32>
      %mul3A_453 = arith.mulf %get3A_452, %get3A_28 : vector<16xf32>
      %add3A_454 = arith.addf %mul3A_448, %mul3A_453 : vector<16xf32>
      %swap3A_455 = arith.index_cast %add3A_21 : i32 to index
      %swap3A_456 = arith.constant 416 : index
      %swap3A_457 = tpu.vector_load %arg8[%swap3A_455, %swap3A_456] {strides = array<i32>} : memref<64x768xf32, #tpu.memory_space<vmem>>, vector<1x16xf32>,
      %swap3A_458 = vector.shape_cast %swap3A_457 : vector<1x16xf32> to vector<16xf32>
      %swap3A_459 = vector.shape_cast %add3A_454 : vector<16xf32> to vector<1x16xf32>
      tpu.vector_store %arg8[%swap3A_455, %swap3A_456], %swap3A_459 {strides = array<i32>} : memref<64x768xf32, #tpu.memory_space<vmem>>, vector<1x16xf32>,
      %get3A_460 = arith.index_cast %add3A_21 : i32 to index
      %get3A_461 = arith.constant 432 : index
      %get3A_462 = tpu.vector_load %arg8[%get3A_460, %get3A_461] {strides = array<i32>} : memref<64x768xf32, #tpu.memory_space<vmem>>, vector<1x16xf32>,
      %get3A_463 = vector.shape_cast %get3A_462 : vector<1x16xf32> to vector<16xf32>
      %mul3A_464 = arith.mulf %get3A_463, %get3A_24 : vector<16xf32>
      %get3A_465 = arith.index_cast %add3A_21 : i32 to index
      %get3A_466 = arith.constant 432 : index
      %get3A_467 = tpu.vector_load %arg9[%get3A_465, %get3A_466] {strides = array<i32>} : memref<64x768xf32, #tpu.memory_space<vmem>>, vector<1x16xf32>,
      %get3A_468 = vector.shape_cast %get3A_467 : vector<1x16xf32> to vector<16xf32>
      %mul3A_469 = arith.mulf %get3A_468, %get3A_28 : vector<16xf32>
      %add3A_470 = arith.addf %mul3A_464, %mul3A_469 : vector<16xf32>
      %swap3A_471 = arith.index_cast %add3A_21 : i32 to index
      %swap3A_472 = arith.constant 432 : index
      %swap3A_473 = tpu.vector_load %arg8[%swap3A_471, %swap3A_472] {strides = array<i32>} : memref<64x768xf32, #tpu.memory_space<vmem>>, vector<1x16xf32>,
      %swap3A_474 = vector.shape_cast %swap3A_473 : vector<1x16xf32> to vector<16xf32>
      %swap3A_475 = vector.shape_cast %add3A_470 : vector<16xf32> to vector<1x16xf32>
      tpu.vector_store %arg8[%swap3A_471, %swap3A_472], %swap3A_475 {strides = array<i32>} : memref<64x768xf32, #tpu.memory_space<vmem>>, vector<1x16xf32>,
      %get3A_476 = arith.index_cast %add3A_21 : i32 to index
      %get3A_477 = arith.constant 448 : index
      %get3A_478 = tpu.vector_load %arg8[%get3A_476, %get3A_477] {strides = array<i32>} : memref<64x768xf32, #tpu.memory_space<vmem>>, vector<1x16xf32>,
      %get3A_479 = vector.shape_cast %get3A_478 : vector<1x16xf32> to vector<16xf32>
      %mul3A_480 = arith.mulf %get3A_479, %get3A_24 : vector<16xf32>
      %get3A_481 = arith.index_cast %add3A_21 : i32 to index
      %get3A_482 = arith.constant 448 : index
      %get3A_483 = tpu.vector_load %arg9[%get3A_481, %get3A_482] {strides = array<i32>} : memref<64x768xf32, #tpu.memory_space<vmem>>, vector<1x16xf32>,
      %get3A_484 = vector.shape_cast %get3A_483 : vector<1x16xf32> to vector<16xf32>
      %mul3A_485 = arith.mulf %get3A_484, %get3A_28 : vector<16xf32>
      %add3A_486 = arith.addf %mul3A_480, %mul3A_485 : vector<16xf32>
      %swap3A_487 = arith.index_cast %add3A_21 : i32 to index
      %swap3A_488 = arith.constant 448 : index
      %swap3A_489 = tpu.vector_load %arg8[%swap3A_487, %swap3A_488] {strides = array<i32>} : memref<64x768xf32, #tpu.memory_space<vmem>>, vector<1x16xf32>,
      %swap3A_490 = vector.shape_cast %swap3A_489 : vector<1x16xf32> to vector<16xf32>
      %swap3A_491 = vector.shape_cast %add3A_486 : vector<16xf32> to vector<1x16xf32>
      tpu.vector_store %arg8[%swap3A_487, %swap3A_488], %swap3A_491 {strides = array<i32>} : memref<64x768xf32, #tpu.memory_space<vmem>>, vector<1x16xf32>,
      %get3A_492 = arith.index_cast %add3A_21 : i32 to index
      %get3A_493 = arith.constant 464 : index
      %get3A_494 = tpu.vector_load %arg8[%get3A_492, %get3A_493] {strides = array<i32>} : memref<64x768xf32, #tpu.memory_space<vmem>>, vector<1x16xf32>,
      %get3A_495 = vector.shape_cast %get3A_494 : vector<1x16xf32> to vector<16xf32>
      %mul3A_496 = arith.mulf %get3A_495, %get3A_24 : vector<16xf32>
      %get3A_497 = arith.index_cast %add3A_21 : i32 to index
      %get3A_498 = arith.constant 464 : index
      %get3A_499 = tpu.vector_load %arg9[%get3A_497, %get3A_498] {strides = array<i32>} : memref<64x768xf32, #tpu.memory_space<vmem>>, vector<1x16xf32>,
      %get3A_500 = vector.shape_cast %get3A_499 : vector<1x16xf32> to vector<16xf32>
      %mul3A_501 = arith.mulf %get3A_500, %get3A_28 : vector<16xf32>
      %add3A_502 = arith.addf %mul3A_496, %mul3A_501 : vector<16xf32>
      %swap3A_503 = arith.index_cast %add3A_21 : i32 to index
      %swap3A_504 = arith.constant 464 : index
      %swap3A_505 = tpu.vector_load %arg8[%swap3A_503, %swap3A_504] {strides = array<i32>} : memref<64x768xf32, #tpu.memory_space<vmem>>, vector<1x16xf32>,
      %swap3A_506 = vector.shape_cast %swap3A_505 : vector<1x16xf32> to vector<16xf32>
      %swap3A_507 = vector.shape_cast %add3A_502 : vector<16xf32> to vector<1x16xf32>
      tpu.vector_store %arg8[%swap3A_503, %swap3A_504], %swap3A_507 {strides = array<i32>} : memref<64x768xf32, #tpu.memory_space<vmem>>, vector<1x16xf32>,
      %get3A_508 = arith.index_cast %add3A_21 : i32 to index
      %get3A_509 = arith.constant 480 : index
      %get3A_510 = tpu.vector_load %arg8[%get3A_508, %get3A_509] {strides = array<i32>} : memref<64x768xf32, #tpu.memory_space<vmem>>, vector<1x16xf32>,
      %get3A_511 = vector.shape_cast %get3A_510 : vector<1x16xf32> to vector<16xf32>
      %mul3A_512 = arith.mulf %get3A_511, %get3A_24 : vector<16xf32>
      %get3A_513 = arith.index_cast %add3A_21 : i32 to index
      %get3A_514 = arith.constant 480 : index
      %get3A_515 = tpu.vector_load %arg9[%get3A_513, %get3A_514] {strides = array<i32>} : memref<64x768xf32, #tpu.memory_space<vmem>>, vector<1x16xf32>,
      %get3A_516 = vector.shape_cast %get3A_515 : vector<1x16xf32> to vector<16xf32>
      %mul3A_517 = arith.mulf %get3A_516, %get3A_28 : vector<16xf32>
      %add3A_518 = arith.addf %mul3A_512, %mul3A_517 : vector<16xf32>
      %swap3A_519 = arith.index_cast %add3A_21 : i32 to index
      %swap3A_520 = arith.constant 480 : index
      %swap3A_521 = tpu.vector_load %arg8[%swap3A_519, %swap3A_520] {strides = array<i32>} : memref<64x768xf32, #tpu.memory_space<vmem>>, vector<1x16xf32>,
      %swap3A_522 = vector.shape_cast %swap3A_521 : vector<1x16xf32> to vector<16xf32>
      %swap3A_523 = vector.shape_cast %add3A_518 : vector<16xf32> to vector<1x16xf32>
      tpu.vector_store %arg8[%swap3A_519, %swap3A_520], %swap3A_523 {strides = array<i32>} : memref<64x768xf32, #tpu.memory_space<vmem>>, vector<1x16xf32>,
      %get3A_524 = arith.index_cast %add3A_21 : i32 to index
      %get3A_525 = arith.constant 496 : index
      %get3A_526 = tpu.vector_load %arg8[%get3A_524, %get3A_525] {strides = array<i32>} : memref<64x768xf32, #tpu.memory_space<vmem>>, vector<1x16xf32>,
      %get3A_527 = vector.shape_cast %get3A_526 : vector<1x16xf32> to vector<16xf32>
      %mul3A_528 = arith.mulf %get3A_527, %get3A_24 : vector<16xf32>
      %get3A_529 = arith.index_cast %add3A_21 : i32 to index
      %get3A_530 = arith.constant 496 : index
      %get3A_531 = tpu.vector_load %arg9[%get3A_529, %get3A_530] {strides = array<i32>} : memref<64x768xf32, #tpu.memory_space<vmem>>, vector<1x16xf32>,
      %get3A_532 = vector.shape_cast %get3A_531 : vector<1x16xf32> to vector<16xf32>
      %mul3A_533 = arith.mulf %get3A_532, %get3A_28 : vector<16xf32>
      %add3A_534 = arith.addf %mul3A_528, %mul3A_533 : vector<16xf32>
      %swap3A_535 = arith.index_cast %add3A_21 : i32 to index
      %swap3A_536 = arith.constant 496 : index
      %swap3A_537 = tpu.vector_load %arg8[%swap3A_535, %swap3A_536] {strides = array<i32>} : memref<64x768xf32, #tpu.memory_space<vmem>>, vector<1x16xf32>,
      %swap3A_538 = vector.shape_cast %swap3A_537 : vector<1x16xf32> to vector<16xf32>
      %swap3A_539 = vector.shape_cast %add3A_534 : vector<16xf32> to vector<1x16xf32>
      tpu.vector_store %arg8[%swap3A_535, %swap3A_536], %swap3A_539 {strides = array<i32>} : memref<64x768xf32, #tpu.memory_space<vmem>>, vector<1x16xf32>,
      %get3A_540 = arith.index_cast %add3A_21 : i32 to index
      %get3A_541 = arith.constant 512 : index
      %get3A_542 = tpu.vector_load %arg8[%get3A_540, %get3A_541] {strides = array<i32>} : memref<64x768xf32, #tpu.memory_space<vmem>>, vector<1x16xf32>,
      %get3A_543 = vector.shape_cast %get3A_542 : vector<1x16xf32> to vector<16xf32>
      %mul3A_544 = arith.mulf %get3A_543, %get3A_24 : vector<16xf32>
      %get3A_545 = arith.index_cast %add3A_21 : i32 to index
      %get3A_546 = arith.constant 512 : index
      %get3A_547 = tpu.vector_load %arg9[%get3A_545, %get3A_546] {strides = array<i32>} : memref<64x768xf32, #tpu.memory_space<vmem>>, vector<1x16xf32>,
      %get3A_548 = vector.shape_cast %get3A_547 : vector<1x16xf32> to vector<16xf32>
      %mul3A_549 = arith.mulf %get3A_548, %get3A_28 : vector<16xf32>
      %add3A_550 = arith.addf %mul3A_544, %mul3A_549 : vector<16xf32>
      %swap3A_551 = arith.index_cast %add3A_21 : i32 to index
      %swap3A_552 = arith.constant 512 : index
      %swap3A_553 = tpu.vector_load %arg8[%swap3A_551, %swap3A_552] {strides = array<i32>} : memref<64x768xf32, #tpu.memory_space<vmem>>, vector<1x16xf32>,
      %swap3A_554 = vector.shape_cast %swap3A_553 : vector<1x16xf32> to vector<16xf32>
      %swap3A_555 = vector.shape_cast %add3A_550 : vector<16xf32> to vector<1x16xf32>
      tpu.vector_store %arg8[%swap3A_551, %swap3A_552], %swap3A_555 {strides = array<i32>} : memref<64x768xf32, #tpu.memory_space<vmem>>, vector<1x16xf32>,
      %get3A_556 = arith.index_cast %add3A_21 : i32 to index
      %get3A_557 = arith.constant 528 : index
      %get3A_558 = tpu.vector_load %arg8[%get3A_556, %get3A_557] {strides = array<i32>} : memref<64x768xf32, #tpu.memory_space<vmem>>, vector<1x16xf32>,
      %get3A_559 = vector.shape_cast %get3A_558 : vector<1x16xf32> to vector<16xf32>
      %mul3A_560 = arith.mulf %get3A_559, %get3A_24 : vector<16xf32>
      %get3A_561 = arith.index_cast %add3A_21 : i32 to index
      %get3A_562 = arith.constant 528 : index
      %get3A_563 = tpu.vector_load %arg9[%get3A_561, %get3A_562] {strides = array<i32>} : memref<64x768xf32, #tpu.memory_space<vmem>>, vector<1x16xf32>,
      %get3A_564 = vector.shape_cast %get3A_563 : vector<1x16xf32> to vector<16xf32>
      %mul3A_565 = arith.mulf %get3A_564, %get3A_28 : vector<16xf32>
      %add3A_566 = arith.addf %mul3A_560, %mul3A_565 : vector<16xf32>
      %swap3A_567 = arith.index_cast %add3A_21 : i32 to index
      %swap3A_568 = arith.constant 528 : index
      %swap3A_569 = tpu.vector_load %arg8[%swap3A_567, %swap3A_568] {strides = array<i32>} : memref<64x768xf32, #tpu.memory_space<vmem>>, vector<1x16xf32>,
      %swap3A_570 = vector.shape_cast %swap3A_569 : vector<1x16xf32> to vector<16xf32>
      %swap3A_571 = vector.shape_cast %add3A_566 : vector<16xf32> to vector<1x16xf32>
      tpu.vector_store %arg8[%swap3A_567, %swap3A_568], %swap3A_571 {strides = array<i32>} : memref<64x768xf32, #tpu.memory_space<vmem>>, vector<1x16xf32>,
      %get3A_572 = arith.index_cast %add3A_21 : i32 to index
      %get3A_573 = arith.constant 544 : index
      %get3A_574 = tpu.vector_load %arg8[%get3A_572, %get3A_573] {strides = array<i32>} : memref<64x768xf32, #tpu.memory_space<vmem>>, vector<1x16xf32>,
      %get3A_575 = vector.shape_cast %get3A_574 : vector<1x16xf32> to vector<16xf32>
      %mul3A_576 = arith.mulf %get3A_575, %get3A_24 : vector<16xf32>
      %get3A_577 = arith.index_cast %add3A_21 : i32 to index
      %get3A_578 = arith.constant 544 : index
      %get3A_579 = tpu.vector_load %arg9[%get3A_577, %get3A_578] {strides = array<i32>} : memref<64x768xf32, #tpu.memory_space<vmem>>, vector<1x16xf32>,
      %get3A_580 = vector.shape_cast %get3A_579 : vector<1x16xf32> to vector<16xf32>
      %mul3A_581 = arith.mulf %get3A_580, %get3A_28 : vector<16xf32>
      %add3A_582 = arith.addf %mul3A_576, %mul3A_581 : vector<16xf32>
      %swap3A_583 = arith.index_cast %add3A_21 : i32 to index
      %swap3A_584 = arith.constant 544 : index
      %swap3A_585 = tpu.vector_load %arg8[%swap3A_583, %swap3A_584] {strides = array<i32>} : memref<64x768xf32, #tpu.memory_space<vmem>>, vector<1x16xf32>,
      %swap3A_586 = vector.shape_cast %swap3A_585 : vector<1x16xf32> to vector<16xf32>
      %swap3A_587 = vector.shape_cast %add3A_582 : vector<16xf32> to vector<1x16xf32>
      tpu.vector_store %arg8[%swap3A_583, %swap3A_584], %swap3A_587 {strides = array<i32>} : memref<64x768xf32, #tpu.memory_space<vmem>>, vector<1x16xf32>,
      %get3A_588 = arith.index_cast %add3A_21 : i32 to index
      %get3A_589 = arith.constant 560 : index
      %get3A_590 = tpu.vector_load %arg8[%get3A_588, %get3A_589] {strides = array<i32>} : memref<64x768xf32, #tpu.memory_space<vmem>>, vector<1x16xf32>,
      %get3A_591 = vector.shape_cast %get3A_590 : vector<1x16xf32> to vector<16xf32>
      %mul3A_592 = arith.mulf %get3A_591, %get3A_24 : vector<16xf32>
      %get3A_593 = arith.index_cast %add3A_21 : i32 to index
      %get3A_594 = arith.constant 560 : index
      %get3A_595 = tpu.vector_load %arg9[%get3A_593, %get3A_594] {strides = array<i32>} : memref<64x768xf32, #tpu.memory_space<vmem>>, vector<1x16xf32>,
      %get3A_596 = vector.shape_cast %get3A_595 : vector<1x16xf32> to vector<16xf32>
      %mul3A_597 = arith.mulf %get3A_596, %get3A_28 : vector<16xf32>
      %add3A_598 = arith.addf %mul3A_592, %mul3A_597 : vector<16xf32>
      %swap3A_599 = arith.index_cast %add3A_21 : i32 to index
      %swap3A_600 = arith.constant 560 : index
      %swap3A_601 = tpu.vector_load %arg8[%swap3A_599, %swap3A_600] {strides = array<i32>} : memref<64x768xf32, #tpu.memory_space<vmem>>, vector<1x16xf32>,
      %swap3A_602 = vector.shape_cast %swap3A_601 : vector<1x16xf32> to vector<16xf32>
      %swap3A_603 = vector.shape_cast %add3A_598 : vector<16xf32> to vector<1x16xf32>
      tpu.vector_store %arg8[%swap3A_599, %swap3A_600], %swap3A_603 {strides = array<i32>} : memref<64x768xf32, #tpu.memory_space<vmem>>, vector<1x16xf32>,
      %get3A_604 = arith.index_cast %add3A_21 : i32 to index
      %get3A_605 = arith.constant 576 : index
      %get3A_606 = tpu.vector_load %arg8[%get3A_604, %get3A_605] {strides = array<i32>} : memref<64x768xf32, #tpu.memory_space<vmem>>, vector<1x16xf32>,
      %get3A_607 = vector.shape_cast %get3A_606 : vector<1x16xf32> to vector<16xf32>
      %mul3A_608 = arith.mulf %get3A_607, %get3A_24 : vector<16xf32>
      %get3A_609 = arith.index_cast %add3A_21 : i32 to index
      %get3A_610 = arith.constant 576 : index
      %get3A_611 = tpu.vector_load %arg9[%get3A_609, %get3A_610] {strides = array<i32>} : memref<64x768xf32, #tpu.memory_space<vmem>>, vector<1x16xf32>,
      %get3A_612 = vector.shape_cast %get3A_611 : vector<1x16xf32> to vector<16xf32>
      %mul3A_613 = arith.mulf %get3A_612, %get3A_28 : vector<16xf32>
      %add3A_614 = arith.addf %mul3A_608, %mul3A_613 : vector<16xf32>
      %swap3A_615 = arith.index_cast %add3A_21 : i32 to index
      %swap3A_616 = arith.constant 576 : index
      %swap3A_617 = tpu.vector_load %arg8[%swap3A_615, %swap3A_616] {strides = array<i32>} : memref<64x768xf32, #tpu.memory_space<vmem>>, vector<1x16xf32>,
      %swap3A_618 = vector.shape_cast %swap3A_617 : vector<1x16xf32> to vector<16xf32>
      %swap3A_619 = vector.shape_cast %add3A_614 : vector<16xf32> to vector<1x16xf32>
      tpu.vector_store %arg8[%swap3A_615, %swap3A_616], %swap3A_619 {strides = array<i32>} : memref<64x768xf32, #tpu.memory_space<vmem>>, vector<1x16xf32>,
      %get3A_620 = arith.index_cast %add3A_21 : i32 to index
      %get3A_621 = arith.constant 592 : index
      %get3A_622 = tpu.vector_load %arg8[%get3A_620, %get3A_621] {strides = array<i32>} : memref<64x768xf32, #tpu.memory_space<vmem>>, vector<1x16xf32>,
      %get3A_623 = vector.shape_cast %get3A_622 : vector<1x16xf32> to vector<16xf32>
      %mul3A_624 = arith.mulf %get3A_623, %get3A_24 : vector<16xf32>
      %get3A_625 = arith.index_cast %add3A_21 : i32 to index
      %get3A_626 = arith.constant 592 : index
      %get3A_627 = tpu.vector_load %arg9[%get3A_625, %get3A_626] {strides = array<i32>} : memref<64x768xf32, #tpu.memory_space<vmem>>, vector<1x16xf32>,
      %get3A_628 = vector.shape_cast %get3A_627 : vector<1x16xf32> to vector<16xf32>
      %mul3A_629 = arith.mulf %get3A_628, %get3A_28 : vector<16xf32>
      %add3A_630 = arith.addf %mul3A_624, %mul3A_629 : vector<16xf32>
      %swap3A_631 = arith.index_cast %add3A_21 : i32 to index
      %swap3A_632 = arith.constant 592 : index
      %swap3A_633 = tpu.vector_load %arg8[%swap3A_631, %swap3A_632] {strides = array<i32>} : memref<64x768xf32, #tpu.memory_space<vmem>>, vector<1x16xf32>,
      %swap3A_634 = vector.shape_cast %swap3A_633 : vector<1x16xf32> to vector<16xf32>
      %swap3A_635 = vector.shape_cast %add3A_630 : vector<16xf32> to vector<1x16xf32>
      tpu.vector_store %arg8[%swap3A_631, %swap3A_632], %swap3A_635 {strides = array<i32>} : memref<64x768xf32, #tpu.memory_space<vmem>>, vector<1x16xf32>,
      %get3A_636 = arith.index_cast %add3A_21 : i32 to index
      %get3A_637 = arith.constant 608 : index
      %get3A_638 = tpu.vector_load %arg8[%get3A_636, %get3A_637] {strides = array<i32>} : memref<64x768xf32, #tpu.memory_space<vmem>>, vector<1x16xf32>,
      %get3A_639 = vector.shape_cast %get3A_638 : vector<1x16xf32> to vector<16xf32>
      %mul3A_640 = arith.mulf %get3A_639, %get3A_24 : vector<16xf32>
      %get3A_641 = arith.index_cast %add3A_21 : i32 to index
      %get3A_642 = arith.constant 608 : index
      %get3A_643 = tpu.vector_load %arg9[%get3A_641, %get3A_642] {strides = array<i32>} : memref<64x768xf32, #tpu.memory_space<vmem>>, vector<1x16xf32>,
      %get3A_644 = vector.shape_cast %get3A_643 : vector<1x16xf32> to vector<16xf32>
      %mul3A_645 = arith.mulf %get3A_644, %get3A_28 : vector<16xf32>
      %add3A_646 = arith.addf %mul3A_640, %mul3A_645 : vector<16xf32>
      %swap3A_647 = arith.index_cast %add3A_21 : i32 to index
      %swap3A_648 = arith.constant 608 : index
      %swap3A_649 = tpu.vector_load %arg8[%swap3A_647, %swap3A_648] {strides = array<i32>} : memref<64x768xf32, #tpu.memory_space<vmem>>, vector<1x16xf32>,
      %swap3A_650 = vector.shape_cast %swap3A_649 : vector<1x16xf32> to vector<16xf32>
      %swap3A_651 = vector.shape_cast %add3A_646 : vector<16xf32> to vector<1x16xf32>
      tpu.vector_store %arg8[%swap3A_647, %swap3A_648], %swap3A_651 {strides = array<i32>} : memref<64x768xf32, #tpu.memory_space<vmem>>, vector<1x16xf32>,
      %get3A_652 = arith.index_cast %add3A_21 : i32 to index
      %get3A_653 = arith.constant 624 : index
      %get3A_654 = tpu.vector_load %arg8[%get3A_652, %get3A_653] {strides = array<i32>} : memref<64x768xf32, #tpu.memory_space<vmem>>, vector<1x16xf32>,
      %get3A_655 = vector.shape_cast %get3A_654 : vector<1x16xf32> to vector<16xf32>
      %mul3A_656 = arith.mulf %get3A_655, %get3A_24 : vector<16xf32>
      %get3A_657 = arith.index_cast %add3A_21 : i32 to index
      %get3A_658 = arith.constant 624 : index
      %get3A_659 = tpu.vector_load %arg9[%get3A_657, %get3A_658] {strides = array<i32>} : memref<64x768xf32, #tpu.memory_space<vmem>>, vector<1x16xf32>,
      %get3A_660 = vector.shape_cast %get3A_659 : vector<1x16xf32> to vector<16xf32>
      %mul3A_661 = arith.mulf %get3A_660, %get3A_28 : vector<16xf32>
      %add3A_662 = arith.addf %mul3A_656, %mul3A_661 : vector<16xf32>
      %swap3A_663 = arith.index_cast %add3A_21 : i32 to index
      %swap3A_664 = arith.constant 624 : index
      %swap3A_665 = tpu.vector_load %arg8[%swap3A_663, %swap3A_664] {strides = array<i32>} : memref<64x768xf32, #tpu.memory_space<vmem>>, vector<1x16xf32>,
      %swap3A_666 = vector.shape_cast %swap3A_665 : vector<1x16xf32> to vector<16xf32>
      %swap3A_667 = vector.shape_cast %add3A_662 : vector<16xf32> to vector<1x16xf32>
      tpu.vector_store %arg8[%swap3A_663, %swap3A_664], %swap3A_667 {strides = array<i32>} : memref<64x768xf32, #tpu.memory_space<vmem>>, vector<1x16xf32>,
      %get3A_668 = arith.index_cast %add3A_21 : i32 to index
      %get3A_669 = arith.constant 640 : index
      %get3A_670 = tpu.vector_load %arg8[%get3A_668, %get3A_669] {strides = array<i32>} : memref<64x768xf32, #tpu.memory_space<vmem>>, vector<1x16xf32>,
      %get3A_671 = vector.shape_cast %get3A_670 : vector<1x16xf32> to vector<16xf32>
      %mul3A_672 = arith.mulf %get3A_671, %get3A_24 : vector<16xf32>
      %get3A_673 = arith.index_cast %add3A_21 : i32 to index
      %get3A_674 = arith.constant 640 : index
      %get3A_675 = tpu.vector_load %arg9[%get3A_673, %get3A_674] {strides = array<i32>} : memref<64x768xf32, #tpu.memory_space<vmem>>, vector<1x16xf32>,
      %get3A_676 = vector.shape_cast %get3A_675 : vector<1x16xf32> to vector<16xf32>
      %mul3A_677 = arith.mulf %get3A_676, %get3A_28 : vector<16xf32>
      %add3A_678 = arith.addf %mul3A_672, %mul3A_677 : vector<16xf32>
      %swap3A_679 = arith.index_cast %add3A_21 : i32 to index
      %swap3A_680 = arith.constant 640 : index
      %swap3A_681 = tpu.vector_load %arg8[%swap3A_679, %swap3A_680] {strides = array<i32>} : memref<64x768xf32, #tpu.memory_space<vmem>>, vector<1x16xf32>,
      %swap3A_682 = vector.shape_cast %swap3A_681 : vector<1x16xf32> to vector<16xf32>
      %swap3A_683 = vector.shape_cast %add3A_678 : vector<16xf32> to vector<1x16xf32>
      tpu.vector_store %arg8[%swap3A_679, %swap3A_680], %swap3A_683 {strides = array<i32>} : memref<64x768xf32, #tpu.memory_space<vmem>>, vector<1x16xf32>,
      %get3A_684 = arith.index_cast %add3A_21 : i32 to index
      %get3A_685 = arith.constant 656 : index
      %get3A_686 = tpu.vector_load %arg8[%get3A_684, %get3A_685] {strides = array<i32>} : memref<64x768xf32, #tpu.memory_space<vmem>>, vector<1x16xf32>,
      %get3A_687 = vector.shape_cast %get3A_686 : vector<1x16xf32> to vector<16xf32>
      %mul3A_688 = arith.mulf %get3A_687, %get3A_24 : vector<16xf32>
      %get3A_689 = arith.index_cast %add3A_21 : i32 to index
      %get3A_690 = arith.constant 656 : index
      %get3A_691 = tpu.vector_load %arg9[%get3A_689, %get3A_690] {strides = array<i32>} : memref<64x768xf32, #tpu.memory_space<vmem>>, vector<1x16xf32>,
      %get3A_692 = vector.shape_cast %get3A_691 : vector<1x16xf32> to vector<16xf32>
      %mul3A_693 = arith.mulf %get3A_692, %get3A_28 : vector<16xf32>
      %add3A_694 = arith.addf %mul3A_688, %mul3A_693 : vector<16xf32>
      %swap3A_695 = arith.index_cast %add3A_21 : i32 to index
      %swap3A_696 = arith.constant 656 : index
      %swap3A_697 = tpu.vector_load %arg8[%swap3A_695, %swap3A_696] {strides = array<i32>} : memref<64x768xf32, #tpu.memory_space<vmem>>, vector<1x16xf32>,
      %swap3A_698 = vector.shape_cast %swap3A_697 : vector<1x16xf32> to vector<16xf32>
      %swap3A_699 = vector.shape_cast %add3A_694 : vector<16xf32> to vector<1x16xf32>
      tpu.vector_store %arg8[%swap3A_695, %swap3A_696], %swap3A_699 {strides = array<i32>} : memref<64x768xf32, #tpu.memory_space<vmem>>, vector<1x16xf32>,
      %get3A_700 = arith.index_cast %add3A_21 : i32 to index
      %get3A_701 = arith.constant 672 : index
      %get3A_702 = tpu.vector_load %arg8[%get3A_700, %get3A_701] {strides = array<i32>} : memref<64x768xf32, #tpu.memory_space<vmem>>, vector<1x16xf32>,
      %get3A_703 = vector.shape_cast %get3A_702 : vector<1x16xf32> to vector<16xf32>
      %mul3A_704 = arith.mulf %get3A_703, %get3A_24 : vector<16xf32>
      %get3A_705 = arith.index_cast %add3A_21 : i32 to index
      %get3A_706 = arith.constant 672 : index
      %get3A_707 = tpu.vector_load %arg9[%get3A_705, %get3A_706] {strides = array<i32>} : memref<64x768xf32, #tpu.memory_space<vmem>>, vector<1x16xf32>,
      %get3A_708 = vector.shape_cast %get3A_707 : vector<1x16xf32> to vector<16xf32>
      %mul3A_709 = arith.mulf %get3A_708, %get3A_28 : vector<16xf32>
      %add3A_710 = arith.addf %mul3A_704, %mul3A_709 : vector<16xf32>
      %swap3A_711 = arith.index_cast %add3A_21 : i32 to index
      %swap3A_712 = arith.constant 672 : index
      %swap3A_713 = tpu.vector_load %arg8[%swap3A_711, %swap3A_712] {strides = array<i32>} : memref<64x768xf32, #tpu.memory_space<vmem>>, vector<1x16xf32>,
      %swap3A_714 = vector.shape_cast %swap3A_713 : vector<1x16xf32> to vector<16xf32>
      %swap3A_715 = vector.shape_cast %add3A_710 : vector<16xf32> to vector<1x16xf32>
      tpu.vector_store %arg8[%swap3A_711, %swap3A_712], %swap3A_715 {strides = array<i32>} : memref<64x768xf32, #tpu.memory_space<vmem>>, vector<1x16xf32>,
      %get3A_716 = arith.index_cast %add3A_21 : i32 to index
      %get3A_717 = arith.constant 688 : index
      %get3A_718 = tpu.vector_load %arg8[%get3A_716, %get3A_717] {strides = array<i32>} : memref<64x768xf32, #tpu.memory_space<vmem>>, vector<1x16xf32>,
      %get3A_719 = vector.shape_cast %get3A_718 : vector<1x16xf32> to vector<16xf32>
      %mul3A_720 = arith.mulf %get3A_719, %get3A_24 : vector<16xf32>
      %get3A_721 = arith.index_cast %add3A_21 : i32 to index
      %get3A_722 = arith.constant 688 : index
      %get3A_723 = tpu.vector_load %arg9[%get3A_721, %get3A_722] {strides = array<i32>} : memref<64x768xf32, #tpu.memory_space<vmem>>, vector<1x16xf32>,
      %get3A_724 = vector.shape_cast %get3A_723 : vector<1x16xf32> to vector<16xf32>
      %mul3A_725 = arith.mulf %get3A_724, %get3A_28 : vector<16xf32>
      %add3A_726 = arith.addf %mul3A_720, %mul3A_725 : vector<16xf32>
      %swap3A_727 = arith.index_cast %add3A_21 : i32 to index
      %swap3A_728 = arith.constant 688 : index
      %swap3A_729 = tpu.vector_load %arg8[%swap3A_727, %swap3A_728] {strides = array<i32>} : memref<64x768xf32, #tpu.memory_space<vmem>>, vector<1x16xf32>,
      %swap3A_730 = vector.shape_cast %swap3A_729 : vector<1x16xf32> to vector<16xf32>
      %swap3A_731 = vector.shape_cast %add3A_726 : vector<16xf32> to vector<1x16xf32>
      tpu.vector_store %arg8[%swap3A_727, %swap3A_728], %swap3A_731 {strides = array<i32>} : memref<64x768xf32, #tpu.memory_space<vmem>>, vector<1x16xf32>,
      %get3A_732 = arith.index_cast %add3A_21 : i32 to index
      %get3A_733 = arith.constant 704 : index
      %get3A_734 = tpu.vector_load %arg8[%get3A_732, %get3A_733] {strides = array<i32>} : memref<64x768xf32, #tpu.memory_space<vmem>>, vector<1x16xf32>,
      %get3A_735 = vector.shape_cast %get3A_734 : vector<1x16xf32> to vector<16xf32>
      %mul3A_736 = arith.mulf %get3A_735, %get3A_24 : vector<16xf32>
      %get3A_737 = arith.index_cast %add3A_21 : i32 to index
      %get3A_738 = arith.constant 704 : index
      %get3A_739 = tpu.vector_load %arg9[%get3A_737, %get3A_738] {strides = array<i32>} : memref<64x768xf32, #tpu.memory_space<vmem>>, vector<1x16xf32>,
      %get3A_740 = vector.shape_cast %get3A_739 : vector<1x16xf32> to vector<16xf32>
      %mul3A_741 = arith.mulf %get3A_740, %get3A_28 : vector<16xf32>
      %add3A_742 = arith.addf %mul3A_736, %mul3A_741 : vector<16xf32>
      %swap3A_743 = arith.index_cast %add3A_21 : i32 to index
      %swap3A_744 = arith.constant 704 : index
      %swap3A_745 = tpu.vector_load %arg8[%swap3A_743, %swap3A_744] {strides = array<i32>} : memref<64x768xf32, #tpu.memory_space<vmem>>, vector<1x16xf32>,
      %swap3A_746 = vector.shape_cast %swap3A_745 : vector<1x16xf32> to vector<16xf32>
      %swap3A_747 = vector.shape_cast %add3A_742 : vector<16xf32> to vector<1x16xf32>
      tpu.vector_store %arg8[%swap3A_743, %swap3A_744], %swap3A_747 {strides = array<i32>} : memref<64x768xf32, #tpu.memory_space<vmem>>, vector<1x16xf32>,
      %get3A_748 = arith.index_cast %add3A_21 : i32 to index
      %get3A_749 = arith.constant 720 : index
      %get3A_750 = tpu.vector_load %arg8[%get3A_748, %get3A_749] {strides = array<i32>} : memref<64x768xf32, #tpu.memory_space<vmem>>, vector<1x16xf32>,
      %get3A_751 = vector.shape_cast %get3A_750 : vector<1x16xf32> to vector<16xf32>
      %mul3A_752 = arith.mulf %get3A_751, %get3A_24 : vector<16xf32>
      %get3A_753 = arith.index_cast %add3A_21 : i32 to index
      %get3A_754 = arith.constant 720 : index
      %get3A_755 = tpu.vector_load %arg9[%get3A_753, %get3A_754] {strides = array<i32>} : memref<64x768xf32, #tpu.memory_space<vmem>>, vector<1x16xf32>,
      %get3A_756 = vector.shape_cast %get3A_755 : vector<1x16xf32> to vector<16xf32>
      %mul3A_757 = arith.mulf %get3A_756, %get3A_28 : vector<16xf32>
      %add3A_758 = arith.addf %mul3A_752, %mul3A_757 : vector<16xf32>
      %swap3A_759 = arith.index_cast %add3A_21 : i32 to index
      %swap3A_760 = arith.constant 720 : index
      %swap3A_761 = tpu.vector_load %arg8[%swap3A_759, %swap3A_760] {strides = array<i32>} : memref<64x768xf32, #tpu.memory_space<vmem>>, vector<1x16xf32>,
      %swap3A_762 = vector.shape_cast %swap3A_761 : vector<1x16xf32> to vector<16xf32>
      %swap3A_763 = vector.shape_cast %add3A_758 : vector<16xf32> to vector<1x16xf32>
      tpu.vector_store %arg8[%swap3A_759, %swap3A_760], %swap3A_763 {strides = array<i32>} : memref<64x768xf32, #tpu.memory_space<vmem>>, vector<1x16xf32>,
      %get3A_764 = arith.index_cast %add3A_21 : i32 to index
      %get3A_765 = arith.constant 736 : index
      %get3A_766 = tpu.vector_load %arg8[%get3A_764, %get3A_765] {strides = array<i32>} : memref<64x768xf32, #tpu.memory_space<vmem>>, vector<1x16xf32>,
      %get3A_767 = vector.shape_cast %get3A_766 : vector<1x16xf32> to vector<16xf32>
      %mul3A_768 = arith.mulf %get3A_767, %get3A_24 : vector<16xf32>
      %get3A_769 = arith.index_cast %add3A_21 : i32 to index
      %get3A_770 = arith.constant 736 : index
      %get3A_771 = tpu.vector_load %arg9[%get3A_769, %get3A_770] {strides = array<i32>} : memref<64x768xf32, #tpu.memory_space<vmem>>, vector<1x16xf32>,
      %get3A_772 = vector.shape_cast %get3A_771 : vector<1x16xf32> to vector<16xf32>
      %mul3A_773 = arith.mulf %get3A_772, %get3A_28 : vector<16xf32>
      %add3A_774 = arith.addf %mul3A_768, %mul3A_773 : vector<16xf32>
      %swap3A_775 = arith.index_cast %add3A_21 : i32 to index
      %swap3A_776 = arith.constant 736 : index
      %swap3A_777 = tpu.vector_load %arg8[%swap3A_775, %swap3A_776] {strides = array<i32>} : memref<64x768xf32, #tpu.memory_space<vmem>>, vector<1x16xf32>,
      %swap3A_778 = vector.shape_cast %swap3A_777 : vector<1x16xf32> to vector<16xf32>
      %swap3A_779 = vector.shape_cast %add3A_774 : vector<16xf32> to vector<1x16xf32>
      tpu.vector_store %arg8[%swap3A_775, %swap3A_776], %swap3A_779 {strides = array<i32>} : memref<64x768xf32, #tpu.memory_space<vmem>>, vector<1x16xf32>,
      %get3A_780 = arith.index_cast %add3A_21 : i32 to index
      %get3A_781 = arith.constant 752 : index
      %get3A_782 = tpu.vector_load %arg8[%get3A_780, %get3A_781] {strides = array<i32>} : memref<64x768xf32, #tpu.memory_space<vmem>>, vector<1x16xf32>,
      %get3A_783 = vector.shape_cast %get3A_782 : vector<1x16xf32> to vector<16xf32>
      %mul3A_784 = arith.mulf %get3A_783, %get3A_24 : vector<16xf32>
      %get3A_785 = arith.index_cast %add3A_21 : i32 to index
      %get3A_786 = arith.constant 752 : index
      %get3A_787 = tpu.vector_load %arg9[%get3A_785, %get3A_786] {strides = array<i32>} : memref<64x768xf32, #tpu.memory_space<vmem>>, vector<1x16xf32>,
      %get3A_788 = vector.shape_cast %get3A_787 : vector<1x16xf32> to vector<16xf32>
      %mul3A_789 = arith.mulf %get3A_788, %get3A_28 : vector<16xf32>
      %add3A_790 = arith.addf %mul3A_784, %mul3A_789 : vector<16xf32>
      %swap3A_791 = arith.index_cast %add3A_21 : i32 to index
      %swap3A_792 = arith.constant 752 : index
      %swap3A_793 = tpu.vector_load %arg8[%swap3A_791, %swap3A_792] {strides = array<i32>} : memref<64x768xf32, #tpu.memory_space<vmem>>, vector<1x16xf32>,
      %swap3A_794 = vector.shape_cast %swap3A_793 : vector<1x16xf32> to vector<16xf32>
      %swap3A_795 = vector.shape_cast %add3A_790 : vector<16xf32> to vector<1x16xf32>
      tpu.vector_store %arg8[%swap3A_791, %swap3A_792], %swap3A_795 {strides = array<i32>} : memref<64x768xf32, #tpu.memory_space<vmem>>, vector<1x16xf32>,
    }
    %scan3A_16 = arith.constant 64 : i32
    "tpu.region"() ({
      %run_scoped3A = tpu.sem_alloc : memref<!tpu.dma_semaphore, #tpu.memory_space<semaphore_mem>>
      %dma_start3A_17 = arith.constant 0 : i32
      %dma_start3A_18 = tpu.memref_slice %arg7[%mul3A_2, %dma_start3A_17] : memref<2048x768xf32, #tpu.memory_space<hbm>> -> memref<64x768xf32, #tpu.memory_space<hbm>>
      %dma_start3A_19 = arith.constant 0 : i32
      %dma_start3A_20 = tpu.memref_slice %arg7[%mul3A_2, %dma_start3A_19] : memref<2048x768xf32, #tpu.memory_space<hbm>> -> memref<64x768xf32, #tpu.memory_space<hbm>>
      tpu.enqueue_dma source(%arg8 : memref<64x768xf32, #tpu.memory_space<vmem>>) target(%dma_start3A_20 : memref<64x768xf32, #tpu.memory_space<hbm>>) target_semaphore(%run_scoped3A : memref<!tpu.dma_semaphore, #tpu.memory_space<semaphore_mem>>)
      %dma_wait3A_21 = arith.constant 0 : i32
      %dma_wait3A_22 = tpu.memref_slice %arg7[%mul3A_2, %dma_wait3A_21] : memref<2048x768xf32, #tpu.memory_space<hbm>> -> memref<64x768xf32, #tpu.memory_space<hbm>>
      %dma_wait3A_23 = arith.constant 0 : i32
      %dma_wait3A_24 = tpu.memref_slice %arg7[%mul3A_2, %dma_wait3A_23] : memref<2048x768xf32, #tpu.memory_space<hbm>> -> memref<64x768xf32, #tpu.memory_space<hbm>>
      tpu.wait_dma2 semaphore(%run_scoped3A : memref<!tpu.dma_semaphore, #tpu.memory_space<semaphore_mem>>) src(%arg8 : memref<64x768xf32, #tpu.memory_space<vmem>>) dst(%dma_wait3A_24 : memref<64x768xf32, #tpu.memory_space<hbm>>)
      tpu.yield
    }) : () -> ()
    return
  }
}

module attributes {stable_mosaic.version = 14 : i64} {
  func.func @_positions_body(%arg0: memref<1x64xf32, #tpu.memory_space<vmem>>, %arg1: memref<2048x64xf32, #tpu.memory_space<vmem>>, %arg2: memref<2048x64xf32, #tpu.memory_space<vmem>>, %arg3: memref<2048x64xf32, #tpu.memory_space<vmem>>, %arg4: memref<2048x64xf32, #tpu.memory_space<vmem>>, %arg5: memref<2048x2xi32, #tpu.memory_space<vmem>>, %arg6: memref<1x128xi32, #tpu.memory_space<vmem>>) attributes {dimension_semantics = [], scalar_prefetch = 0 : i64, scratch_operands = 0 : i64, tpu.core_type = #tpu.core_type<tc>} {
    %get3A = arith.constant 0 : index
    %get3A_0 = arith.constant 0 : index
    %get3A_1 = vector.load %arg0[%get3A, %get3A_0] : memref<1x64xf32, #tpu.memory_space<vmem>>, vector<1x64xf32>
    %convert_element_type3A = arith.fptosi %get3A_1 : vector<1x64xf32> to vector<1x64xi32>
    %add3A = arith.constant 7 : i32
    %add3A_2 = vector.broadcast %add3A : i32 to vector<1x64xi32>
    %add3A_3 = arith.addi %convert_element_type3A, %add3A_2 : vector<1x64xi32>
    %jit3A = arith.constant 8 : i32
    %div3A = vector.broadcast %jit3A : i32 to vector<1x64xi32>
    %div3A_4 = arith.divsi %add3A_3, %div3A : vector<1x64xi32>
    %sign3A = arith.constant 0 : i32
    %sign3A_5 = vector.broadcast %sign3A : i32 to vector<1x64xi32>
    %sign3A_6 = arith.cmpi sgt, %add3A_3, %sign3A_5 : vector<1x64xi32>
    %sign3A_7 = arith.extui %sign3A_6 : vector<1x64xi1> to vector<1x64xi32>
    %sign3A_8 = arith.constant 0 : i32
    %sign3A_9 = vector.broadcast %sign3A_8 : i32 to vector<1x64xi32>
    %sign3A_10 = arith.cmpi slt, %add3A_3, %sign3A_9 : vector<1x64xi32>
    %sign3A_11 = arith.extui %sign3A_10 : vector<1x64xi1> to vector<1x64xi32>
    %sign3A_12 = arith.subi %sign3A_7, %sign3A_11 : vector<1x64xi32>
    %sign3A_13 = arith.constant 0 : i32
    %sign3A_14 = arith.cmpi sgt, %jit3A, %sign3A_13 : i32
    %sign3A_15 = arith.extui %sign3A_14 : i1 to i32
    %sign3A_16 = arith.constant 0 : i32
    %sign3A_17 = arith.cmpi slt, %jit3A, %sign3A_16 : i32
    %sign3A_18 = arith.extui %sign3A_17 : i1 to i32
    %sign3A_19 = arith.subi %sign3A_15, %sign3A_18 : i32
    %ne3A = vector.broadcast %sign3A_19 : i32 to vector<1x64xi32>
    %ne3A_20 = arith.cmpi ne, %sign3A_12, %ne3A : vector<1x64xi32>
    %rem3A = vector.broadcast %jit3A : i32 to vector<1x64xi32>
    %rem3A_21 = arith.remsi %add3A_3, %rem3A : vector<1x64xi32>
    %ne3A_22 = arith.constant 0 : i32
    %ne3A_23 = vector.broadcast %ne3A_22 : i32 to vector<1x64xi32>
    %ne3A_24 = arith.cmpi ne, %rem3A_21, %ne3A_23 : vector<1x64xi32>
    %and3A = arith.andi %ne3A_20, %ne3A_24 : vector<1x64xi1>
    %sub3A = arith.constant 1 : i32
    %sub3A_25 = vector.broadcast %sub3A : i32 to vector<1x64xi32>
    %sub3A_26 = arith.subi %div3A_4, %sub3A_25 : vector<1x64xi32>
    %select_n3A = arith.select %and3A, %sub3A_26, %div3A_4 : vector<1x64xi1>, vector<1x64xi32>
    %mul3A = arith.constant 8 : i32
    %mul3A_27 = vector.broadcast %mul3A : i32 to vector<1x64xi32>
    %mul3A_28 = arith.muli %select_n3A, %mul3A_27 : vector<1x64xi32>
    %convert_element_type3A_29 = arith.sitofp %mul3A_28 : vector<1x64xi32> to vector<1x64xf32>
    %iota3A = tpu.iota {dimensions = array<i32: 0>} : vector<64x64xi32>
    %iota3A_30 = tpu.iota {dimensions = array<i32: 1>} : vector<64x64xi32>
    %lt3A = arith.cmpi slt, %iota3A, %iota3A_30 : vector<64x64xi32>
    %convert_element_type3A_31 = arith.extui %lt3A : vector<64x64xi1> to vector<64x64xi32>
    %convert_element_type3A_32 = arith.sitofp %convert_element_type3A_31 : vector<64x64xi32> to vector<64x64xf32>
    %dot_general3A = arith.constant dense<0.000000e+00> : vector<1x64xf32>
    %dot_general3A_33 = tpu.matmul %convert_element_type3A_29, %convert_element_type3A_32, %dot_general3A {dimension_numbers = #tpu.dot_dimension_numbers<[1], [0], [0], [1], [0, 0, 1, 1], [], []>, transpose_lhs_hint = false} : vector<1x64xf32>, vector<64x64xf32>, vector<1x64xf32> -> vector<1x64xf32>
    %reduce_sum3A = arith.constant dense<0.000000e+00> : vector<1xf32>
    %reduce_sum3A_34 = vector.multi_reduction <add>, %convert_element_type3A_29, %reduce_sum3A [1] : vector<1x64xf32> to vector<1xf32>
    %broadcast_in_dim3A = vector.shape_cast %reduce_sum3A_34 : vector<1xf32> to vector<1x1xf32>
    %get3A_35 = arith.constant 0 : index
    %get3A_36 = arith.constant 0 : index
    %get3A_37 = vector.load %arg3[%get3A_35, %get3A_36] : memref<2048x64xf32, #tpu.memory_space<vmem>>, vector<2048x64xf32>
    %get3A_38 = arith.constant 0 : index
    %get3A_39 = arith.constant 0 : index
    %get3A_40 = vector.load %arg1[%get3A_38, %get3A_39] : memref<2048x64xf32, #tpu.memory_space<vmem>>, vector<2048x64xf32>
    %mul3A_41 = vector.broadcast %dot_general3A_33 : vector<1x64xf32> to vector<2048x64xf32>
    %mul3A_42 = arith.mulf %get3A_40, %mul3A_41 : vector<2048x64xf32>
    %add3A_43 = arith.addf %get3A_37, %mul3A_42 : vector<2048x64xf32>
    %reduce_sum3A_44 = arith.constant dense<0.000000e+00> : vector<2048xf32>
    %reduce_sum3A_45 = vector.multi_reduction <add>, %add3A_43, %reduce_sum3A_44 [1] : vector<2048x64xf32> to vector<2048xf32>
    %broadcast_in_dim3A_46 = vector.shape_cast %reduce_sum3A_45 : vector<2048xf32> to vector<2048x1xf32>
    %get3A_47 = arith.constant 0 : index
    %get3A_48 = arith.constant 0 : index
    %get3A_49 = vector.load %arg4[%get3A_47, %get3A_48] : memref<2048x64xf32, #tpu.memory_space<vmem>>, vector<2048x64xf32>
    %get3A_50 = arith.constant 0 : index
    %get3A_51 = arith.constant 0 : index
    %get3A_52 = vector.load %arg2[%get3A_50, %get3A_51] : memref<2048x64xf32, #tpu.memory_space<vmem>>, vector<2048x64xf32>
    %mul3A_53 = vector.broadcast %dot_general3A_33 : vector<1x64xf32> to vector<2048x64xf32>
    %mul3A_54 = arith.mulf %get3A_52, %mul3A_53 : vector<2048x64xf32>
    %add3A_55 = arith.addf %get3A_49, %mul3A_54 : vector<2048x64xf32>
    %reduce_sum3A_56 = arith.constant dense<0.000000e+00> : vector<2048xf32>
    %reduce_sum3A_57 = vector.multi_reduction <add>, %add3A_55, %reduce_sum3A_56 [1] : vector<2048x64xf32> to vector<2048xf32>
    %broadcast_in_dim3A_58 = vector.shape_cast %reduce_sum3A_57 : vector<2048xf32> to vector<2048x1xf32>
    %concatenate3A = tpu.concatenate %broadcast_in_dim3A_46, %broadcast_in_dim3A_58 in 1 : vector<2048x1xf32>, vector<2048x1xf32> -> vector<2048x2xf32>
    %convert_element_type3A_59 = arith.fptosi %concatenate3A : vector<2048x2xf32> to vector<2048x2xi32>
    %swap3A = arith.constant 0 : index
    %swap3A_60 = arith.constant 0 : index
    %swap3A_61 = vector.load %arg5[%swap3A, %swap3A_60] : memref<2048x2xi32, #tpu.memory_space<vmem>>, vector<2048x2xi32>
    tpu.vector_store %arg5[%swap3A, %swap3A_60], %convert_element_type3A_59 {strides = array<i32>} : memref<2048x2xi32, #tpu.memory_space<vmem>>, vector<2048x2xi32>,
    %broadcast_in_dim3A_62 = arith.constant 0.000000e+00 : f32
    %broadcast_in_dim3A_63 = vector.broadcast %broadcast_in_dim3A_62 : f32 to vector<1x63xf32>
    %concatenate3A_64 = tpu.concatenate %dot_general3A_33, %broadcast_in_dim3A, %broadcast_in_dim3A_63 in 1 : vector<1x64xf32>, vector<1x1xf32>, vector<1x63xf32> -> vector<1x128xf32>
    %convert_element_type3A_65 = arith.fptosi %concatenate3A_64 : vector<1x128xf32> to vector<1x128xi32>
    %swap3A_66 = arith.constant 0 : index
    %swap3A_67 = arith.constant 0 : index
    %swap3A_68 = vector.load %arg6[%swap3A_66, %swap3A_67] : memref<1x128xi32, #tpu.memory_space<vmem>>, vector<1x128xi32>
    tpu.vector_store %arg6[%swap3A_66, %swap3A_67], %convert_element_type3A_65 {strides = array<i32>} : memref<1x128xi32, #tpu.memory_space<vmem>>, vector<1x128xi32>,
    return
  }
}

module attributes {stable_mosaic.version = 14 : i64} {
  func.func @_router_body(%arg0: i32, %arg1: memref<256x768xf32, #tpu.memory_space<vmem>>, %arg2: memref<64x768xf32, #tpu.memory_space<vmem>>, %arg3: memref<256x64xf32, #tpu.memory_space<vmem>>, %arg4: memref<256x64xf32, #tpu.memory_space<vmem>>, %arg5: memref<256x64xf32, #tpu.memory_space<vmem>>, %arg6: memref<256x64xf32, #tpu.memory_space<vmem>>, %arg7: memref<256x2xf32, #tpu.memory_space<vmem>>, %arg8: memref<1x64xf32, #tpu.memory_space<vmem>>) attributes {dimension_semantics = [#tpu.dimension_semantics<arbitrary>], iteration_bounds = array<i64: 8>, scalar_prefetch = 0 : i64, scratch_operands = 0 : i64, tpu.core_type = #tpu.core_type<tc>, window_params = [{transform_indices = @transform_0, window_bounds = array<i64: 256, 768>}, {pipeline_mode = #tpu.pipeline_mode<synchronous>, transform_indices = @transform_1, window_bounds = array<i64: 64, 768>}, {transform_indices = @transform_2, window_bounds = array<i64: 256, 64>}, {transform_indices = @transform_3, window_bounds = array<i64: 256, 64>}, {transform_indices = @transform_4, window_bounds = array<i64: 256, 64>}, {transform_indices = @transform_5, window_bounds = array<i64: 256, 64>}, {transform_indices = @transform_6, window_bounds = array<i64: 256, 2>}, {pipeline_mode = #tpu.pipeline_mode<synchronous>, transform_indices = @transform_7, window_bounds = array<i64: 1, 64>}]} {
    %eq3A = arith.constant 0 : i32
    %eq3A_0 = arith.cmpi eq, %arg0, %eq3A : i32
    %convert_element_type3A = arith.extui %eq3A_0 : i1 to i32
    %cond3A = arith.constant 0 : i32
    %cond3A_1 = arith.cmpi ne, %convert_element_type3A, %cond3A : i32
    scf.if %cond3A_1 {
      %broadcast_in_dim3A_78 = arith.constant 0.000000e+00 : f32
      %broadcast_in_dim3A_79 = vector.broadcast %broadcast_in_dim3A_78 : f32 to vector<1x64xf32>
      %swap3A_80 = arith.constant 0 : index
      %swap3A_81 = arith.constant 0 : index
      %swap3A_82 = vector.load %arg8[%swap3A_80, %swap3A_81] : memref<1x64xf32, #tpu.memory_space<vmem>>, vector<1x64xf32>
      tpu.vector_store %arg8[%swap3A_80, %swap3A_81], %broadcast_in_dim3A_79 {strides = array<i32>} : memref<1x64xf32, #tpu.memory_space<vmem>>, vector<1x64xf32>,
    } else {
    }
    %get3A = arith.constant 0 : index
    %get3A_2 = arith.constant 0 : index
    %get3A_3 = vector.load %arg8[%get3A, %get3A_2] : memref<1x64xf32, #tpu.memory_space<vmem>>, vector<1x64xf32>
    %get3A_4 = arith.constant 0 : index
    %get3A_5 = arith.constant 0 : index
    %get3A_6 = vector.load %arg1[%get3A_4, %get3A_5] : memref<256x768xf32, #tpu.memory_space<vmem>>, vector<256x768xf32>
    %get3A_7 = arith.constant 0 : index
    %get3A_8 = arith.constant 0 : index
    %get3A_9 = vector.load %arg2[%get3A_7, %get3A_8] : memref<64x768xf32, #tpu.memory_space<vmem>>, vector<64x768xf32>
    %dot_general3A = arith.constant dense<0.000000e+00> : vector<256x64xf32>
    %dot_general3A_10 = tpu.matmul %get3A_6, %get3A_9, %dot_general3A {dimension_numbers = #tpu.dot_dimension_numbers<[1], [1], [0], [0], [0, 0, 1, 0], [], []>, transpose_lhs_hint = false} : vector<256x768xf32>, vector<64x768xf32>, vector<256x64xf32> -> vector<256x64xf32>
    %iota3A = tpu.iota {dimensions = array<i32: 1>} : vector<256x64xi32>
    %reduce_max3A = arith.constant dense<0xFF800000> : vector<256xf32>
    %reduce_max3A_11 = vector.multi_reduction <maximumf>, %dot_general3A_10, %reduce_max3A [1] : vector<256x64xf32> to vector<256xf32>
    %broadcast_in_dim3A = vector.shape_cast %reduce_max3A_11 : vector<256xf32> to vector<256x1xf32>
    %eq3A_12 = vector.broadcast %broadcast_in_dim3A : vector<256x1xf32> to vector<256x64xf32>
    %eq3A_13 = arith.cmpf oeq, %dot_general3A_10, %eq3A_12 : vector<256x64xf32>
    %jit3A = arith.constant 64 : i32
    %broadcast_in_dim3A_14 = vector.broadcast %jit3A : i32 to vector<256x64xi32>
    %select_n3A = arith.select %eq3A_13, %iota3A, %broadcast_in_dim3A_14 : vector<256x64xi1>, vector<256x64xi32>
    %reduce_min3A = arith.constant dense<2147483647> : vector<256xi32>
    %reduce_min3A_15 = vector.multi_reduction <minsi>, %select_n3A, %reduce_min3A [1] : vector<256x64xi32> to vector<256xi32>
    %broadcast_in_dim3A_16 = vector.shape_cast %reduce_min3A_15 : vector<256xi32> to vector<256x1xi32>
    %eq3A_17 = vector.broadcast %broadcast_in_dim3A_16 : vector<256x1xi32> to vector<256x64xi32>
    %eq3A_18 = arith.cmpi eq, %iota3A, %eq3A_17 : vector<256x64xi32>
    %convert_element_type3A_19 = arith.extui %eq3A_18 : vector<256x64xi1> to vector<256x64xi32>
    %convert_element_type3A_20 = arith.sitofp %convert_element_type3A_19 : vector<256x64xi32> to vector<256x64xf32>
    %eq3A_21 = vector.broadcast %broadcast_in_dim3A_16 : vector<256x1xi32> to vector<256x64xi32>
    %eq3A_22 = arith.cmpi eq, %iota3A, %eq3A_21 : vector<256x64xi32>
    %jit3A_23 = arith.constant 0xFF800000 : f32
    %broadcast_in_dim3A_24 = vector.broadcast %jit3A_23 : f32 to vector<256x64xf32>
    %select_n3A_25 = arith.select %eq3A_22, %broadcast_in_dim3A_24, %dot_general3A_10 : vector<256x64xi1>, vector<256x64xf32>
    %reduce_max3A_26 = arith.constant dense<0xFF800000> : vector<256xf32>
    %reduce_max3A_27 = vector.multi_reduction <maximumf>, %select_n3A_25, %reduce_max3A_26 [1] : vector<256x64xf32> to vector<256xf32>
    %broadcast_in_dim3A_28 = vector.shape_cast %reduce_max3A_27 : vector<256xf32> to vector<256x1xf32>
    %eq3A_29 = vector.broadcast %broadcast_in_dim3A_28 : vector<256x1xf32> to vector<256x64xf32>
    %eq3A_30 = arith.cmpf oeq, %select_n3A_25, %eq3A_29 : vector<256x64xf32>
    %jit3A_31 = arith.constant 64 : i32
    %broadcast_in_dim3A_32 = vector.broadcast %jit3A_31 : i32 to vector<256x64xi32>
    %select_n3A_33 = arith.select %eq3A_30, %iota3A, %broadcast_in_dim3A_32 : vector<256x64xi1>, vector<256x64xi32>
    %reduce_min3A_34 = arith.constant dense<2147483647> : vector<256xi32>
    %reduce_min3A_35 = vector.multi_reduction <minsi>, %select_n3A_33, %reduce_min3A_34 [1] : vector<256x64xi32> to vector<256xi32>
    %broadcast_in_dim3A_36 = vector.shape_cast %reduce_min3A_35 : vector<256xi32> to vector<256x1xi32>
    %eq3A_37 = vector.broadcast %broadcast_in_dim3A_36 : vector<256x1xi32> to vector<256x64xi32>
    %eq3A_38 = arith.cmpi eq, %iota3A, %eq3A_37 : vector<256x64xi32>
    %convert_element_type3A_39 = arith.extui %eq3A_38 : vector<256x64xi1> to vector<256x64xi32>
    %convert_element_type3A_40 = arith.sitofp %convert_element_type3A_39 : vector<256x64xi32> to vector<256x64xf32>
    %sub3A = arith.subf %broadcast_in_dim3A_28, %broadcast_in_dim3A : vector<256x1xf32>
    %exp3A = math.exp %sub3A : vector<256x1xf32>
    %add3A = arith.constant 1.000000e+00 : f32
    %add3A_41 = vector.broadcast %add3A : f32 to vector<256x1xf32>
    %add3A_42 = arith.addf %add3A_41, %exp3A : vector<256x1xf32>
    %div3A = arith.constant 1.000000e+00 : f32
    %div3A_43 = vector.broadcast %div3A : f32 to vector<256x1xf32>
    %div3A_44 = arith.divf %div3A_43, %add3A_42 : vector<256x1xf32>
    %add3A_45 = arith.addf %convert_element_type3A_20, %convert_element_type3A_40 : vector<256x64xf32>
    %iota3A_46 = tpu.iota {dimensions = array<i32: 0>} : vector<256x256xi32>
    %iota3A_47 = tpu.iota {dimensions = array<i32: 1>} : vector<256x256xi32>
    %lt3A = arith.cmpi slt, %iota3A_47, %iota3A_46 : vector<256x256xi32>
    %convert_element_type3A_48 = arith.extui %lt3A : vector<256x256xi1> to vector<256x256xi32>
    %convert_element_type3A_49 = arith.sitofp %convert_element_type3A_48 : vector<256x256xi32> to vector<256x256xf32>
    %dot_general3A_50 = arith.constant dense<0.000000e+00> : vector<256x64xf32>
    %dot_general3A_51 = tpu.matmul %convert_element_type3A_49, %add3A_45, %dot_general3A_50 {dimension_numbers = #tpu.dot_dimension_numbers<[1], [0], [0], [1], [0, 0, 1, 1], [], []>, transpose_lhs_hint = false} : vector<256x256xf32>, vector<256x64xf32>, vector<256x64xf32> -> vector<256x64xf32>
    %add3A_52 = vector.broadcast %get3A_3 : vector<1x64xf32> to vector<256x64xf32>
    %add3A_53 = arith.addf %dot_general3A_51, %add3A_52 : vector<256x64xf32>
    %swap3A = arith.constant 0 : index
    %swap3A_54 = arith.constant 0 : index
    %swap3A_55 = vector.load %arg3[%swap3A, %swap3A_54] : memref<256x64xf32, #tpu.memory_space<vmem>>, vector<256x64xf32>
    tpu.vector_store %arg3[%swap3A, %swap3A_54], %convert_element_type3A_20 {strides = array<i32>} : memref<256x64xf32, #tpu.memory_space<vmem>>, vector<256x64xf32>,
    %swap3A_56 = arith.constant 0 : index
    %swap3A_57 = arith.constant 0 : index
    %swap3A_58 = vector.load %arg4[%swap3A_56, %swap3A_57] : memref<256x64xf32, #tpu.memory_space<vmem>>, vector<256x64xf32>
    tpu.vector_store %arg4[%swap3A_56, %swap3A_57], %convert_element_type3A_40 {strides = array<i32>} : memref<256x64xf32, #tpu.memory_space<vmem>>, vector<256x64xf32>,
    %mul3A = arith.mulf %add3A_53, %convert_element_type3A_20 : vector<256x64xf32>
    %swap3A_59 = arith.constant 0 : index
    %swap3A_60 = arith.constant 0 : index
    %swap3A_61 = vector.load %arg5[%swap3A_59, %swap3A_60] : memref<256x64xf32, #tpu.memory_space<vmem>>, vector<256x64xf32>
    tpu.vector_store %arg5[%swap3A_59, %swap3A_60], %mul3A {strides = array<i32>} : memref<256x64xf32, #tpu.memory_space<vmem>>, vector<256x64xf32>,
    %mul3A_62 = arith.mulf %add3A_53, %convert_element_type3A_40 : vector<256x64xf32>
    %swap3A_63 = arith.constant 0 : index
    %swap3A_64 = arith.constant 0 : index
    %swap3A_65 = vector.load %arg6[%swap3A_63, %swap3A_64] : memref<256x64xf32, #tpu.memory_space<vmem>>, vector<256x64xf32>
    tpu.vector_store %arg6[%swap3A_63, %swap3A_64], %mul3A_62 {strides = array<i32>} : memref<256x64xf32, #tpu.memory_space<vmem>>, vector<256x64xf32>,
    %sub3A_66 = arith.constant 1.000000e+00 : f32
    %sub3A_67 = vector.broadcast %sub3A_66 : f32 to vector<256x1xf32>
    %sub3A_68 = arith.subf %sub3A_67, %div3A_44 : vector<256x1xf32>
    %concatenate3A = tpu.concatenate %div3A_44, %sub3A_68 in 1 : vector<256x1xf32>, vector<256x1xf32> -> vector<256x2xf32>
    %swap3A_69 = arith.constant 0 : index
    %swap3A_70 = arith.constant 0 : index
    %swap3A_71 = vector.load %arg7[%swap3A_69, %swap3A_70] : memref<256x2xf32, #tpu.memory_space<vmem>>, vector<256x2xf32>
    tpu.vector_store %arg7[%swap3A_69, %swap3A_70], %concatenate3A {strides = array<i32>} : memref<256x2xf32, #tpu.memory_space<vmem>>, vector<256x2xf32>,
    %reduce_sum3A = arith.constant dense<0.000000e+00> : vector<64xf32>
    %reduce_sum3A_72 = vector.multi_reduction <add>, %add3A_45, %reduce_sum3A [0] : vector<256x64xf32> to vector<64xf32>
    %broadcast_in_dim3A_73 = vector.shape_cast %reduce_sum3A_72 : vector<64xf32> to vector<1x64xf32>
    %add3A_74 = arith.addf %get3A_3, %broadcast_in_dim3A_73 : vector<1x64xf32>
    %swap3A_75 = arith.constant 0 : index
    %swap3A_76 = arith.constant 0 : index
    %swap3A_77 = vector.load %arg8[%swap3A_75, %swap3A_76] : memref<1x64xf32, #tpu.memory_space<vmem>>, vector<1x64xf32>
    tpu.vector_store %arg8[%swap3A_75, %swap3A_76], %add3A_74 {strides = array<i32>} : memref<1x64xf32, #tpu.memory_space<vmem>>, vector<1x64xf32>,
    return
  }
  func.func @transform_0(%arg0: i32) -> (i32, i32) {
    %c0_i32 = arith.constant 0 : i32
    %c0_i32_0 = arith.constant 0 : i32
    return %arg0, %c0_i32 : i32, i32
  }
  func.func @transform_1(%arg0: i32) -> (i32, i32) {
    %c0_i32 = arith.constant 0 : i32
    %c0_i32_0 = arith.constant 0 : i32
    %c0_i32_1 = arith.constant 0 : i32
    return %c0_i32, %c0_i32_0 : i32, i32
  }
  func.func @transform_2(%arg0: i32) -> (i32, i32) {
    %c0_i32 = arith.constant 0 : i32
    %c0_i32_0 = arith.constant 0 : i32
    return %arg0, %c0_i32 : i32, i32
  }
  func.func @transform_3(%arg0: i32) -> (i32, i32) {
    %c0_i32 = arith.constant 0 : i32
    %c0_i32_0 = arith.constant 0 : i32
    return %arg0, %c0_i32 : i32, i32
  }
  func.func @transform_4(%arg0: i32) -> (i32, i32) {
    %c0_i32 = arith.constant 0 : i32
    %c0_i32_0 = arith.constant 0 : i32
    return %arg0, %c0_i32 : i32, i32
  }
  func.func @transform_5(%arg0: i32) -> (i32, i32) {
    %c0_i32 = arith.constant 0 : i32
    %c0_i32_0 = arith.constant 0 : i32
    return %arg0, %c0_i32 : i32, i32
  }
  func.func @transform_6(%arg0: i32) -> (i32, i32) {
    %c0_i32 = arith.constant 0 : i32
    %c0_i32_0 = arith.constant 0 : i32
    return %arg0, %c0_i32 : i32, i32
  }
  func.func @transform_7(%arg0: i32) -> (i32, i32) {
    %c0_i32 = arith.constant 0 : i32
    %c0_i32_0 = arith.constant 0 : i32
    %c0_i32_1 = arith.constant 0 : i32
    return %c0_i32, %c0_i32_0 : i32, i32
  }
}

module attributes {stable_mosaic.version = 14 : i64} {
  func.func @_ffn_body(%arg0: i32, %arg1: i32, %arg2: memref<65xi32, #tpu.memory_space<smem>>, %arg3: memref<4736x768xf32, #tpu.memory_space<vmem>>, %arg4: memref<1x768x1536xf32, #tpu.memory_space<vmem>>, %arg5: memref<1x1536x768xf32, #tpu.memory_space<vmem>>, %arg6: memref<4736x768xf32, #tpu.memory_space<vmem>>) attributes {dimension_semantics = [#tpu.dimension_semantics<arbitrary>, #tpu.dimension_semantics<arbitrary>], iteration_bounds = array<i64: 64, 2>, scalar_prefetch = 1 : i64, scratch_operands = 0 : i64, tpu.core_type = #tpu.core_type<tc>, window_params = [{pipeline_mode = #tpu.pipeline_mode<synchronous>, transform_indices = @transform_0, window_bounds = array<i64: 4736, 768>}, {transform_indices = @transform_1, window_bounds = array<i64: 1, 768, 1536>}, {transform_indices = @transform_2, window_bounds = array<i64: 1, 1536, 768>}, {pipeline_mode = #tpu.pipeline_mode<synchronous>, transform_indices = @transform_3, window_bounds = array<i64: 4736, 768>}]} {
    %get3A = arith.index_cast %arg0 : i32 to index
    %get3A_0 = memref.load %arg2[%get3A] : memref<65xi32, #tpu.memory_space<smem>>
    %add3A = arith.constant 1 : i32
    %add3A_1 = arith.addi %arg0, %add3A : i32
    %get3A_2 = arith.index_cast %add3A_1 : i32 to index
    %get3A_3 = memref.load %arg2[%get3A_2] : memref<65xi32, #tpu.memory_space<smem>>
    %sub3A = arith.subi %get3A_3, %get3A_0 : i32
    %add3A_4 = arith.constant 128 : i32
    %add3A_5 = arith.addi %sub3A, %add3A_4 : i32
    %sub3A_6 = arith.constant 1 : i32
    %sub3A_7 = arith.subi %add3A_5, %sub3A_6 : i32
    %jit3A = arith.constant 128 : i32
    %div3A = arith.divsi %sub3A_7, %jit3A : i32
    %sign3A = arith.constant 0 : i32
    %sign3A_8 = arith.cmpi sgt, %sub3A_7, %sign3A : i32
    %sign3A_9 = arith.extui %sign3A_8 : i1 to i32
    %sign3A_10 = arith.constant 0 : i32
    %sign3A_11 = arith.cmpi slt, %sub3A_7, %sign3A_10 : i32
    %sign3A_12 = arith.extui %sign3A_11 : i1 to i32
    %sign3A_13 = arith.subi %sign3A_9, %sign3A_12 : i32
    %sign3A_14 = arith.constant 0 : i32
    %sign3A_15 = arith.cmpi sgt, %jit3A, %sign3A_14 : i32
    %sign3A_16 = arith.extui %sign3A_15 : i1 to i32
    %sign3A_17 = arith.constant 0 : i32
    %sign3A_18 = arith.cmpi slt, %jit3A, %sign3A_17 : i32
    %sign3A_19 = arith.extui %sign3A_18 : i1 to i32
    %sign3A_20 = arith.subi %sign3A_16, %sign3A_19 : i32
    %ne3A = arith.cmpi ne, %sign3A_13, %sign3A_20 : i32
    %rem3A = arith.remsi %sub3A_7, %jit3A : i32
    %ne3A_21 = arith.constant 0 : i32
    %ne3A_22 = arith.cmpi ne, %rem3A, %ne3A_21 : i32
    %and3A = arith.andi %ne3A, %ne3A_22 : i1
    %sub3A_23 = arith.constant 1 : i32
    %sub3A_24 = arith.subi %div3A, %sub3A_23 : i32
    %select_n3A = arith.select %and3A, %sub3A_24, %div3A : i32
    %get3A_25 = arith.constant 0 : index
    %get3A_26 = arith.constant 0 : index
    %get3A_27 = arith.constant 0 : index
    %get3A_28 = vector.load %arg4[%get3A_25, %get3A_26, %get3A_27] : memref<1x768x1536xf32, #tpu.memory_space<vmem>>, vector<1x768x1536xf32>
    %get3A_29 = vector.shape_cast %get3A_28 : vector<1x768x1536xf32> to vector<768x1536xf32>
    %get3A_30 = arith.constant 0 : index
    %get3A_31 = arith.constant 0 : index
    %get3A_32 = arith.constant 0 : index
    %get3A_33 = vector.load %arg5[%get3A_30, %get3A_31, %get3A_32] : memref<1x1536x768xf32, #tpu.memory_space<vmem>>, vector<1x1536x768xf32>
    %get3A_34 = vector.shape_cast %get3A_33 : vector<1x1536x768xf32> to vector<1536x768xf32>
    %while3A = arith.constant 0 : i32
    %while3A_35 = arith.constant 0 : i32
    %while3A_36 = arith.subi %select_n3A, %while3A : i32
    %while3A_37 = arith.addi %while3A, %while3A_36 : i32
    %while3A_38 = arith.constant 1 : i32
    %while3A_39 = arith.divsi %while3A_36, %while3A_38 : i32
    %while3A_40 = arith.muli %while3A_39, %while3A_38 : i32
    %while3A_41 = arith.addi %while3A, %while3A_40 : i32
    %while3A_42 = arith.constant 1 : i32
    %while3A_43 = scf.for %while3A_46 = %while3A to %while3A_41 step %while3A_42 iter_args(%while3A_47 = %while3A_35) -> (i32)  : i32 {
      %mul3A = arith.constant 128 : i32
      %mul3A_48 = arith.muli %while3A_46, %mul3A : i32
      %add3A_49 = arith.addi %get3A_0, %mul3A_48 : i32
      %multiple_of3A = tpu.assume_multiple %add3A_49, 8 : i32
      %get3A_50 = arith.index_cast %multiple_of3A : i32 to index
      %get3A_51 = arith.constant 0 : index
      %get3A_52 = vector.load %arg3[%get3A_50, %get3A_51] : memref<4736x768xf32, #tpu.memory_space<vmem>>, vector<128x768xf32>
      %dot_general3A = arith.constant dense<0.000000e+00> : vector<128x1536xf32>
      %dot_general3A_53 = tpu.matmul %get3A_52, %get3A_29, %dot_general3A {dimension_numbers = #tpu.dot_dimension_numbers<[1], [0], [0], [1], [0, 0, 1, 1], [], []>, transpose_lhs_hint = false} : vector<128x768xf32>, vector<768x1536xf32>, vector<128x1536xf32> -> vector<128x1536xf32>
      %mul3A_54 = arith.constant 5.000000e-01 : f32
      %mul3A_55 = vector.broadcast %mul3A_54 : f32 to vector<128x1536xf32>
      %mul3A_56 = arith.mulf %dot_general3A_53, %mul3A_55 : vector<128x1536xf32>
      %mul3A_57 = arith.constant 0.707106769 : f32
      %mul3A_58 = vector.broadcast %mul3A_57 : f32 to vector<128x1536xf32>
      %mul3A_59 = arith.mulf %dot_general3A_53, %mul3A_58 : vector<128x1536xf32>
      %erf3A = math.erf %mul3A_59 : vector<128x1536xf32>
      %add3A_60 = arith.constant 1.000000e+00 : f32
      %add3A_61 = vector.broadcast %add3A_60 : f32 to vector<128x1536xf32>
      %add3A_62 = arith.addf %add3A_61, %erf3A : vector<128x1536xf32>
      %mul3A_63 = arith.mulf %mul3A_56, %add3A_62 : vector<128x1536xf32>
      %dot_general3A_64 = arith.constant dense<0.000000e+00> : vector<128x768xf32>
      %dot_general3A_65 = tpu.matmul %mul3A_63, %get3A_34, %dot_general3A_64 {dimension_numbers = #tpu.dot_dimension_numbers<[1], [0], [0], [1], [0, 0, 1, 1], [], []>, transpose_lhs_hint = false} : vector<128x1536xf32>, vector<1536x768xf32>, vector<128x768xf32> -> vector<128x768xf32>
      %eq3A = arith.constant 0 : i32
      %eq3A_66 = arith.cmpi eq, %arg1, %eq3A : i32
      %convert_element_type3A = arith.extui %eq3A_66 : i1 to i32
      %cond3A = arith.constant 0 : i32
      %cond3A_67 = arith.cmpi ne, %convert_element_type3A, %cond3A : i32
      scf.if %cond3A_67 {
        %swap3A = arith.index_cast %multiple_of3A : i32 to index
        %swap3A_74 = arith.constant 0 : index
        %swap3A_75 = vector.load %arg6[%swap3A, %swap3A_74] : memref<4736x768xf32, #tpu.memory_space<vmem>>, vector<128x768xf32>
        tpu.vector_store %arg6[%swap3A, %swap3A_74], %dot_general3A_65 {strides = array<i32>} : memref<4736x768xf32, #tpu.memory_space<vmem>>, vector<128x768xf32>,
      } else {
      }
      %ne3A_68 = arith.constant 0 : i32
      %ne3A_69 = arith.cmpi ne, %arg1, %ne3A_68 : i32
      %convert_element_type3A_70 = arith.extui %ne3A_69 : i1 to i32
      %cond3A_71 = arith.constant 0 : i32
      %cond3A_72 = arith.cmpi ne, %convert_element_type3A_70, %cond3A_71 : i32
      scf.if %cond3A_72 {
        %get3A_74 = arith.index_cast %multiple_of3A : i32 to index
        %get3A_75 = arith.constant 0 : index
        %get3A_76 = vector.load %arg6[%get3A_74, %get3A_75] : memref<4736x768xf32, #tpu.memory_space<vmem>>, vector<128x768xf32>
        %add3A_77 = arith.addf %get3A_76, %dot_general3A_65 : vector<128x768xf32>
        %swap3A = arith.index_cast %multiple_of3A : i32 to index
        %swap3A_78 = arith.constant 0 : index
        %swap3A_79 = vector.load %arg6[%swap3A, %swap3A_78] : memref<4736x768xf32, #tpu.memory_space<vmem>>, vector<128x768xf32>
        tpu.vector_store %arg6[%swap3A, %swap3A_78], %add3A_77 {strides = array<i32>} : memref<4736x768xf32, #tpu.memory_space<vmem>>, vector<128x768xf32>,
      } else {
      }
      %while3A_73 = arith.constant 0 : i32
      scf.yield %while3A_73 : i32
    }
    %while3A_44 = arith.constant 1 : i32
    %while3A_45 = scf.for %while3A_46 = %while3A_41 to %while3A_37 step %while3A_44 iter_args(%while3A_47 = %while3A_43) -> (i32)  : i32 {
      %mul3A = arith.constant 128 : i32
      %mul3A_48 = arith.muli %while3A_46, %mul3A : i32
      %add3A_49 = arith.addi %get3A_0, %mul3A_48 : i32
      %multiple_of3A = tpu.assume_multiple %add3A_49, 8 : i32
      %get3A_50 = arith.index_cast %multiple_of3A : i32 to index
      %get3A_51 = arith.constant 0 : index
      %get3A_52 = vector.load %arg3[%get3A_50, %get3A_51] : memref<4736x768xf32, #tpu.memory_space<vmem>>, vector<128x768xf32>
      %dot_general3A = arith.constant dense<0.000000e+00> : vector<128x1536xf32>
      %dot_general3A_53 = tpu.matmul %get3A_52, %get3A_29, %dot_general3A {dimension_numbers = #tpu.dot_dimension_numbers<[1], [0], [0], [1], [0, 0, 1, 1], [], []>, transpose_lhs_hint = false} : vector<128x768xf32>, vector<768x1536xf32>, vector<128x1536xf32> -> vector<128x1536xf32>
      %mul3A_54 = arith.constant 5.000000e-01 : f32
      %mul3A_55 = vector.broadcast %mul3A_54 : f32 to vector<128x1536xf32>
      %mul3A_56 = arith.mulf %dot_general3A_53, %mul3A_55 : vector<128x1536xf32>
      %mul3A_57 = arith.constant 0.707106769 : f32
      %mul3A_58 = vector.broadcast %mul3A_57 : f32 to vector<128x1536xf32>
      %mul3A_59 = arith.mulf %dot_general3A_53, %mul3A_58 : vector<128x1536xf32>
      %erf3A = math.erf %mul3A_59 : vector<128x1536xf32>
      %add3A_60 = arith.constant 1.000000e+00 : f32
      %add3A_61 = vector.broadcast %add3A_60 : f32 to vector<128x1536xf32>
      %add3A_62 = arith.addf %add3A_61, %erf3A : vector<128x1536xf32>
      %mul3A_63 = arith.mulf %mul3A_56, %add3A_62 : vector<128x1536xf32>
      %dot_general3A_64 = arith.constant dense<0.000000e+00> : vector<128x768xf32>
      %dot_general3A_65 = tpu.matmul %mul3A_63, %get3A_34, %dot_general3A_64 {dimension_numbers = #tpu.dot_dimension_numbers<[1], [0], [0], [1], [0, 0, 1, 1], [], []>, transpose_lhs_hint = false} : vector<128x1536xf32>, vector<1536x768xf32>, vector<128x768xf32> -> vector<128x768xf32>
      %eq3A = arith.constant 0 : i32
      %eq3A_66 = arith.cmpi eq, %arg1, %eq3A : i32
      %convert_element_type3A = arith.extui %eq3A_66 : i1 to i32
      %cond3A = arith.constant 0 : i32
      %cond3A_67 = arith.cmpi ne, %convert_element_type3A, %cond3A : i32
      scf.if %cond3A_67 {
        %swap3A = arith.index_cast %multiple_of3A : i32 to index
        %swap3A_74 = arith.constant 0 : index
        %swap3A_75 = vector.load %arg6[%swap3A, %swap3A_74] : memref<4736x768xf32, #tpu.memory_space<vmem>>, vector<128x768xf32>
        tpu.vector_store %arg6[%swap3A, %swap3A_74], %dot_general3A_65 {strides = array<i32>} : memref<4736x768xf32, #tpu.memory_space<vmem>>, vector<128x768xf32>,
      } else {
      }
      %ne3A_68 = arith.constant 0 : i32
      %ne3A_69 = arith.cmpi ne, %arg1, %ne3A_68 : i32
      %convert_element_type3A_70 = arith.extui %ne3A_69 : i1 to i32
      %cond3A_71 = arith.constant 0 : i32
      %cond3A_72 = arith.cmpi ne, %convert_element_type3A_70, %cond3A_71 : i32
      scf.if %cond3A_72 {
        %get3A_74 = arith.index_cast %multiple_of3A : i32 to index
        %get3A_75 = arith.constant 0 : index
        %get3A_76 = vector.load %arg6[%get3A_74, %get3A_75] : memref<4736x768xf32, #tpu.memory_space<vmem>>, vector<128x768xf32>
        %add3A_77 = arith.addf %get3A_76, %dot_general3A_65 : vector<128x768xf32>
        %swap3A = arith.index_cast %multiple_of3A : i32 to index
        %swap3A_78 = arith.constant 0 : index
        %swap3A_79 = vector.load %arg6[%swap3A, %swap3A_78] : memref<4736x768xf32, #tpu.memory_space<vmem>>, vector<128x768xf32>
        tpu.vector_store %arg6[%swap3A, %swap3A_78], %add3A_77 {strides = array<i32>} : memref<4736x768xf32, #tpu.memory_space<vmem>>, vector<128x768xf32>,
      } else {
      }
      %while3A_73 = arith.constant 0 : i32
      scf.yield %while3A_73 : i32
    }
    return
  }
  func.func @transform_0(%arg0: i32, %arg1: i32, %arg2: memref<65xi32, #tpu.memory_space<smem>>) -> (i32, i32) {
    %c0_i32 = arith.constant 0 : i32
    %c0_i32_0 = arith.constant 0 : i32
    %c0_i32_1 = arith.constant 0 : i32
    return %c0_i32, %c0_i32_0 : i32, i32
  }
  func.func @transform_1(%arg0: i32, %arg1: i32, %arg2: memref<65xi32, #tpu.memory_space<smem>>) -> (i32, i32, i32) {
    %c0_i32 = arith.constant 0 : i32
    %c0_i32_0 = arith.constant 0 : i32
    return %arg0, %c0_i32, %arg1 : i32, i32, i32
  }
  func.func @transform_2(%arg0: i32, %arg1: i32, %arg2: memref<65xi32, #tpu.memory_space<smem>>) -> (i32, i32, i32) {
    %c0_i32 = arith.constant 0 : i32
    %c0_i32_0 = arith.constant 0 : i32
    return %arg0, %arg1, %c0_i32 : i32, i32, i32
  }
  func.func @transform_3(%arg0: i32, %arg1: i32, %arg2: memref<65xi32, #tpu.memory_space<smem>>) -> (i32, i32) {
    %c0_i32 = arith.constant 0 : i32
    %c0_i32_0 = arith.constant 0 : i32
    %c0_i32_1 = arith.constant 0 : i32
    return %c0_i32, %c0_i32_0 : i32, i32
  }
}

</mosaic_0001>

<sc_bundles>
// kernel: kernel.10.cloned.1.call-start
scs
__scs_entry_jumppad:
0x0: {  	(pc) =	sbr.rel $0x88, $3  }
0x1: {  	(tag) =	ssettag $0x0;
	lr =	simm.s32 $0x1  }
0x2: {  	[smem:$0x3F9D] =	sst lr;
	_ =	strace $0xD0000000  }
0x3: {  	_ = 	snop  }
0x4: {  	_ = 	snop  }
0x5: {  	_ = 	snop  }
0x6: {  	_ = 	snop  }
0x7: {  	_ = 	snop  }
__scs_overlays_trampoline_lowered:
0x8: {  	[smem:$0x3FAC] =	sst s0  }
0x9: {  	[smem:$0x3FAD] =	sst s1  }
0xa: {  	[smem:$0x3FAE] =	sst s2  }
0xb: {  	[smem:$0x3FAF] =	sst s3  }
0xc: {  	[smem:$0x3FB0] =	sst s4  }
0xd: {  	[smem:$0x3FB1] =	sst s5  }
0xe: {  	[smem:$0x3FB2] =	sst s6  }
0xf: {  	[smem:$0x3FB3] =	sst s7  }
0x10: {  	[smem:$0x3FB4] =	sst s8  }
0x11: {  	[smem:$0x3FB5] =	sst s9;
	s0 =	simm.s32 @!p0 $0x0  }
0x12: {  	s1 =	sld [smem:$0x3F9B];
	s0 =	simm.s32 @p0 $0x1  }
0x13: {  	[smem:$0x3FB6] =	sst s0;
	s0 =	simm.s32 @!p1 $0x0  }
0x14: {  	s2 =	sld [smem:$0x3F9A];
	s0 =	simm.s32 @p1 $0x1  }
0x15: {  	[smem:$0x3FB7] =	sst s0;
	s0 =	simm.s32 @!p2 $0x0  }
0x16: {  	s3 =	sld [smem:$0x3FDB];
	s0 =	simm.s32 @p2 $0x1  }
0x17: {  	s4 =	simm.s32 $0x1BF5;
	[smem:$0x3FB9] =	sst s0  }
0x18: {  	s0 =	sld [smem:$0x3F9C];
	_ =	swait.ge [sflag:s4], $0x0  }
0x19: {  	s7 =	sld [smem:$0x3F9D]  }
0x1a: {  	s8 =	sadd.s32 $0xFFFFE003, lr  }
0x1b: {  	s9 =	sadd.s32 $0xFFFFFEF7, lr;
	s5 =	simm.s32 $0xFFFFFFFF;
	p2 =	slt.u32 s8, $0xFFFFF086  }
0x1c: {  	p1 =	slt.u32 s9, $0xF7A;
	s5 =	simm.s32 @!p2 $0x0  }
0x1d: {  	s5 =	simm.s32 @p1 $0x1;
	p0 =	seq.s32 s7, s2  }
0x1e: {  	s7 =	smul.u32 @!p0 $0xF7A, s2;
	p2 =	seq.s32 @!p0 s5, $0x0  }
0x1f: {  	s9 =	smul.u32 $0xF7A, s1;
	s8 =	simm.s32 @!p0 $0x1BF5;
	p2 =	por !p2, p0  }
0x20: {  	[sflag:s8] =	ssyncset.s32 @!p0 $0xFFFFF086;
	s6 =	sadd.s32 @!p0 s3, s7;
	s7 =	simm.s32 @!p0 $0x108  }
0x21: {  	s3 =	sadd.s32 s3, s9;
	s6 =	sadd.s32 @!p0 $0x88, s6;
	s7 =	simm.s32 @p2 $0x1082  }
0x22: {  	[simem:s7], [sflag:s8] =	dma.local @!p0 [hbm:s6], $0xF7A  }
0x23: {  	s9 =	sor.u32 $0xD0000000, s2;
	s6 =	simm.s32 $0x108;
	_ =	swait.ge @!p0 [sflag:s8], $0x0  }
0x24: {  	s3 =	sadd.s32 $0x88, s3;
	s6 =	simm.s32 @!p1 $0x1082;
	[sflag:s4] =	ssyncset.s32 $0xFFFFF086  }
0x25: {  	[simem:s6], [sflag:s4] =	dma.local [hbm:s3], $0xF7A  }
0x26: {  	[smem:$0x3F9D] =	sst s1;
	(tag) =	ssettag s2;
	_ =	strace s9  }
0x27: {  	s1 =	sld [smem:$0x3FAD]  }
0x28: {  	s2 =	sld [smem:$0x3FAE]  }
0x29: {  	s4 =	sld [smem:$0x3FB0]  }
0x2a: {  	p0 =	seq.s32 s5, $0x0;
	s5 =	sld [smem:$0x3FB1]  }
0x2b: {  	s6 =	sld [smem:$0x3FB2]  }
0x2c: {  	s7 =	sld [smem:$0x3FB3]  }
0x2d: {  	s3 =	simm.s32 $0x108;
	s8 =	sld [smem:$0x3FB4]  }
0x2e: {  	s3 =	simm.s32 @!p0 $0x1082;
	s9 =	sld [smem:$0x3FB5]  }
0x2f: {  	lr =	sadd.s32 s0, s3;
	s0 =	sld [smem:$0x3FAC]  }
0x30: {  	s3 =	sld [smem:$0x3FAF]  }
0x31: {  	[smem:$0x3FB8] =	sst s10  }
0x32: {  	s10 =	sld [smem:$0x3FB6];
	_ =	sdelay $0x3  }
0x33: {  	p0 =	seq.s32 s10, $0x1;
	s10 =	sld [smem:$0x3FB8];
	_ =	sdelay $0x3  }
0x34: {  	[smem:$0x3FB8] =	sst s10  }
0x35: {  	s10 =	sld [smem:$0x3FB7];
	_ =	sdelay $0x3  }
0x36: {  	p1 =	seq.s32 s10, $0x1;
	s10 =	sld [smem:$0x3FB8];
	_ =	sdelay $0x3  }
0x37: {  	[smem:$0x3FB8] =	sst s10  }
0x38: {  	s10 =	sld [smem:$0x3FB9]  }
0x39: {  	_ = 	snop;
	(pc) =	sbr.ind lr, $3  }
0x3a: {  	_ = 	snop  }
0x3b: {  	_ = 	snop  }
0x3c: {  	p2 =	seq.s32 s10, $0x1;
	s10 =	sld [smem:$0x3FB8]  }
0x3d: {  	_ =	shalt  }
0x3e: {  	_ =	shalt  }
0x3f: {  	_ =	shalt  }
0x40: {  	_ =	shalt  }
0x41: {  	_ =	shalt  }
0x42: {  	_ =	shalt  }
0x43: {  	_ =	shalt  }
0x44: {  	_ =	shalt  }
0x45: {  	_ =	shalt  }
0x46: {  	_ =	shalt  }
0x47: {  	_ =	shalt  }
0x48: {  	_ =	shalt  }
0x49: {  	_ =	shalt  }
0x4a: {  	_ =	shalt  }
0x4b: {  	_ =	shalt  }
0x4c: {  	_ =	shalt  }
0x4d: {  	_ =	shalt  }
0x4e: {  	_ =	shalt  }
0x4f: {  	_ =	shalt  }
0x50: {  	_ =	shalt  }
0x51: {  	_ =	shalt  }
0x52: {  	_ =	shalt  }
0x53: {  	_ =	shalt  }
0x54: {  	_ =	shalt  }
0x55: {  	_ =	shalt  }
0x56: {  	_ =	shalt  }
0x57: {  	_ =	shalt  }
0x58: {  	_ =	shalt  }
0x59: {  	_ =	shalt  }
0x5a: {  	_ =	shalt  }
0x5b: {  	_ =	shalt  }
0x5c: {  	_ =	shalt  }
0x5d: {  	_ =	shalt  }
0x5e: {  	_ =	shalt  }
0x5f: {  	_ =	shalt  }
0x60: {  	_ =	shalt  }
0x61: {  	_ =	shalt  }
0x62: {  	_ =	shalt  }
0x63: {  	_ =	shalt  }
0x64: {  	_ =	shalt  }
0x65: {  	_ =	shalt  }
0x66: {  	_ =	shalt  }
0x67: {  	_ =	shalt  }
0x68: {  	_ =	shalt  }
0x69: {  	_ =	shalt  }
0x6a: {  	_ =	shalt  }
0x6b: {  	_ =	shalt  }
0x6c: {  	_ =	shalt  }
0x6d: {  	_ =	shalt  }
0x6e: {  	_ =	shalt  }
0x6f: {  	_ =	shalt  }
0x70: {  	_ =	shalt  }
0x71: {  	_ =	shalt  }
0x72: {  	_ =	shalt  }
0x73: {  	_ =	shalt  }
0x74: {  	_ =	shalt  }
0x75: {  	_ =	shalt  }
0x76: {  	_ =	shalt  }
0x77: {  	_ =	shalt  }
0x78: {  	_ =	shalt  }
0x79: {  	_ =	shalt  }
0x7a: {  	_ =	shalt  }
0x7b: {  	_ =	shalt  }
0x7c: {  	_ =	shalt  }
0x7d: {  	_ =	shalt  }
0x7e: {  	_ =	shalt  }
0x7f: {  	_ =	shalt  }
0x80: {  	_ =	shalt  }
0x81: {  	_ =	shalt  }
0x82: {  	_ =	shalt  }
0x83: {  	_ =	shalt  }
0x84: {  	_ =	shalt  }
0x85: {  	_ =	shalt  }
0x86: {  	_ =	shalt  }
0x87: {  	_ =	shalt  }
.Lfunc_end0:
.L_simem_size_0:
called_computation.1_lowered:
.L_overlay_start_0:
0x88: {  	s2 =	sld [smem:$0x3FD9]  }
0x89: {  	s3 =	sld [smem:$0x3FFE];
	_ =	sdelay $0x1  }
0x8a: {  	s1 =	srdreg.scid  }
0x8b: {  	s0 =	sand.u32 $0x1, s1  }
0x8c: {  	s17 =	sshll.u32 s0, $0xA;
	s2 =	sadd.s32 s3, s2  }
0x8d: {  	s2 =	sadd.s32 s2, s17  }
0x8e: {  	[smem:$0x3FC4] =	sst s2  }
0x8f: {  	_ = 	snop  }
0x90: {  	s2 =	sld [smem:$0x3FD0];
	(tm) =	ssettm $0x1  }
0x91: {  	s18 =	sld [smem:$0x3FFB];
	_ =	sdelay $0x3  }
0x92: {  	_ =	strace s18  }
0x93: {  	s3 =	sld [smem:$0x3FFC];
	_ =	sdelay $0x3  }
0x94: {  	_ =	strace s3  }
0x95: {  	s3 =	sld [smem:$0x3FFD];
	_ =	sdelay $0x3  }
0x96: {  	_ =	strace s3  }
0x97: {  	_ =	strace $0x8FFFFFFF  }
0x98: {  	s19 =	sld [smem:$0x3FDB];
	_ =	sdelay $0x1  }
0x99: {  	s4 =	simm.s32 $_scs_section_size  }
0x9a: {  	s5 =	simm.s32 $_size__tile_overlayer_lowered;
	s6 =	simm.s32 $_tile_overlayer_lowered  }
0x9b: {  	s22 =	simm.s32 $0x1BFF;
	s21 =	sshll.u32 s6, $0x1;
	s3 =	sadd.s32 s4, s19  }
0x9c: {  	s7 =	simm.s32 $0x0;
	s20 =	sshll.u32 s5, $0x1;
	s5 =	sadd.s32 s21, s3  }
0x9d: {  	[timem:s7], [sflag:s22] =	dma.local [hbm:s5], s20  }
0x9e: {  	_ =	swait.ge [sflag:s22], s20  }
0x9f: {  	s4 =	ssub.s32 $0x0, s20;
	[sflag:s22] =	ssyncset.done $0x0  }
0xa0: {  	[sflag:s22] =	ssyncadd.s32 s4;
	_ =	sdelay $0x1  }
0xa1: {  	s23 =	simm.s32 $0x1B8B  }
0xa2: {  	_ =	swait.ge [sflag:s23], $0x1  }
0xa3: {  	[sflag:s23] =	ssyncset.done $0x0  }
0xa4: {  	s25 =	simm.s32 $0x1B8E;
	s24 =	sld [smem:$0x3FFE];
	[sflag:s23] =	ssyncadd.s32 $0xFFFFFFFF  }
0xa5: {  	s26 =	simm.s32 $execute0_lowered;
	[smem:$0x3FD2] =	sst s25  }
0xa6: {  	s5 =	sshll.u32 s26, $0x1;
	_ =	strace $0x80000049;
	[dreg:$0x1] =	wrdreg $0xFFFFFFFF  }
0xa7: {  	s28 =	simm.s32 $_size_execute0_lowered;
	s3 =	sadd.s32 s3, s5;
	[dreg:$0x0] =	wrdreg $0x0  }
0xa8: {  	s5 =	sshll.u32 s28, $0x1;
	[dreg:$0x2] =	wrdreg s3  }
0xa9: {  	[dreg:$0x3] =	wrdreg s5  }
0xaa: {  	[dreg:$0x4] =	wrdreg $0xC0  }
0xab: {  	_ =	task [dreg:s7], $0x5FFFF  }
0xac: {  	[dreg:$0x1] =	wrdreg $0xFFFFFFFF  }
0xad: {  	[dreg:$0x0] =	wrdreg $0x60  }
0xae: {  	[dreg:$0x2] =	wrdreg s24  }
0xaf: {  	[dreg:$0x3] =	wrdreg s2  }
0xb0: {  	[dreg:$0x4] =	wrdreg $0x9  }
0xb1: {  	_ =	task.clear_ibuf [dreg:s7], $0x5FFFF;
	_ =	strace $0x90000049  }
0xb2: {  	s29 =	simm.s32 $0x9;
	_ =	strace $0x8000004B  }
0xb3: {  	_ =	swait.ge [sflag:s29], $0x1  }
0xb4: {  	[sflag:s29] =	ssyncadd.s32 $0xFFFFFFFF  }
0xb5: {  	_ =	strace $0x9000004B  }
0xb6: {  	_ =	sfence  }
0xb7: {  	s30 =	sld [smem:$0x0];
	_ =	sdelay $0x2  }
0xb8: {  	s31 =	sshll.u32 s1, $0xD;
	s1 =	sshrl.u32 s1, $0x2  }
0xb9: {  	s3 =	sand.u32 $0x4000, s31;
	s1 =	sadd.s32 s1, s30  }
0xba: {  	s0 =	sor.u32 s3, s0;
	s1 =	sshll.u32 s1, $0x11  }
0xbb: {  	s0 =	sor.u32 s1, s0  }
0xbc: {  	s0 =	sadd.s32 $0x8F2B, s0  }
0xbd: {  	[sflag:s0] =	ssyncadd.remote.s32 $0x1  }
0xbe: {  	_ =	sfence.sel $0xFFFF  }
0xbf: {  	[dreg:$0x0] =	wrdreg $0xFFFFFFFF;
	(pc) =	sbr.abs _section_cstart, $3  }
0xc0: {  	[dreg:$0x1] =	wrdreg $0xFFFFFFFF  }
0xc1: {  	_ =	task.clear_ibuf [dreg:s7], $0x2FFFF;
	_ =	strace $0x9FFFFFFF  }
0xc2: {  	(tm) =	ssettm $0x7FFFFFFF  }
0xc3: {  	_ =	shalt  }
tec
execute0_lowered:
.L_overlay_start_1:
0x0: {  	(tag) =	ssettag $0x1  }
0x1: {  	s0 =	rddreg [dreg:$0x0]  }
0x2: {  	s1 =	rddreg [dreg:$0x1]  }
0x3: {  	s2 =	simm.s32 $0x0;
	s3 =	srdreg.scid;
	s5 =	stileid.u32  }
0x4: {  	s13 =	simm.s32 $0x2;
	s12 =	simm.s32 $0x13800;
	s14 =	simm.s32 $0x14000  }
0x5: {  	s15 =	simm.s32 $0x14800;
	s16 =	simm.s32 $0x15000;
	s17 =	simm.s32 $0x15800  }
0x6: {  	s18 =	simm.s32 $0x16000;
	s19 =	simm.s32 $0x16800;
	s20 =	simm.s32 $0x17000  }
0x7: {  	s21 =	simm.s32 $0x17800;
	s22 =	simm.s32 $0x1;
	s23 =	simm.s32 $0x0  }
0x8: {  	[smem:$0x7FF] =	sst s2;
	s4 =	sand.u32 $0x1, s3;
	s5 =	sshll.u32 s5, $0x7  }
0x9: {  	s3 =	sadd.s32 $0x6F800, s0;
	s6 =	sshll.u32 s4, $0x6;
	s4 =	ssub.s32 $0x2, s4  }
0xa: {  	_ =	strace $0x8000004A;
	s5 =	sor.u32 s6, s5;
	s7 =	sshrl.u32 s4, $0x1  }
0xb: {  	s6 =	sshll.u32 s5, $0x4;
	s8 =	sshrl.u32 s5, $0x3;
	s11 =	ssub.s32 s4, s7  }
0xc: {  	s9 =	sadd.s32 s6, s0;
	s4 =	sadd.s32 s0, s8;
	s10 =	smul.u32 $0x300, s8  }
0xd: {  	v2 =	vlaneseq.u32;
	s8 =	sadd.s32 $0x6F900, s0;
	s11 =	smax.u32 s11, $0x1;
	s5 =	sadd.s32 $0x200, s4  }
0xe: {  	vm0 =	vmmov $0xffff;
	v1 =	vshrl.u32 v2, $0x3;
	s6 =	sadd.s32 $0x8400, s9;
	s7 =	sadd.s32 $0x400, s9;
	s9 =	sadd.s32 $0x6FA00, s0  }
0xf: {  	v0 =	vand.u32 $0x7, v2;
	v2 =	vor.u32 $0x8, v2;
	v1 =	vmul.u32 $0x8, v1;
	s0 =	simm.s32 $0x12800;
	s10 =	sadd.s32 s1, s10;
	s1 =	simm.s32 $0x13000  }
.LBB2_1:
0x10: {  	s24 =	simm.s32 $0x18000  }
0x11: {  	[tilespmem:s24], [sflag:$0x2] =	stream.linear.gather [hbm4b:s5+s2], $0x40, $0x38;
	[tilespmem:$0x1C100] =	vst v63  }
0x12: {  	_ =	swait.ge [sflag:s13], $0x40  }
0x13: {  	[sflag:s13] =	ssyncset.done $0x0  }
0x14: {  	s30 =	simm.s32 $0x18080;
	[sflag:s13] =	ssyncadd.s32 $0xFFFFFFC0  }
0x15: {  	[tilespmem:s30], [sflag:$0x2] =	stream.linear.gather [hbm4b:s4+s2], $0x40, $0x38;
	[tilespmem:$0x1C100] =	vst v63  }
0x16: {  	_ =	swait.ge [sflag:s13], $0x40  }
0x17: {  	[sflag:s13] =	ssyncset.done $0x0  }
0x18: {  	s24 =	simm.s32 $0x18100;
	[sflag:s13] =	ssyncadd.s32 $0xFFFFFFC0  }
0x19: {  	[tilespmem:s24], [sflag:$0x2] =	stream.linear.gather [hbm4b:s6+s2], $0x2000, $0x38;
	[tilespmem:$0x1C100] =	vst v63  }
0x1a: {  	_ =	swait.ge [sflag:s13], $0x2000  }
0x1b: {  	[sflag:s13] =	ssyncset.done $0x0  }
0x1c: {  	s25 =	simm.s32 $0x1A100;
	[sflag:s13] =	ssyncadd.s32 $0xFFFFE000  }
0x1d: {  	[tilespmem:s25], [sflag:$0x2] =	stream.linear.gather [hbm4b:s7+s2], $0x2000, $0x38;
	[tilespmem:$0x1C100] =	vst v63  }
0x1e: {  	_ =	swait.ge [sflag:s13], $0x2000  }
0x1f: {  	[sflag:s13] =	ssyncset.done $0x0  }
0x20: {  	[sflag:s13] =	ssyncadd.s32 $0xFFFFE000  }
0x21: {  	v3 =	vld [tilespmem:$0x18000];
	_ =	sdelay $0x4  }
0x22: {  	v4 =	vshrl.u32 v3, $0x3  }
0x23: {  	v4 =	vmul.u32 $0x30, v4  }
0x24: {  	v3 =	vand.u32 $0x7, v3  }
0x25: {  	v3 =	vor.u32 v3, v4  }
0x26: {  	v4 =	vperm.xlane v3, v0;
	_ =	sdelay $0x1  }
0x27: {  	v4 =	vadd.s32 v1, v4;
	_ =	sdelay $0x3  }
0x28: {  	v3 =	vperm.xlane v3, v2  }
0x29: {  	[tilespmem:s2], [sflag:$0x1] =	stream.indirect_vreg.gather [hbm4b:s3+s2], $0x80, v4, vm0, $0xb8;
	[tilespmem:$0x1C100] =	vst v63  }
0x2a: {  	s26 =	simm.s32 $0x800;
	v3 =	vadd.s32 v1, v3  }
0x2b: {  	[tilespmem:s26], [sflag:$0x1] =	stream.indirect_vreg.gather [hbm4b:s8+s2], $0x80, v4, vm0, $0xb8;
	[tilespmem:$0x1C100] =	vst v63  }
0x2c: {  	s31 =	simm.s32 $0x1000  }
0x2d: {  	[tilespmem:s31], [sflag:$0x1] =	stream.indirect_vreg.gather [hbm4b:s9+s2], $0x80, v4, vm0, $0xb8;
	[tilespmem:$0x1C100] =	vst v63  }
0x2e: {  	s30 =	simm.s32 $0x1800  }
0x2f: {  	[tilespmem:s30], [sflag:$0x1] =	stream.indirect_vreg.gather [hbm4b:s3+s2], $0x80, v3, vm0, $0xb8;
	[tilespmem:$0x1C100] =	vst v63  }
0x30: {  	s31 =	simm.s32 $0x2000  }
0x31: {  	[tilespmem:s31], [sflag:$0x1] =	stream.indirect_vreg.gather [hbm4b:s8+s2], $0x80, v3, vm0, $0xb8;
	[tilespmem:$0x1C100] =	vst v63  }
0x32: {  	s30 =	simm.s32 $0x2800  }
0x33: {  	[tilespmem:s30], [sflag:$0x1] =	stream.indirect_vreg.gather [hbm4b:s9+s2], $0x80, v3, vm0, $0xb8;
	[tilespmem:$0x1C100] =	vst v63  }
0x34: {  	v3 =	vld [tilespmem:$0x18010];
	_ =	sdelay $0x4  }
0x35: {  	v4 =	vshrl.u32 v3, $0x3  }
0x36: {  	v4 =	vmul.u32 $0x30, v4  }
0x37: {  	v3 =	vand.u32 $0x7, v3  }
0x38: {  	v3 =	vor.u32 v3, v4  }
0x39: {  	v4 =	vperm.xlane v3, v0;
	_ =	sdelay $0x1  }
0x3a: {  	v4 =	vadd.s32 v1, v4;
	_ =	sdelay $0x3  }
0x3b: {  	s31 =	simm.s32 $0x3000;
	v3 =	vperm.xlane v3, v2  }
0x3c: {  	[tilespmem:s31], [sflag:$0x1] =	stream.indirect_vreg.gather [hbm4b:s3+s2], $0x80, v4, vm0, $0xb8;
	[tilespmem:$0x1C100] =	vst v63  }
0x3d: {  	s30 =	simm.s32 $0x3800;
	v3 =	vadd.s32 v1, v3  }
0x3e: {  	[tilespmem:s30], [sflag:$0x1] =	stream.indirect_vreg.gather [hbm4b:s8+s2], $0x80, v4, vm0, $0xb8;
	[tilespmem:$0x1C100] =	vst v63  }
0x3f: {  	s31 =	simm.s32 $0x4000  }
0x40: {  	[tilespmem:s31], [sflag:$0x1] =	stream.indirect_vreg.gather [hbm4b:s9+s2], $0x80, v4, vm0, $0xb8;
	[tilespmem:$0x1C100] =	vst v63  }
0x41: {  	s30 =	simm.s32 $0x4800  }
0x42: {  	[tilespmem:s30], [sflag:$0x1] =	stream.indirect_vreg.gather [hbm4b:s3+s2], $0x80, v3, vm0, $0xb8;
	[tilespmem:$0x1C100] =	vst v63  }
0x43: {  	s31 =	simm.s32 $0x5000  }
0x44: {  	[tilespmem:s31], [sflag:$0x1] =	stream.indirect_vreg.gather [hbm4b:s8+s2], $0x80, v3, vm0, $0xb8;
	[tilespmem:$0x1C100] =	vst v63  }
0x45: {  	s30 =	simm.s32 $0x5800  }
0x46: {  	[tilespmem:s30], [sflag:$0x1] =	stream.indirect_vreg.gather [hbm4b:s9+s2], $0x80, v3, vm0, $0xb8;
	[tilespmem:$0x1C100] =	vst v63  }
0x47: {  	v3 =	vld [tilespmem:$0x18020];
	_ =	sdelay $0x4  }
0x48: {  	v4 =	vshrl.u32 v3, $0x3  }
0x49: {  	v4 =	vmul.u32 $0x30, v4  }
0x4a: {  	v3 =	vand.u32 $0x7, v3  }
0x4b: {  	v3 =	vor.u32 v3, v4  }
0x4c: {  	v4 =	vperm.xlane v3, v0;
	_ =	sdelay $0x1  }
0x4d: {  	v4 =	vadd.s32 v1, v4;
	_ =	sdelay $0x3  }
0x4e: {  	s31 =	simm.s32 $0x6000;
	v3 =	vperm.xlane v3, v2  }
0x4f: {  	[tilespmem:s31], [sflag:$0x1] =	stream.indirect_vreg.gather [hbm4b:s3+s2], $0x80, v4, vm0, $0xb8;
	[tilespmem:$0x1C100] =	vst v63  }
0x50: {  	s30 =	simm.s32 $0x6800;
	v3 =	vadd.s32 v1, v3  }
0x51: {  	[tilespmem:s30], [sflag:$0x1] =	stream.indirect_vreg.gather [hbm4b:s8+s2], $0x80, v4, vm0, $0xb8;
	[tilespmem:$0x1C100] =	vst v63  }
0x52: {  	s31 =	simm.s32 $0x7000  }
0x53: {  	[tilespmem:s31], [sflag:$0x1] =	stream.indirect_vreg.gather [hbm4b:s9+s2], $0x80, v4, vm0, $0xb8;
	[tilespmem:$0x1C100] =	vst v63  }
0x54: {  	s30 =	simm.s32 $0x7800  }
0x55: {  	[tilespmem:s30], [sflag:$0x1] =	stream.indirect_vreg.gather [hbm4b:s3+s2], $0x80, v3, vm0, $0xb8;
	[tilespmem:$0x1C100] =	vst v63  }
0x56: {  	s31 =	simm.s32 $0x8000  }
0x57: {  	[tilespmem:s31], [sflag:$0x1] =	stream.indirect_vreg.gather [hbm4b:s8+s2], $0x80, v3, vm0, $0xb8;
	[tilespmem:$0x1C100] =	vst v63  }
0x58: {  	s30 =	simm.s32 $0x8800  }
0x59: {  	[tilespmem:s30], [sflag:$0x1] =	stream.indirect_vreg.gather [hbm4b:s9+s2], $0x80, v3, vm0, $0xb8;
	[tilespmem:$0x1C100] =	vst v63  }
0x5a: {  	v3 =	vld [tilespmem:$0x18030];
	_ =	sdelay $0x4  }
0x5b: {  	v4 =	vshrl.u32 v3, $0x3  }
0x5c: {  	v4 =	vmul.u32 $0x30, v4  }
0x5d: {  	v3 =	vand.u32 $0x7, v3  }
0x5e: {  	v3 =	vor.u32 v3, v4  }
0x5f: {  	v4 =	vperm.xlane v3, v0;
	_ =	sdelay $0x1  }
0x60: {  	v4 =	vadd.s32 v1, v4;
	_ =	sdelay $0x3  }
0x61: {  	s31 =	simm.s32 $0x9000;
	v3 =	vperm.xlane v3, v2  }
0x62: {  	[tilespmem:s31], [sflag:$0x1] =	stream.indirect_vreg.gather [hbm4b:s3+s2], $0x80, v4, vm0, $0xb8;
	[tilespmem:$0x1C100] =	vst v63  }
0x63: {  	s30 =	simm.s32 $0x9800;
	v3 =	vadd.s32 v1, v3  }
0x64: {  	[tilespmem:s30], [sflag:$0x1] =	stream.indirect_vreg.gather [hbm4b:s8+s2], $0x80, v4, vm0, $0xb8;
	[tilespmem:$0x1C100] =	vst v63  }
0x65: {  	s31 =	simm.s32 $0xA000  }
0x66: {  	[tilespmem:s31], [sflag:$0x1] =	stream.indirect_vreg.gather [hbm4b:s9+s2], $0x80, v4, vm0, $0xb8;
	[tilespmem:$0x1C100] =	vst v63  }
0x67: {  	s30 =	simm.s32 $0xA800  }
0x68: {  	[tilespmem:s30], [sflag:$0x1] =	stream.indirect_vreg.gather [hbm4b:s3+s2], $0x80, v3, vm0, $0xb8;
	[tilespmem:$0x1C100] =	vst v63  }
0x69: {  	s31 =	simm.s32 $0xB000  }
0x6a: {  	[tilespmem:s31], [sflag:$0x1] =	stream.indirect_vreg.gather [hbm4b:s8+s2], $0x80, v3, vm0, $0xb8;
	[tilespmem:$0x1C100] =	vst v63  }
0x6b: {  	s30 =	simm.s32 $0xB800  }
0x6c: {  	[tilespmem:s30], [sflag:$0x1] =	stream.indirect_vreg.gather [hbm4b:s9+s2], $0x80, v3, vm0, $0xb8;
	[tilespmem:$0x1C100] =	vst v63  }
0x6d: {  	v3 =	vld [tilespmem:$0x18080];
	_ =	sdelay $0x4  }
0x6e: {  	v4 =	vshrl.u32 v3, $0x3  }
0x6f: {  	v4 =	vmul.u32 $0x30, v4  }
0x70: {  	v3 =	vand.u32 $0x7, v3  }
0x71: {  	v3 =	vor.u32 v3, v4  }
0x72: {  	v4 =	vperm.xlane v3, v0;
	_ =	sdelay $0x1  }
0x73: {  	v4 =	vadd.s32 v1, v4;
	_ =	sdelay $0x3  }
0x74: {  	s31 =	simm.s32 $0xC000;
	v3 =	vperm.xlane v3, v2  }
0x75: {  	[tilespmem:s31], [sflag:$0x1] =	stream.indirect_vreg.gather [hbm4b:s3+s2], $0x80, v4, vm0, $0xb8;
	[tilespmem:$0x1C100] =	vst v63  }
0x76: {  	s30 =	simm.s32 $0xC800;
	v3 =	vadd.s32 v1, v3  }
0x77: {  	[tilespmem:s30], [sflag:$0x1] =	stream.indirect_vreg.gather [hbm4b:s8+s2], $0x80, v4, vm0, $0xb8;
	[tilespmem:$0x1C100] =	vst v63  }
0x78: {  	s31 =	simm.s32 $0xD000  }
0x79: {  	[tilespmem:s31], [sflag:$0x1] =	stream.indirect_vreg.gather [hbm4b:s9+s2], $0x80, v4, vm0, $0xb8;
	[tilespmem:$0x1C100] =	vst v63  }
0x7a: {  	s30 =	simm.s32 $0xD800  }
0x7b: {  	[tilespmem:s30], [sflag:$0x1] =	stream.indirect_vreg.gather [hbm4b:s3+s2], $0x80, v3, vm0, $0xb8;
	[tilespmem:$0x1C100] =	vst v63  }
0x7c: {  	s31 =	simm.s32 $0xE000  }
0x7d: {  	[tilespmem:s31], [sflag:$0x1] =	stream.indirect_vreg.gather [hbm4b:s8+s2], $0x80, v3, vm0, $0xb8;
	[tilespmem:$0x1C100] =	vst v63  }
0x7e: {  	s30 =	simm.s32 $0xE800  }
0x7f: {  	[tilespmem:s30], [sflag:$0x1] =	stream.indirect_vreg.gather [hbm4b:s9+s2], $0x80, v3, vm0, $0xb8;
	[tilespmem:$0x1C100] =	vst v63  }
0x80: {  	v3 =	vld [tilespmem:$0x18090];
	_ =	sdelay $0x4  }
0x81: {  	v4 =	vshrl.u32 v3, $0x3  }
0x82: {  	v4 =	vmul.u32 $0x30, v4  }
0x83: {  	v3 =	vand.u32 $0x7, v3  }
0x84: {  	v3 =	vor.u32 v3, v4  }
0x85: {  	v4 =	vperm.xlane v3, v0;
	_ =	sdelay $0x1  }
0x86: {  	v4 =	vadd.s32 v1, v4;
	_ =	sdelay $0x3  }
0x87: {  	s31 =	simm.s32 $0xF000;
	v3 =	vperm.xlane v3, v2  }
0x88: {  	[tilespmem:s31], [sflag:$0x1] =	stream.indirect_vreg.gather [hbm4b:s3+s2], $0x80, v4, vm0, $0xb8;
	[tilespmem:$0x1C100] =	vst v63  }
0x89: {  	s30 =	simm.s32 $0xF800;
	v3 =	vadd.s32 v1, v3  }
0x8a: {  	[tilespmem:s30], [sflag:$0x1] =	stream.indirect_vreg.gather [hbm4b:s8+s2], $0x80, v4, vm0, $0xb8;
	[tilespmem:$0x1C100] =	vst v63  }
0x8b: {  	s31 =	simm.s32 $0x10000  }
0x8c: {  	[tilespmem:s31], [sflag:$0x1] =	stream.indirect_vreg.gather [hbm4b:s9+s2], $0x80, v4, vm0, $0xb8;
	[tilespmem:$0x1C100] =	vst v63  }
0x8d: {  	s30 =	simm.s32 $0x10800  }
0x8e: {  	[tilespmem:s30], [sflag:$0x1] =	stream.indirect_vreg.gather [hbm4b:s3+s2], $0x80, v3, vm0, $0xb8;
	[tilespmem:$0x1C100] =	vst v63  }
0x8f: {  	s31 =	simm.s32 $0x11000  }
0x90: {  	[tilespmem:s31], [sflag:$0x1] =	stream.indirect_vreg.gather [hbm4b:s8+s2], $0x80, v3, vm0, $0xb8;
	[tilespmem:$0x1C100] =	vst v63  }
0x91: {  	s30 =	simm.s32 $0x11800  }
0x92: {  	[tilespmem:s30], [sflag:$0x1] =	stream.indirect_vreg.gather [hbm4b:s9+s2], $0x80, v3, vm0, $0xb8;
	[tilespmem:$0x1C100] =	vst v63  }
0x93: {  	v3 =	vld [tilespmem:$0x180A0];
	_ =	sdelay $0x4  }
0x94: {  	v4 =	vshrl.u32 v3, $0x3  }
0x95: {  	v4 =	vmul.u32 $0x30, v4  }
0x96: {  	v3 =	vand.u32 $0x7, v3  }
0x97: {  	v3 =	vor.u32 v3, v4  }
0x98: {  	v4 =	vperm.xlane v3, v0;
	_ =	sdelay $0x1  }
0x99: {  	v4 =	vadd.s32 v1, v4;
	_ =	sdelay $0x3  }
0x9a: {  	s31 =	simm.s32 $0x12000;
	v3 =	vperm.xlane v3, v2  }
0x9b: {  	[tilespmem:s31], [sflag:$0x1] =	stream.indirect_vreg.gather [hbm4b:s3+s2], $0x80, v4, vm0, $0xb8;
	[tilespmem:$0x1C100] =	vst v63  }
0x9c: {  	v3 =	vadd.s32 v1, v3  }
0x9d: {  	[tilespmem:s0], [sflag:$0x1] =	stream.indirect_vreg.gather [hbm4b:s8+s2], $0x80, v4, vm0, $0xb8;
	[tilespmem:$0x1C100] =	vst v63  }
0x9e: {  	_ = 	snop  }
0x9f: {  	[tilespmem:s1], [sflag:$0x1] =	stream.indirect_vreg.gather [hbm4b:s9+s2], $0x80, v4, vm0, $0xb8;
	[tilespmem:$0x1C100] =	vst v63  }
0xa0: {  	_ = 	snop  }
0xa1: {  	[tilespmem:s12], [sflag:$0x1] =	stream.indirect_vreg.gather [hbm4b:s3+s2], $0x80, v3, vm0, $0xb8;
	[tilespmem:$0x1C100] =	vst v63  }
0xa2: {  	_ = 	snop  }
0xa3: {  	[tilespmem:s14], [sflag:$0x1] =	stream.indirect_vreg.gather [hbm4b:s8+s2], $0x80, v3, vm0, $0xb8;
	[tilespmem:$0x1C100] =	vst v63  }
0xa4: {  	_ = 	snop  }
0xa5: {  	[tilespmem:s15], [sflag:$0x1] =	stream.indirect_vreg.gather [hbm4b:s9+s2], $0x80, v3, vm0, $0xb8;
	[tilespmem:$0x1C100] =	vst v63  }
0xa6: {  	v3 =	vld [tilespmem:$0x180B0];
	_ =	sdelay $0x4  }
0xa7: {  	v4 =	vshrl.u32 v3, $0x3  }
0xa8: {  	v4 =	vmul.u32 $0x30, v4  }
0xa9: {  	v3 =	vand.u32 $0x7, v3  }
0xaa: {  	v3 =	vor.u32 v3, v4  }
0xab: {  	v4 =	vperm.xlane v3, v0;
	_ =	sdelay $0x1  }
0xac: {  	v4 =	vadd.s32 v1, v4;
	_ =	sdelay $0x3  }
0xad: {  	v3 =	vperm.xlane v3, v2  }
0xae: {  	[tilespmem:s16], [sflag:$0x1] =	stream.indirect_vreg.gather [hbm4b:s3+s2], $0x80, v4, vm0, $0xb8;
	[tilespmem:$0x1C100] =	vst v63  }
0xaf: {  	v3 =	vadd.s32 v1, v3  }
0xb0: {  	[tilespmem:s17], [sflag:$0x1] =	stream.indirect_vreg.gather [hbm4b:s8+s2], $0x80, v4, vm0, $0xb8;
	[tilespmem:$0x1C100] =	vst v63  }
0xb1: {  	_ = 	snop  }
0xb2: {  	[tilespmem:s18], [sflag:$0x1] =	stream.indirect_vreg.gather [hbm4b:s9+s2], $0x80, v4, vm0, $0xb8;
	[tilespmem:$0x1C100] =	vst v63  }
0xb3: {  	_ = 	snop  }
0xb4: {  	[tilespmem:s19], [sflag:$0x1] =	stream.indirect_vreg.gather [hbm4b:s3+s2], $0x80, v3, vm0, $0xb8;
	[tilespmem:$0x1C100] =	vst v63  }
0xb5: {  	_ = 	snop  }
0xb6: {  	[tilespmem:s20], [sflag:$0x1] =	stream.indirect_vreg.gather [hbm4b:s8+s2], $0x80, v3, vm0, $0xb8;
	[tilespmem:$0x1C100] =	vst v63  }
0xb7: {  	_ = 	snop  }
0xb8: {  	[tilespmem:s21], [sflag:$0x1] =	stream.indirect_vreg.gather [hbm4b:s9+s2], $0x80, v3, vm0, $0xb8;
	[tilespmem:$0x1C100] =	vst v63  }
0xb9: {  	_ =	swait.ge [sflag:s22], $0xC000  }
0xba: {  	[sflag:s22] =	ssyncset.done $0x0  }
0xbb: {  	s30 =	simm.s32 $0x0;
	[sflag:s22] =	ssyncadd.s32 $0xFFFF4000  }
0xbc: {  	s26 =	smul.u32 $0x1800, s30;
	_ =	swait.ge [sflag:s22], $0xC000  }
0xbd: {  	s28 =	sand.u32 $0x380, s2;
	[sflag:s22] =	ssyncset.done $0x0  }
0xbe: {  	s29 =	sor.u32 s28, s26;
	[sflag:s22] =	ssyncadd.s32 $0xFFFF4000  }
0xbf: {  	v4 =	vld [tilespmem:s29+$0x10]  }
0xc0: {  	v3 =	vld [tilespmem:s29+$0xC010]  }
0xc1: {  	v6 =	vld [tilespmem:s29+$0x20]  }
0xc2: {  	v5 =	vld [tilespmem:s29+$0xC020]  }
0xc3: {  	v10 =	vld [tilespmem:s29+$0x30]  }
0xc4: {  	v9 =	vld [tilespmem:s29+$0xC030]  }
0xc5: {  	v12 =	vld [tilespmem:s29+$0x40]  }
0xc6: {  	v11 =	vld [tilespmem:s29+$0xC040]  }
0xc7: {  	v13 =	vld [tilespmem:s29+$0x60]  }
0xc8: {  	v14 =	vld [tilespmem:s29+$0x70]  }
0xc9: {  	v15 =	vld [tilespmem:s29+$0x400]  }
0xca: {  	v16 =	vld [tilespmem:s29+$0x410]  }
0xcb: {  	v17 =	vld [tilespmem:s29+$0x420]  }
0xcc: {  	v18 =	vld [tilespmem:s29+$0x430]  }
0xcd: {  	v19 =	vld [tilespmem:s29+$0x440]  }
0xce: {  	v20 =	vld [tilespmem:s29+$0x450]  }
0xcf: {  	v21 =	vld [tilespmem:s29+$0x460]  }
0xd0: {  	v22 =	vld [tilespmem:s29+$0x470]  }
0xd1: {  	v23 =	vld [tilespmem:s29+$0x800]  }
0xd2: {  	v24 =	vld [tilespmem:s29+$0x810]  }
0xd3: {  	v25 =	vld [tilespmem:s29+$0x820]  }
0xd4: {  	v26 =	vld [tilespmem:s29+$0x830]  }
0xd5: {  	v27 =	vld [tilespmem:s29+$0x840]  }
0xd6: {  	v28 =	vld [tilespmem:s29+$0x850]  }
0xd7: {  	v29 =	vld [tilespmem:s29+$0x860]  }
0xd8: {  	v30 =	vld [tilespmem:s29+$0x870]  }
0xd9: {  	v31 =	vld [tilespmem:s29+$0xC00]  }
0xda: {  	v32 =	vld [tilespmem:s29+$0xC10]  }
0xdb: {  	v33 =	vld [tilespmem:s29+$0xC20]  }
0xdc: {  	v34 =	vld [tilespmem:s29+$0xC30]  }
0xdd: {  	v35 =	vld [tilespmem:s29+$0xC40]  }
0xde: {  	v36 =	vld [tilespmem:s29+$0xC50]  }
0xdf: {  	v37 =	vld [tilespmem:s29+$0xC60]  }
0xe0: {  	v38 =	vld [tilespmem:s29+$0xC70]  }
0xe1: {  	v39 =	vld [tilespmem:s29+$0x1000]  }
0xe2: {  	v40 =	vld [tilespmem:s29+$0x1010]  }
0xe3: {  	v41 =	vld [tilespmem:s29+$0x1020]  }
0xe4: {  	v42 =	vld [tilespmem:s29+$0x1030]  }
0xe5: {  	v43 =	vld [tilespmem:s29+$0x1040]  }
0xe6: {  	v44 =	vld [tilespmem:s29+$0x1050]  }
0xe7: {  	v45 =	vld [tilespmem:s29+$0x1060]  }
0xe8: {  	v46 =	vld [tilespmem:s29+$0x1400]  }
0xe9: {  	v47 =	vld [tilespmem:s29+$0x1410]  }
0xea: {  	v48 =	vld [tilespmem:s29+$0xD410]  }
0xeb: {  	v49 =	vld [tilespmem:s29+$0xD430]  }
0xec: {  	v50 =	vld [tilespmem:s29+$0x1430]  }
0xed: {  	v51 =	vld [tilespmem:s29+$0x1420]  }
0xee: {  	v7 =	vld [tilespmem:s24+$0x0]  }
0xef: {  	v8 =	vld [tilespmem:s25+$0x0]  }
0xf0: {  	v52 =	vld [tilespmem:s29+$0xD420]  }
0xf1: {  	v53 =	vld [tilespmem:s29+$0xD400]  }
0xf2: {  	v54 =	vld [tilespmem:s29+$0x1070]  }
0xf3: {  	v55 =	vld [tilespmem:s29+$0xD070];
	v50 =	vmul.f32 v50, v7  }
0xf4: {  	v56 =	vld [tilespmem:s29+$0xD060];
	v49 =	vmul.f32 v49, v8;
	v51 =	vmul.f32 v51, v7  }
0xf5: {  	v57 =	vld [tilespmem:s29+$0xD050];
	v52 =	vmul.f32 v52, v8;
	v47 =	vmul.f32 v47, v7  }
0xf6: {  	v61 =	vld [tilespmem:s29+$0xD000];
	v48 =	vmul.f32 v48, v8;
	v46 =	vmul.f32 v46, v7  }
0xf7: {  	v58 =	vld [tilespmem:s29+$0xD040];
	v62 =	vmul.f32 v53, v8;
	v63 =	vmul.f32 v54, v7;
	v49 =	vadd.f32 v49, v50  }
0xf8: {  	v53 =	vld [tilespmem:s29+$0xD030];
	v59 =	vmul.f32 v55, v8;
	v45 =	vmul.f32 v45, v7;
	v51 =	vadd.f32 v52, v51  }
0xf9: {  	v60 =	vmul.f32 v56, v8;
	v44 =	vmul.f32 v44, v7;
	v56 =	vld [tilespmem:s29+$0xCC60];
	v47 =	vadd.f32 v48, v47;
	[tilespmem:s29+$0x1430] =	vst v49  }
0xfa: {  	v43 =	vmul.f32 v43, v7;
	v39 =	vmul.f32 v39, v7;
	v55 =	vld [tilespmem:s29+$0xC870];
	v46 =	vadd.f32 v62, v46;
	[tilespmem:s29+$0x1420] =	vst v51  }
0xfb: {  	v61 =	vmul.f32 v61, v8;
	v12 =	vmul.f32 v12, v7;
	v48 =	vld [tilespmem:s29+$0xD020];
	v52 =	vadd.f32 v59, v63;
	[tilespmem:s29+$0x1410] =	vst v47  }
0xfc: {  	v11 =	vmul.f32 v11, v8;
	v63 =	vmul.f32 v58, v8;
	v45 =	vadd.f32 v60, v45;
	v58 =	vld [tilespmem:s29+$0xCC50];
	[tilespmem:s29+$0x1400] =	vst v46  }
0xfd: {  	v42 =	vmul.f32 v42, v7;
	v62 =	vmul.f32 v57, v8;
	v59 =	vld [tilespmem:s29+$0xCC40];
	v39 =	vadd.f32 v61, v39;
	[tilespmem:s29+$0x1070] =	vst v52  }
0xfe: {  	v41 =	vmul.f32 v41, v7;
	v40 =	vmul.f32 v40, v7;
	v60 =	vld [tilespmem:s29+$0xCC30];
	v11 =	vadd.f32 v11, v12;
	[tilespmem:s29+$0x1060] =	vst v45  }
0xff: {  	v38 =	vmul.f32 v38, v7;
	v61 =	vld [tilespmem:s29+$0xC810];
	v44 =	vadd.f32 v62, v44;
	[tilespmem:s29+$0x1000] =	vst v39;
	v57 =	vmul.f32 v53, v8  }
0x100: {  	v37 =	vmul.f32 v37, v7;
	v49 =	vld [tilespmem:s29+$0xD010];
	v43 =	vadd.f32 v63, v43;
	[tilespmem:s29+$0x40] =	vst v11;
	v46 =	vmul.f32 v56, v8  }
0x101: {  	v36 =	vmul.f32 v36, v7;
	v47 =	vld [tilespmem:s29+$0xCC70];
	[tilespmem:s29+$0x1050] =	vst v44;
	v48 =	vmul.f32 v48, v8;
	v42 =	vadd.f32 v57, v42  }
0x102: {  	v35 =	vmul.f32 v35, v7;
	v62 =	vld [tilespmem:s29+$0xCC20];
	[tilespmem:s29+$0x1040] =	vst v43;
	v54 =	vmul.f32 v58, v8;
	v37 =	vadd.f32 v46, v37  }
0x103: {  	v34 =	vmul.f32 v34, v7;
	v63 =	vld [tilespmem:s29+$0xCC10];
	v45 =	vmul.f32 v59, v8;
	v41 =	vadd.f32 v48, v41;
	[tilespmem:s29+$0x1030] =	vst v42  }
0x104: {  	v33 =	vmul.f32 v33, v7;
	v56 =	vld [tilespmem:s29+$0xC860];
	v44 =	vmul.f32 v60, v8;
	v36 =	vadd.f32 v54, v36;
	[tilespmem:s29+$0xC60] =	vst v37  }
0x105: {  	v32 =	vmul.f32 v32, v7;
	v53 =	vld [tilespmem:s29+$0xCC00];
	v49 =	vmul.f32 v49, v8;
	v35 =	vadd.f32 v45, v35;
	[tilespmem:s29+$0x1020] =	vst v41  }
0x106: {  	v6 =	vmul.f32 v6, v7;
	v12 =	vld [tilespmem:s29+$0x1460];
	v47 =	vmul.f32 v47, v8;
	v34 =	vadd.f32 v44, v34;
	[tilespmem:s29+$0xC50] =	vst v36  }
0x107: {  	v5 =	vmul.f32 v5, v8;
	v58 =	vld [tilespmem:s29+$0xC840];
	v43 =	vmul.f32 v62, v8;
	v40 =	vadd.f32 v49, v40;
	[tilespmem:s29+$0xC40] =	vst v35  }
0x108: {  	v29 =	vmul.f32 v29, v7;
	v59 =	vld [tilespmem:s29+$0xC830];
	v42 =	vmul.f32 v63, v8;
	v38 =	vadd.f32 v47, v38;
	[tilespmem:s29+$0xC30] =	vst v34  }
0x109: {  	v5 =	vadd.f32 v5, v6;
	v6 =	vld [tilespmem:s29+$0x0];
	v39 =	vmul.f32 v56, v8;
	v33 =	vadd.f32 v43, v33;
	[tilespmem:s29+$0x1010] =	vst v40  }
0x10a: {  	v31 =	vmul.f32 v31, v7;
	v60 =	vld [tilespmem:s29+$0xC820];
	v41 =	vmul.f32 v53, v8;
	v32 =	vadd.f32 v42, v32;
	[tilespmem:s29+$0xC70] =	vst v38  }
0x10b: {  	v24 =	vmul.f32 v24, v7;
	v57 =	vld [tilespmem:s29+$0xC850];
	v34 =	vmul.f32 v61, v8;
	v29 =	vadd.f32 v39, v29;
	[tilespmem:s29+$0xC20] =	vst v33  }
0x10c: {  	v27 =	vmul.f32 v27, v7;
	v62 =	vld [tilespmem:s29+$0xC800];
	v37 =	vmul.f32 v58, v8;
	v31 =	vadd.f32 v41, v31;
	[tilespmem:s29+$0xC10] =	vst v32  }
0x10d: {  	v26 =	vmul.f32 v26, v7;
	v63 =	vld [tilespmem:s29+$0xC470];
	v36 =	vmul.f32 v59, v8;
	v24 =	vadd.f32 v34, v24;
	[tilespmem:s29+$0x860] =	vst v29  }
0x10e: {  	v30 =	vmul.f32 v30, v7;
	v40 =	vmul.f32 v55, v8;
	v27 =	vadd.f32 v37, v27;
	v29 =	vld [tilespmem:s29+$0xC440];
	[tilespmem:s29+$0xC00] =	vst v31  }
0x10f: {  	v25 =	vmul.f32 v25, v7;
	v35 =	vmul.f32 v60, v8;
	v26 =	vadd.f32 v36, v26;
	v31 =	vld [tilespmem:s29+$0xC460];
	[tilespmem:s29+$0x810] =	vst v24  }
0x110: {  	v28 =	vmul.f32 v28, v7;
	v38 =	vmul.f32 v57, v8;
	v30 =	vadd.f32 v40, v30;
	v24 =	vld [tilespmem:s29+$0xC070];
	[tilespmem:s29+$0x840] =	vst v27  }
0x111: {  	v23 =	vmul.f32 v23, v7;
	v33 =	vmul.f32 v62, v8;
	v25 =	vadd.f32 v35, v25;
	v27 =	vld [tilespmem:s29+$0xC420];
	[tilespmem:s29+$0x830] =	vst v26  }
0x112: {  	v22 =	vmul.f32 v22, v7;
	v32 =	vmul.f32 v63, v8;
	v28 =	vadd.f32 v38, v28;
	[tilespmem:s29+$0x870] =	vst v30;
	v30 =	vld [tilespmem:s29+$0xC450]  }
0x113: {  	v19 =	vmul.f32 v19, v7;
	v23 =	vadd.f32 v33, v23;
	[tilespmem:s29+$0x820] =	vst v25;
	v25 =	vld [tilespmem:s29+$0xC400];
	v29 =	vmul.f32 v29, v8  }
0x114: {  	v21 =	vmul.f32 v21, v7;
	v22 =	vadd.f32 v32, v22;
	[tilespmem:s29+$0x850] =	vst v28;
	v28 =	vld [tilespmem:s29+$0xC430];
	v31 =	vmul.f32 v31, v8  }
0x115: {  	v14 =	vmul.f32 v14, v7;
	[tilespmem:s29+$0x800] =	vst v23;
	v23 =	vld [tilespmem:s29+$0xC060];
	v24 =	vmul.f32 v24, v8;
	v19 =	vadd.f32 v29, v19  }
0x116: {  	v17 =	vmul.f32 v17, v7;
	v26 =	vld [tilespmem:s29+$0xC410];
	[tilespmem:s29+$0x470] =	vst v22;
	v27 =	vmul.f32 v27, v8;
	v21 =	vadd.f32 v31, v21  }
0x117: {  	v20 =	vmul.f32 v20, v7;
	v22 =	vld [tilespmem:s29+$0x50];
	v30 =	vmul.f32 v30, v8;
	v14 =	vadd.f32 v24, v14;
	[tilespmem:s29+$0x440] =	vst v19  }
0x118: {  	v15 =	vmul.f32 v15, v7;
	v25 =	vmul.f32 v25, v8;
	v17 =	vadd.f32 v27, v17;
	v19 =	vld [tilespmem:s29+$0xD450];
	[tilespmem:s29+$0x460] =	vst v21  }
0x119: {  	v18 =	vmul.f32 v18, v7;
	v28 =	vmul.f32 v28, v8;
	v20 =	vadd.f32 v30, v20;
	v21 =	vld [tilespmem:s29+$0xC050];
	[tilespmem:s29+$0x70] =	vst v14  }
0x11a: {  	v13 =	vmul.f32 v13, v7;
	v23 =	vmul.f32 v23, v8;
	v15 =	vadd.f32 v25, v15;
	[tilespmem:s29+$0x420] =	vst v17;
	v17 =	vld [tilespmem:s29+$0x1440]  }
0x11b: {  	v16 =	vmul.f32 v16, v7;
	v26 =	vmul.f32 v26, v8;
	v18 =	vadd.f32 v28, v18;
	[tilespmem:s29+$0x450] =	vst v20;
	v20 =	vld [tilespmem:s29+$0xD440]  }
0x11c: {  	v10 =	vmul.f32 v10, v7;
	v9 =	vmul.f32 v9, v8;
	v13 =	vadd.f32 v23, v13;
	[tilespmem:s29+$0x400] =	vst v15;
	v15 =	vld [tilespmem:s29+$0x1450]  }
0x11d: {  	v4 =	vmul.f32 v4, v7;
	v3 =	vmul.f32 v3, v8;
	v16 =	vadd.f32 v26, v16;
	[tilespmem:s29+$0x430] =	vst v18;
	v18 =	vld [tilespmem:s29+$0xD460]  }
0x11e: {  	v9 =	vadd.f32 v9, v10;
	v10 =	vmul.f32 v22, v7;
	v14 =	vld [tilespmem:s29+$0x1470];
	[tilespmem:s29+$0x60] =	vst v13;
	v13 =	vmul.f32 v21, v8  }
0x11f: {  	v3 =	vadd.f32 v3, v4;
	[tilespmem:s29+$0x410] =	vst v16;
	v16 =	vld [tilespmem:s29+$0xD470]  }
0x120: {  	s31 =	simm.s32 $0x0;
	[tilespmem:s29+$0x30] =	vst v9;
	v9 =	vld [tilespmem:s29+$0xC000];
	v11 =	vmul.f32 v17, v7;
	v17 =	vmul.f32 v20, v8;
	v4 =	vadd.f32 v13, v10  }
0x121: {  	s28 =	simm.s32 $0x80;
	s26 =	smul.u32 $0x1800, s31;
	[tilespmem:s29+$0x20] =	vst v5;
	v5 =	vmul.f32 v15, v7;
	v10 =	vmul.f32 v19, v8  }
0x122: {  	s30 =	sand.u32 $0x380, s28;
	v11 =	vadd.f32 v17, v11;
	[tilespmem:s29+$0x50] =	vst v4;
	v4 =	vmul.f32 v12, v7;
	v12 =	vmul.f32 v18, v8  }
0x123: {  	s26 =	sor.u32 s30, s26;
	[tilespmem:s29+$0x10] =	vst v3;
	v5 =	vadd.f32 v10, v5  }
0x124: {  	v3 =	vld [tilespmem:s26+$0x10];
	v10 =	vmul.f32 v14, v7;
	[tilespmem:s29+$0x1440] =	vst v11;
	v11 =	vmul.f32 v16, v8;
	v12 =	vadd.f32 v12, v4  }
0x125: {  	v7 =	vmul.f32 v6, v7;
	v8 =	vmul.f32 v9, v8;
	v4 =	vld [tilespmem:s26+$0xC010];
	[tilespmem:s29+$0x1450] =	vst v5  }
0x126: {  	v9 =	vadd.f32 v11, v10;
	v6 =	vld [tilespmem:s26+$0x20];
	[tilespmem:s29+$0x1460] =	vst v12  }
0x127: {  	v7 =	vadd.f32 v8, v7;
	v5 =	vld [tilespmem:s26+$0xC020]  }
0x128: {  	v8 =	vld [tilespmem:s26+$0x30];
	[tilespmem:s29+$0x1470] =	vst v9  }
0x129: {  	v18 =	vld [tilespmem:s26+$0x430];
	[tilespmem:s29+$0x0] =	vst v7  }
0x12a: {  	v7 =	vld [tilespmem:s26+$0xC030]  }
0x12b: {  	v10 =	vld [tilespmem:s26+$0x40]  }
0x12c: {  	v9 =	vld [tilespmem:s26+$0xC040]  }
0x12d: {  	v12 =	vld [tilespmem:s26+$0x50]  }
0x12e: {  	v11 =	vld [tilespmem:s26+$0xC050]  }
0x12f: {  	v13 =	vld [tilespmem:s26+$0x60]  }
0x130: {  	v14 =	vld [tilespmem:s26+$0x70]  }
0x131: {  	v15 =	vld [tilespmem:s26+$0x400]  }
0x132: {  	v16 =	vld [tilespmem:s26+$0x410]  }
0x133: {  	v17 =	vld [tilespmem:s26+$0x420]  }
0x134: {  	v19 =	vld [tilespmem:s26+$0x440]  }
0x135: {  	v20 =	vld [tilespmem:s26+$0x450]  }
0x136: {  	v21 =	vld [tilespmem:s26+$0x460]  }
0x137: {  	v22 =	vld [tilespmem:s26+$0x470]  }
0x138: {  	v23 =	vld [tilespmem:s26+$0x800]  }
0x139: {  	v24 =	vld [tilespmem:s26+$0x810]  }
0x13a: {  	v25 =	vld [tilespmem:s26+$0x820]  }
0x13b: {  	v26 =	vld [tilespmem:s26+$0x830]  }
0x13c: {  	v27 =	vld [tilespmem:s26+$0x840]  }
0x13d: {  	v28 =	vld [tilespmem:s26+$0x850]  }
0x13e: {  	v29 =	vld [tilespmem:s26+$0x860]  }
0x13f: {  	v30 =	vld [tilespmem:s26+$0x870]  }
0x140: {  	v31 =	vld [tilespmem:s26+$0xC00]  }
0x141: {  	v34 =	vld [tilespmem:s26+$0xC10]  }
0x142: {  	v35 =	vld [tilespmem:s26+$0xC20]  }
0x143: {  	v36 =	vld [tilespmem:s26+$0xC30]  }
0x144: {  	v37 =	vld [tilespmem:s26+$0xC40]  }
0x145: {  	v38 =	vld [tilespmem:s26+$0xC50]  }
0x146: {  	v39 =	vld [tilespmem:s26+$0xC60]  }
0x147: {  	v40 =	vld [tilespmem:s26+$0xC70]  }
0x148: {  	v41 =	vld [tilespmem:s26+$0x1000]  }
0x149: {  	v42 =	vld [tilespmem:s26+$0x1010]  }
0x14a: {  	v43 =	vld [tilespmem:s26+$0x1020]  }
0x14b: {  	v44 =	vld [tilespmem:s26+$0x1030]  }
0x14c: {  	v45 =	vld [tilespmem:s26+$0x1040]  }
0x14d: {  	v46 =	vld [tilespmem:s26+$0x1050]  }
0x14e: {  	v47 =	vld [tilespmem:s26+$0x1060]  }
0x14f: {  	v48 =	vld [tilespmem:s26+$0x1400]  }
0x150: {  	v50 =	vld [tilespmem:s26+$0x1410]  }
0x151: {  	v49 =	vld [tilespmem:s26+$0xD410]  }
0x152: {  	s29 =	simm.s32 $0x2;
	v51 =	vld [tilespmem:s26+$0xD430]  }
.LBB2_2:
0x153: {  	p0 =	sne.s32 s29, $0x3F;
	v52 =	vld [tilespmem:s26+$0x1430]  }
0x154: {  	s24 =	sadd.s32 $0x80, s24;
	v53 =	vld [tilespmem:s26+$0x1420]  }
0x155: {  	s25 =	sadd.s32 $0x80, s25;
	v33 =	vld [tilespmem:s24+$0x0]  }
0x156: {  	v32 =	vld [tilespmem:s25+$0x0]  }
0x157: {  	v54 =	vld [tilespmem:s26+$0xD420]  }
0x158: {  	v55 =	vld [tilespmem:s26+$0xD400]  }
0x159: {  	v56 =	vld [tilespmem:s26+$0x1070]  }
0x15a: {  	v57 =	vld [tilespmem:s26+$0xD070];
	v50 =	vmul.f32 v50, v33;
	v53 =	vmul.f32 v53, v33  }
0x15b: {  	v52 =	vmul.f32 v52, v33;
	v58 =	vld [tilespmem:s26+$0xD060];
	v51 =	vmul.f32 v51, v32  }
0x15c: {  	v49 =	vmul.f32 v49, v32;
	v59 =	vld [tilespmem:s26+$0xD050];
	v54 =	vmul.f32 v54, v32  }
0x15d: {  	v48 =	vmul.f32 v48, v33;
	v60 =	vld [tilespmem:s26+$0xD040];
	v55 =	vmul.f32 v55, v32;
	v51 =	vadd.f32 v51, v52  }
0x15e: {  	v49 =	vadd.f32 v49, v50;
	v52 =	vld [tilespmem:s26+$0xD030];
	v56 =	vmul.f32 v56, v33;
	v50 =	vadd.f32 v54, v53  }
0x15f: {  	v47 =	vmul.f32 v47, v33;
	v53 =	vld [tilespmem:s26+$0xD020];
	v54 =	vmul.f32 v57, v32;
	v48 =	vadd.f32 v55, v48;
	[tilespmem:s26+$0x1430] =	vst v51  }
0x160: {  	v46 =	vmul.f32 v46, v33;
	v51 =	vld [tilespmem:s26+$0xD010];
	v55 =	vmul.f32 v58, v32;
	[tilespmem:s26+$0x1420] =	vst v50  }
0x161: {  	v45 =	vmul.f32 v45, v33;
	v50 =	vld [tilespmem:s26+$0xD000];
	v57 =	vmul.f32 v59, v32;
	v54 =	vadd.f32 v54, v56;
	[tilespmem:s26+$0x1410] =	vst v49  }
0x162: {  	v44 =	vmul.f32 v44, v33;
	v49 =	vld [tilespmem:s26+$0xCC70];
	v56 =	vmul.f32 v60, v32;
	v47 =	vadd.f32 v55, v47;
	[tilespmem:s26+$0x1400] =	vst v48  }
0x163: {  	v43 =	vmul.f32 v43, v33;
	v48 =	vld [tilespmem:s26+$0xCC60];
	v52 =	vmul.f32 v52, v32;
	v46 =	vadd.f32 v57, v46;
	[tilespmem:s26+$0x1070] =	vst v54  }
0x164: {  	v42 =	vmul.f32 v42, v33;
	v54 =	vld [tilespmem:s26+$0xCC50];
	v53 =	vmul.f32 v53, v32;
	v45 =	vadd.f32 v56, v45;
	[tilespmem:s26+$0x1060] =	vst v47  }
0x165: {  	v41 =	vmul.f32 v41, v33;
	v47 =	vld [tilespmem:s26+$0xCC40];
	v51 =	vmul.f32 v51, v32;
	v44 =	vadd.f32 v52, v44;
	[tilespmem:s26+$0x1050] =	vst v46  }
0x166: {  	v40 =	vmul.f32 v40, v33;
	v46 =	vld [tilespmem:s26+$0xCC30];
	v50 =	vmul.f32 v50, v32;
	v43 =	vadd.f32 v53, v43;
	[tilespmem:s26+$0x1040] =	vst v45  }
0x167: {  	v39 =	vmul.f32 v39, v33;
	v45 =	vld [tilespmem:s26+$0xCC20];
	v49 =	vmul.f32 v49, v32;
	v42 =	vadd.f32 v51, v42;
	[tilespmem:s26+$0x1030] =	vst v44  }
0x168: {  	v38 =	vmul.f32 v38, v33;
	v44 =	vld [tilespmem:s26+$0xCC10];
	v48 =	vmul.f32 v48, v32;
	v41 =	vadd.f32 v50, v41;
	[tilespmem:s26+$0x1020] =	vst v43  }
0x169: {  	v37 =	vmul.f32 v37, v33;
	v43 =	vld [tilespmem:s26+$0xCC00];
	v50 =	vmul.f32 v54, v32;
	v40 =	vadd.f32 v49, v40;
	[tilespmem:s26+$0x1010] =	vst v42  }
0x16a: {  	v36 =	vmul.f32 v36, v33;
	v42 =	vld [tilespmem:s26+$0xC870];
	v47 =	vmul.f32 v47, v32;
	v39 =	vadd.f32 v48, v39;
	[tilespmem:s26+$0x1000] =	vst v41  }
0x16b: {  	v35 =	vmul.f32 v35, v33;
	v41 =	vld [tilespmem:s26+$0xC860];
	v46 =	vmul.f32 v46, v32;
	v38 =	vadd.f32 v50, v38;
	[tilespmem:s26+$0xC70] =	vst v40  }
0x16c: {  	v34 =	vmul.f32 v34, v33;
	v40 =	vld [tilespmem:s26+$0xC850];
	v45 =	vmul.f32 v45, v32;
	v37 =	vadd.f32 v47, v37;
	[tilespmem:s26+$0xC60] =	vst v39  }
0x16d: {  	v31 =	vmul.f32 v31, v33;
	v39 =	vld [tilespmem:s26+$0xC840];
	v44 =	vmul.f32 v44, v32;
	v36 =	vadd.f32 v46, v36;
	[tilespmem:s26+$0xC50] =	vst v38  }
0x16e: {  	v30 =	vmul.f32 v30, v33;
	v38 =	vld [tilespmem:s26+$0xC830];
	v43 =	vmul.f32 v43, v32;
	v35 =	vadd.f32 v45, v35;
	[tilespmem:s26+$0xC40] =	vst v37  }
0x16f: {  	v29 =	vmul.f32 v29, v33;
	v37 =	vld [tilespmem:s26+$0xC820];
	v42 =	vmul.f32 v42, v32;
	v34 =	vadd.f32 v44, v34;
	[tilespmem:s26+$0xC30] =	vst v36  }
0x170: {  	v28 =	vmul.f32 v28, v33;
	v36 =	vld [tilespmem:s26+$0xC810];
	v41 =	vmul.f32 v41, v32;
	v31 =	vadd.f32 v43, v31;
	[tilespmem:s26+$0xC20] =	vst v35  }
0x171: {  	v27 =	vmul.f32 v27, v33;
	v35 =	vld [tilespmem:s26+$0xC800];
	v40 =	vmul.f32 v40, v32;
	v30 =	vadd.f32 v42, v30;
	[tilespmem:s26+$0xC10] =	vst v34  }
0x172: {  	v26 =	vmul.f32 v26, v33;
	v34 =	vld [tilespmem:s26+$0xC470];
	v39 =	vmul.f32 v39, v32;
	v29 =	vadd.f32 v41, v29;
	[tilespmem:s26+$0xC00] =	vst v31  }
0x173: {  	v25 =	vmul.f32 v25, v33;
	v31 =	vld [tilespmem:s26+$0xC460];
	v38 =	vmul.f32 v38, v32;
	v28 =	vadd.f32 v40, v28;
	[tilespmem:s26+$0x870] =	vst v30  }
0x174: {  	v24 =	vmul.f32 v24, v33;
	v30 =	vld [tilespmem:s26+$0xC450];
	v37 =	vmul.f32 v37, v32;
	v27 =	vadd.f32 v39, v27;
	[tilespmem:s26+$0x860] =	vst v29  }
0x175: {  	v23 =	vmul.f32 v23, v33;
	v29 =	vld [tilespmem:s26+$0xC440];
	v36 =	vmul.f32 v36, v32;
	v26 =	vadd.f32 v38, v26;
	[tilespmem:s26+$0x850] =	vst v28  }
0x176: {  	v22 =	vmul.f32 v22, v33;
	v28 =	vld [tilespmem:s26+$0xC430];
	v35 =	vmul.f32 v35, v32;
	v25 =	vadd.f32 v37, v25;
	[tilespmem:s26+$0x840] =	vst v27  }
0x177: {  	v21 =	vmul.f32 v21, v33;
	v27 =	vld [tilespmem:s26+$0xC420];
	v34 =	vmul.f32 v34, v32;
	v24 =	vadd.f32 v36, v24;
	[tilespmem:s26+$0x830] =	vst v26  }
0x178: {  	v20 =	vmul.f32 v20, v33;
	v26 =	vld [tilespmem:s26+$0xC410];
	v31 =	vmul.f32 v31, v32;
	v23 =	vadd.f32 v35, v23;
	[tilespmem:s26+$0x820] =	vst v25  }
0x179: {  	v19 =	vmul.f32 v19, v33;
	v25 =	vld [tilespmem:s26+$0xC400];
	v30 =	vmul.f32 v30, v32;
	v22 =	vadd.f32 v34, v22;
	[tilespmem:s26+$0x810] =	vst v24  }
0x17a: {  	v18 =	vmul.f32 v18, v33;
	v24 =	vld [tilespmem:s26+$0xC070];
	v29 =	vmul.f32 v29, v32;
	v21 =	vadd.f32 v31, v21;
	[tilespmem:s26+$0x800] =	vst v23  }
0x17b: {  	v17 =	vmul.f32 v17, v33;
	v23 =	vld [tilespmem:s26+$0xC060];
	v28 =	vmul.f32 v28, v32;
	v20 =	vadd.f32 v30, v20;
	[tilespmem:s26+$0x470] =	vst v22  }
0x17c: {  	v16 =	vmul.f32 v16, v33;
	v22 =	vmul.f32 v27, v32;
	v19 =	vadd.f32 v29, v19;
	[tilespmem:s26+$0x460] =	vst v21;
	v21 =	vld [tilespmem:s26+$0xD440]  }
0x17d: {  	v15 =	vmul.f32 v15, v33;
	v26 =	vmul.f32 v26, v32;
	v18 =	vadd.f32 v28, v18;
	[tilespmem:s26+$0x450] =	vst v20;
	v20 =	vld [tilespmem:s26+$0xD450]  }
0x17e: {  	v14 =	vmul.f32 v14, v33;
	v25 =	vmul.f32 v25, v32;
	v17 =	vadd.f32 v22, v17;
	[tilespmem:s26+$0x440] =	vst v19;
	v19 =	vld [tilespmem:s26+$0xD460]  }
0x17f: {  	v13 =	vmul.f32 v13, v33;
	v22 =	vmul.f32 v24, v32;
	v16 =	vadd.f32 v26, v16;
	[tilespmem:s26+$0x430] =	vst v18;
	v18 =	vld [tilespmem:s26+$0xD470]  }
0x180: {  	v12 =	vmul.f32 v12, v33;
	v23 =	vmul.f32 v23, v32;
	v15 =	vadd.f32 v25, v15;
	[tilespmem:s26+$0x420] =	vst v17;
	v17 =	vld [tilespmem:s26+$0x1440]  }
0x181: {  	v10 =	vmul.f32 v10, v33;
	v11 =	vmul.f32 v11, v32;
	v14 =	vadd.f32 v22, v14;
	[tilespmem:s26+$0x410] =	vst v16;
	v16 =	vld [tilespmem:s26+$0x1450]  }
0x182: {  	v8 =	vmul.f32 v8, v33;
	v9 =	vmul.f32 v9, v32;
	v13 =	vadd.f32 v23, v13;
	[tilespmem:s26+$0x400] =	vst v15;
	v15 =	vld [tilespmem:s26+$0x1460]  }
0x183: {  	v6 =	vmul.f32 v6, v33;
	v7 =	vmul.f32 v7, v32;
	v11 =	vadd.f32 v11, v12;
	[tilespmem:s26+$0x70] =	vst v14;
	v12 =	vld [tilespmem:s26+$0x1470]  }
0x184: {  	v3 =	vmul.f32 v3, v33;
	v5 =	vmul.f32 v5, v32;
	v9 =	vadd.f32 v9, v10;
	v14 =	vld [tilespmem:s26+$0x0];
	[tilespmem:s26+$0x60] =	vst v13  }
0x185: {  	v4 =	vmul.f32 v4, v32;
	v7 =	vadd.f32 v7, v8;
	v10 =	vld [tilespmem:s26+$0xC000];
	[tilespmem:s26+$0x50] =	vst v11;
	v8 =	vmul.f32 v17, v33  }
0x186: {  	s30 =	sshrl.u32 s29, $0x3;
	v5 =	vadd.f32 v5, v6;
	v6 =	vmul.f32 v21, v32;
	[tilespmem:s26+$0x40] =	vst v9;
	v9 =	vmul.f32 v16, v33  }
0x187: {  	s28 =	sadd.s32 $0x80, s28;
	s30 =	smul.u32 $0x1800, s30;
	v3 =	vadd.f32 v4, v3;
	v4 =	vmul.f32 v20, v32;
	[tilespmem:s26+$0x30] =	vst v7;
	v7 =	vmul.f32 v15, v33  }
0x188: {  	s31 =	sand.u32 $0x380, s28;
	[tilespmem:s26+$0x20] =	vst v5;
	v5 =	vadd.f32 v6, v8;
	v6 =	vmul.f32 v19, v32;
	v8 =	vmul.f32 v12, v33  }
0x189: {  	s30 =	sor.u32 s31, s30;
	v9 =	vadd.f32 v4, v9;
	v12 =	vmul.f32 v18, v32;
	v11 =	vmul.f32 v14, v33;
	[tilespmem:s26+$0x10] =	vst v3  }
0x18a: {  	v3 =	vld [tilespmem:s30+$0x10];
	v10 =	vmul.f32 v10, v32;
	[tilespmem:s26+$0x1440] =	vst v5;
	v5 =	vadd.f32 v6, v7  }
0x18b: {  	v7 =	vadd.f32 v12, v8;
	v4 =	vld [tilespmem:s30+$0xC010];
	[tilespmem:s26+$0x1450] =	vst v9  }
0x18c: {  	v6 =	vld [tilespmem:s30+$0x20];
	v9 =	vadd.f32 v10, v11;
	[tilespmem:s26+$0x1460] =	vst v5  }
0x18d: {  	v5 =	vld [tilespmem:s30+$0xC020];
	[tilespmem:s26+$0x1470] =	vst v7  }
0x18e: {  	v8 =	vld [tilespmem:s30+$0x30];
	[tilespmem:s26+$0x0] =	vst v9;
	s26 =	smov.u32 s30  }
0x18f: {  	v7 =	vld [tilespmem:s26+$0xC030]  }
0x190: {  	v10 =	vld [tilespmem:s26+$0x40]  }
0x191: {  	v9 =	vld [tilespmem:s26+$0xC040]  }
0x192: {  	v12 =	vld [tilespmem:s26+$0x50]  }
0x193: {  	v11 =	vld [tilespmem:s26+$0xC050]  }
0x194: {  	v13 =	vld [tilespmem:s26+$0x60]  }
0x195: {  	v14 =	vld [tilespmem:s26+$0x70]  }
0x196: {  	v15 =	vld [tilespmem:s26+$0x400]  }
0x197: {  	v16 =	vld [tilespmem:s26+$0x410]  }
0x198: {  	v17 =	vld [tilespmem:s26+$0x420]  }
0x199: {  	v18 =	vld [tilespmem:s26+$0x430]  }
0x19a: {  	v19 =	vld [tilespmem:s26+$0x440]  }
0x19b: {  	v20 =	vld [tilespmem:s26+$0x450]  }
0x19c: {  	v21 =	vld [tilespmem:s26+$0x460]  }
0x19d: {  	v22 =	vld [tilespmem:s26+$0x470]  }
0x19e: {  	v23 =	vld [tilespmem:s26+$0x800]  }
0x19f: {  	v24 =	vld [tilespmem:s26+$0x810]  }
0x1a0: {  	v25 =	vld [tilespmem:s26+$0x820]  }
0x1a1: {  	v26 =	vld [tilespmem:s26+$0x830]  }
0x1a2: {  	v27 =	vld [tilespmem:s26+$0x840]  }
0x1a3: {  	v28 =	vld [tilespmem:s26+$0x850]  }
0x1a4: {  	v29 =	vld [tilespmem:s26+$0x860]  }
0x1a5: {  	v30 =	vld [tilespmem:s26+$0x870]  }
0x1a6: {  	v31 =	vld [tilespmem:s26+$0xC00]  }
0x1a7: {  	v34 =	vld [tilespmem:s26+$0xC10]  }
0x1a8: {  	v35 =	vld [tilespmem:s26+$0xC20]  }
0x1a9: {  	v36 =	vld [tilespmem:s26+$0xC30]  }
0x1aa: {  	v37 =	vld [tilespmem:s26+$0xC40]  }
0x1ab: {  	v38 =	vld [tilespmem:s26+$0xC50]  }
0x1ac: {  	v39 =	vld [tilespmem:s26+$0xC60]  }
0x1ad: {  	v40 =	vld [tilespmem:s26+$0xC70]  }
0x1ae: {  	v41 =	vld [tilespmem:s26+$0x1000]  }
0x1af: {  	v42 =	vld [tilespmem:s26+$0x1010]  }
0x1b0: {  	v43 =	vld [tilespmem:s26+$0x1020]  }
0x1b1: {  	v44 =	vld [tilespmem:s26+$0x1030]  }
0x1b2: {  	v45 =	vld [tilespmem:s26+$0x1040]  }
0x1b3: {  	v46 =	vld [tilespmem:s26+$0x1050]  }
.Ltmp0:
0x1b4: {  	v47 =	vld [tilespmem:s26+$0x1060];
	(pc) =	sbr.rel @p0 .LBB2_2-.Ltmp0, $4  }
0x1b5: {  	v48 =	vld [tilespmem:s26+$0x1400]  }
0x1b6: {  	v50 =	vld [tilespmem:s26+$0x1410]  }
0x1b7: {  	v49 =	vld [tilespmem:s26+$0xD410]  }
0x1b8: {  	s29 =	sadd.s32 $0x1, s29;
	v51 =	vld [tilespmem:s26+$0xD430]  }
0x1b9: {  	v52 =	vld [tilespmem:s26+$0x1430]  }
0x1ba: {  	v53 =	vld [tilespmem:s26+$0x1420];
	s24 =	sadd.s32 $0x80, s24  }
0x1bb: {  	s31 =	sadd.s32 $0x80, s25;
	v32 =	vld [tilespmem:s24+$0x0]  }
0x1bc: {  	v33 =	vld [tilespmem:s31+$0x0]  }
0x1bd: {  	v54 =	vld [tilespmem:s26+$0xD420];
	_ =	sdelay $0x1  }
0x1be: {  	v55 =	vld [tilespmem:s26+$0xD400]  }
0x1bf: {  	v56 =	vld [tilespmem:s26+$0x1070]  }
0x1c0: {  	v58 =	vld [tilespmem:s26+$0xD060];
	v52 =	vmul.f32 v52, v32;
	v51 =	vmul.f32 v51, v33  }
0x1c1: {  	v57 =	vld [tilespmem:s26+$0xD070];
	v53 =	vmul.f32 v53, v32;
	v54 =	vmul.f32 v54, v33  }
0x1c2: {  	v59 =	vld [tilespmem:s26+$0xD050];
	v50 =	vmul.f32 v50, v32;
	v49 =	vmul.f32 v49, v33  }
0x1c3: {  	v60 =	vld [tilespmem:s26+$0xD040];
	v48 =	vmul.f32 v48, v32;
	v62 =	vmul.f32 v55, v33;
	v51 =	vadd.f32 v51, v52  }
0x1c4: {  	v61 =	vld [tilespmem:s26+$0xD020];
	v63 =	vmul.f32 v56, v32;
	v47 =	vmul.f32 v47, v32;
	v53 =	vadd.f32 v54, v53  }
0x1c5: {  	v58 =	vmul.f32 v58, v33;
	v55 =	vld [tilespmem:s26+$0xC460];
	v12 =	vmul.f32 v12, v32;
	v49 =	vadd.f32 v49, v50;
	[tilespmem:s26+$0x1430] =	vst v51  }
0x1c6: {  	v56 =	vld [tilespmem:s26+$0xC450];
	v11 =	vmul.f32 v11, v33;
	v10 =	vmul.f32 v10, v32;
	v48 =	vadd.f32 v62, v48;
	[tilespmem:s26+$0x1420] =	vst v53  }
0x1c7: {  	v9 =	vmul.f32 v9, v33;
	v8 =	vmul.f32 v8, v32;
	v52 =	vld [tilespmem:s26+$0xD030];
	v47 =	vadd.f32 v58, v47;
	[tilespmem:s26+$0x1410] =	vst v49  }
0x1c8: {  	v7 =	vmul.f32 v7, v33;
	v6 =	vmul.f32 v6, v32;
	v50 =	vld [tilespmem:s26+$0xD000];
	v11 =	vadd.f32 v11, v12;
	[tilespmem:s26+$0x1400] =	vst v48  }
0x1c9: {  	v5 =	vmul.f32 v5, v33;
	v3 =	vmul.f32 v3, v32;
	v58 =	vld [tilespmem:s26+$0xCC20];
	v9 =	vadd.f32 v9, v10;
	[tilespmem:s26+$0x1060] =	vst v47  }
0x1ca: {  	v4 =	vmul.f32 v4, v33;
	v62 =	vmul.f32 v59, v33;
	v59 =	vld [tilespmem:s26+$0xCC10];
	v7 =	vadd.f32 v7, v8;
	[tilespmem:s26+$0x50] =	vst v11  }
0x1cb: {  	v57 =	vmul.f32 v57, v33;
	v54 =	vld [tilespmem:s26+$0xC470];
	v5 =	vadd.f32 v5, v6;
	[tilespmem:s26+$0x40] =	vst v9  }
0x1cc: {  	v46 =	vmul.f32 v46, v32;
	v3 =	vadd.f32 v4, v3;
	v51 =	vld [tilespmem:s26+$0xD010];
	[tilespmem:s26+$0x30] =	vst v7  }
0x1cd: {  	v45 =	vmul.f32 v45, v32;
	v49 =	vld [tilespmem:s26+$0xCC70];
	v53 =	vadd.f32 v57, v63;
	v63 =	vmul.f32 v60, v33;
	[tilespmem:s26+$0x20] =	vst v5  }
0x1ce: {  	v43 =	vmul.f32 v43, v32;
	v48 =	vld [tilespmem:s26+$0xCC60];
	v46 =	vadd.f32 v62, v46;
	v57 =	vmul.f32 v61, v33;
	[tilespmem:s26+$0x10] =	vst v3  }
0x1cf: {  	v44 =	vmul.f32 v44, v32;
	v47 =	vld [tilespmem:s26+$0xCC40];
	[tilespmem:s26+$0x1070] =	vst v53;
	v45 =	vadd.f32 v63, v45;
	v52 =	vmul.f32 v52, v33  }
0x1d0: {  	v41 =	vmul.f32 v41, v32;
	v60 =	vld [tilespmem:s26+$0xCC00];
	[tilespmem:s26+$0x1050] =	vst v46;
	v43 =	vadd.f32 v57, v43;
	v50 =	vmul.f32 v50, v33  }
0x1d1: {  	v35 =	vmul.f32 v35, v32;
	v61 =	vld [tilespmem:s26+$0xC870];
	[tilespmem:s26+$0x1040] =	vst v45;
	v45 =	vmul.f32 v58, v33;
	v44 =	vadd.f32 v52, v44  }
0x1d2: {  	v42 =	vmul.f32 v42, v32;
	v53 =	vld [tilespmem:s26+$0xCC50];
	[tilespmem:s26+$0x1020] =	vst v43;
	v51 =	vmul.f32 v51, v33;
	v41 =	vadd.f32 v50, v41  }
0x1d3: {  	v40 =	vmul.f32 v40, v32;
	v46 =	vld [tilespmem:s26+$0xCC30];
	v49 =	vmul.f32 v49, v33;
	v35 =	vadd.f32 v45, v35;
	[tilespmem:s26+$0x1030] =	vst v44  }
0x1d4: {  	v39 =	vmul.f32 v39, v32;
	v62 =	vld [tilespmem:s26+$0xC860];
	v48 =	vmul.f32 v48, v33;
	v42 =	vadd.f32 v51, v42;
	[tilespmem:s26+$0x1000] =	vst v41  }
0x1d5: {  	v37 =	vmul.f32 v37, v32;
	v57 =	vld [tilespmem:s26+$0xC440];
	v47 =	vmul.f32 v47, v33;
	v40 =	vadd.f32 v49, v40;
	[tilespmem:s26+$0xC20] =	vst v35  }
0x1d6: {  	v31 =	vmul.f32 v31, v32;
	v58 =	vld [tilespmem:s26+$0xC430];
	v43 =	vmul.f32 v60, v33;
	v39 =	vadd.f32 v48, v39;
	[tilespmem:s26+$0x1010] =	vst v42  }
0x1d7: {  	v38 =	vmul.f32 v38, v32;
	v50 =	vld [tilespmem:s26+$0xC830];
	v63 =	vmul.f32 v53, v33;
	v37 =	vadd.f32 v47, v37;
	[tilespmem:s26+$0xC70] =	vst v40  }
0x1d8: {  	v36 =	vmul.f32 v36, v32;
	v60 =	vld [tilespmem:s26+$0xC410];
	v46 =	vmul.f32 v46, v33;
	v31 =	vadd.f32 v43, v31;
	[tilespmem:s26+$0xC60] =	vst v39  }
0x1d9: {  	v34 =	vmul.f32 v34, v32;
	v52 =	vld [tilespmem:s26+$0xC810];
	v44 =	vmul.f32 v59, v33;
	v38 =	vadd.f32 v63, v38;
	[tilespmem:s26+$0xC40] =	vst v37  }
0x1da: {  	v29 =	vmul.f32 v29, v32;
	v45 =	vld [tilespmem:s26+$0x1440];
	v41 =	vmul.f32 v62, v33;
	v36 =	vadd.f32 v46, v36;
	[tilespmem:s26+$0xC00] =	vst v31  }
0x1db: {  	v21 =	vmul.f32 v21, v32;
	v48 =	vld [tilespmem:s26+$0xC850];
	v62 =	vmul.f32 v55, v33;
	v34 =	vadd.f32 v44, v34;
	[tilespmem:s26+$0xC50] =	vst v38  }
0x1dc: {  	v30 =	vmul.f32 v30, v32;
	v49 =	vld [tilespmem:s26+$0xC840];
	v42 =	vmul.f32 v61, v33;
	v29 =	vadd.f32 v41, v29;
	[tilespmem:s26+$0xC30] =	vst v36  }
0x1dd: {  	v16 =	vmul.f32 v16, v32;
	v51 =	vld [tilespmem:s26+$0xC820];
	v21 =	vadd.f32 v62, v21;
	v41 =	vmul.f32 v60, v33;
	[tilespmem:s26+$0xC10] =	vst v34  }
0x1de: {  	v26 =	vmul.f32 v26, v32;
	v53 =	vld [tilespmem:s26+$0xC800];
	v30 =	vadd.f32 v42, v30;
	[tilespmem:s26+$0x860] =	vst v29;
	v38 =	vmul.f32 v50, v33  }
0x1df: {  	v24 =	vmul.f32 v24, v32;
	v59 =	vld [tilespmem:s26+$0xC420];
	v36 =	vmul.f32 v52, v33;
	[tilespmem:s26+$0x460] =	vst v21;
	v16 =	vadd.f32 v41, v16  }
0x1e0: {  	v22 =	vmul.f32 v22, v32;
	v43 =	vld [tilespmem:s26+$0xD470];
	v34 =	vmul.f32 v54, v33;
	[tilespmem:s26+$0x870] =	vst v30;
	v26 =	vadd.f32 v38, v26  }
0x1e1: {  	v28 =	vmul.f32 v28, v32;
	v61 =	vld [tilespmem:s26+$0xC400];
	v40 =	vmul.f32 v48, v33;
	v24 =	vadd.f32 v36, v24;
	[tilespmem:s26+$0x410] =	vst v16  }
0x1e2: {  	v27 =	vmul.f32 v27, v32;
	v63 =	vld [tilespmem:s26+$0xC070];
	v39 =	vmul.f32 v49, v33;
	v22 =	vadd.f32 v34, v22;
	[tilespmem:s26+$0x830] =	vst v26  }
0x1e3: {  	v25 =	vmul.f32 v25, v32;
	v46 =	vld [tilespmem:s26+$0x1450];
	v37 =	vmul.f32 v51, v33;
	v28 =	vadd.f32 v40, v28;
	[tilespmem:s26+$0x810] =	vst v24  }
0x1e4: {  	v23 =	vmul.f32 v23, v32;
	v50 =	vld [tilespmem:s26+$0xC000];
	v35 =	vmul.f32 v53, v33;
	v27 =	vadd.f32 v39, v27;
	[tilespmem:s26+$0x470] =	vst v22  }
0x1e5: {  	v20 =	vmul.f32 v20, v32;
	v48 =	vld [tilespmem:s26+$0x1460];
	v30 =	vmul.f32 v56, v33;
	v25 =	vadd.f32 v37, v25;
	[tilespmem:s26+$0x850] =	vst v28  }
0x1e6: {  	v19 =	vmul.f32 v19, v32;
	v51 =	vld [tilespmem:s26+$0x0];
	v23 =	vadd.f32 v35, v23;
	v35 =	vmul.f32 v57, v33;
	[tilespmem:s26+$0x840] =	vst v27  }
0x1e7: {  	v18 =	vmul.f32 v18, v32;
	v34 =	vld [tilespmem:s26+$0xC060];
	v37 =	vmul.f32 v58, v33;
	v20 =	vadd.f32 v30, v20;
	[tilespmem:s26+$0x820] =	vst v25  }
0x1e8: {  	v17 =	vmul.f32 v17, v32;
	v36 =	vld [tilespmem:s26+$0xD440];
	v39 =	vmul.f32 v59, v33;
	[tilespmem:s26+$0x800] =	vst v23;
	v19 =	vadd.f32 v35, v19  }
0x1e9: {  	v15 =	vmul.f32 v15, v32;
	v38 =	vld [tilespmem:s26+$0xD450];
	v42 =	vmul.f32 v61, v33;
	v18 =	vadd.f32 v37, v18;
	[tilespmem:s26+$0x450] =	vst v20  }
0x1ea: {  	v14 =	vmul.f32 v14, v32;
	v40 =	vld [tilespmem:s26+$0xD460];
	v44 =	vmul.f32 v63, v33;
	v17 =	vadd.f32 v39, v17;
	[tilespmem:s26+$0x440] =	vst v19  }
0x1eb: {  	v49 =	vld [tilespmem:s26+$0x1470];
	v15 =	vadd.f32 v42, v15;
	v10 =	vmul.f32 v50, v33;
	v61 =	vmul.f32 v51, v32;
	[tilespmem:s26+$0x430] =	vst v18  }
0x1ec: {  	v13 =	vmul.f32 v13, v32;
	v14 =	vadd.f32 v44, v14;
	[tilespmem:s26+$0x420] =	vst v17;
	v47 =	vmul.f32 v34, v33  }
0x1ed: {  	v52 =	vmul.f32 v45, v32;
	[tilespmem:s26+$0x400] =	vst v15;
	v53 =	vmul.f32 v36, v33;
	v63 =	vadd.f32 v10, v61  }
0x1ee: {  	v54 =	vmul.f32 v46, v32;
	[tilespmem:s26+$0x70] =	vst v14;
	v55 =	vmul.f32 v38, v33;
	v13 =	vadd.f32 v47, v13  }
0x1ef: {  	v56 =	vmul.f32 v48, v32;
	v58 =	vmul.f32 v40, v33;
	v57 =	vadd.f32 v53, v52;
	[tilespmem:s26+$0x0] =	vst v63  }
0x1f0: {  	v60 =	vmul.f32 v43, v33;
	v59 =	vmul.f32 v49, v32;
	v3 =	vadd.f32 v55, v54;
	[tilespmem:s26+$0x60] =	vst v13  }
0x1f1: {  	v62 =	vadd.f32 v58, v56;
	[tilespmem:s26+$0x1440] =	vst v57  }
0x1f2: {  	s23 =	sadd.s32 $0x1, s23;
	[tilespmem:s26+$0x1450] =	vst v3;
	v3 =	vadd.f32 v60, v59  }
0x1f3: {  	p0 =	sne.s32 s23, s11;
	[tilespmem:s26+$0x1460] =	vst v62  }
.Ltmp1:
0x1f4: {  	[tilespmem:s26+$0x1470] =	vst v3;
	(pc) =	sbr.rel @p0 .LBB2_1-.Ltmp1, $4  }
0x1f5: {  	[hbm4b:s10+s2] =	stream.linear.scatter [tilespmem:s2], [sflag:$0x2], $0xC000, $0x38;
	[tilespmem:$0x1C100] =	vst v63  }
0x1f6: {  	_ =	swait.ge [sflag:s13], $0xC000  }
0x1f7: {  	[sflag:s13] =	ssyncset.done $0x0  }
0x1f8: {  	[sflag:s13] =	ssyncadd.s32 $0xFFFF4000  }
0x1f9: {  	_ =	sfence.sel $0x180000  }
0x1fa: {  	[bflag:$0x0] =	sbarrier.arrive $0xFFFF  }
0x1fb: {  	_ =	strace $0x9000004A  }
0x1fc: {  	s0 =	stileid.u32;
	[bflag:$0x2] =	sbarrier.arrive $0xFFFF  }
0x1fd: {  	p0 =	sne.s32 s0, $0x0;
	s0 =	rddreg [dreg:$0x2]  }
0x1fe: {  	s0 =	sadd.s32 @!p0 $0x100000, s0  }
0x1ff: {  	[sflag:s0] =	ssyncadd.tile.s32 @!p0 $0x1;
	_ =	shalt  }
.Lfunc_end2:
_tile_overlayer_lowered:
.L_overlay_start_2:
0x200: {  	(tag) =	ssettag $0x2  }
0x201: {  	s0 =	rddreg [dreg:$0x0];
	s2 =	stileid.u32  }
0x202: {  	s1 =	rddreg [dreg:$0x1];
	p0 =	sne.s32 s2, $0x0  }
0x203: {  	s3 =	rddreg [dreg:$0x2];
	[bflag:$0x3] =	sbarrier.arrive $0xFFFF;
	s2 =	simm.s32 @!p0 $0x1C02  }
0x204: {  	[timem:s3], [sflag:s2] =	dma.local @!p0 [hbm:s0], s1  }
0x205: {  	s0 =	simm.s32 @!p0 $0x2  }
0x206: {  	_ =	swait.ge @!p0 [sflag:s0], s1  }
0x207: {  	s1 =	ssub.s32 @!p0 $0x0, s1;
	[sflag:s0] =	ssyncset.done @!p0 $0x0  }
0x208: {  	[sflag:s0] =	ssyncadd.s32 @!p0 s1  }
0x209: {  	[bflag:$0x3] =	sbarrier.arrive $0xFFFF  }
0x20a: {  	_ =	shalt  }

// kernel: kernel.7.cloned.1.call-start
scs
__scs_entry_jumppad:
0x0: {  	(pc) =	sbr.rel $0x88, $3  }
0x1: {  	(tag) =	ssettag $0x0;
	lr =	simm.s32 $0x1  }
0x2: {  	[smem:$0x3F9D] =	sst lr;
	_ =	strace $0xD0000000  }
0x3: {  	_ = 	snop  }
0x4: {  	_ = 	snop  }
0x5: {  	_ = 	snop  }
0x6: {  	_ = 	snop  }
0x7: {  	_ = 	snop  }
__scs_overlays_trampoline_lowered:
0x8: {  	[smem:$0x3FAC] =	sst s0  }
0x9: {  	[smem:$0x3FAD] =	sst s1  }
0xa: {  	[smem:$0x3FAE] =	sst s2  }
0xb: {  	[smem:$0x3FAF] =	sst s3  }
0xc: {  	[smem:$0x3FB0] =	sst s4  }
0xd: {  	[smem:$0x3FB1] =	sst s5  }
0xe: {  	[smem:$0x3FB2] =	sst s6  }
0xf: {  	[smem:$0x3FB3] =	sst s7  }
0x10: {  	[smem:$0x3FB4] =	sst s8  }
0x11: {  	[smem:$0x3FB5] =	sst s9;
	s0 =	simm.s32 @!p0 $0x0  }
0x12: {  	s1 =	sld [smem:$0x3F9B];
	s0 =	simm.s32 @p0 $0x1  }
0x13: {  	[smem:$0x3FB6] =	sst s0;
	s0 =	simm.s32 @!p1 $0x0  }
0x14: {  	s2 =	sld [smem:$0x3F9A];
	s0 =	simm.s32 @p1 $0x1  }
0x15: {  	[smem:$0x3FB7] =	sst s0;
	s0 =	simm.s32 @!p2 $0x0  }
0x16: {  	s3 =	sld [smem:$0x3FDB];
	s0 =	simm.s32 @p2 $0x1  }
0x17: {  	s4 =	simm.s32 $0x1BF5;
	[smem:$0x3FB9] =	sst s0  }
0x18: {  	s0 =	sld [smem:$0x3F9C];
	_ =	swait.ge [sflag:s4], $0x0  }
0x19: {  	s7 =	sld [smem:$0x3F9D]  }
0x1a: {  	s8 =	sadd.s32 $0xFFFFE003, lr  }
0x1b: {  	s9 =	sadd.s32 $0xFFFFFEF7, lr;
	s5 =	simm.s32 $0xFFFFFFFF;
	p2 =	slt.u32 s8, $0xFFFFF086  }
0x1c: {  	p1 =	slt.u32 s9, $0xF7A;
	s5 =	simm.s32 @!p2 $0x0  }
0x1d: {  	s5 =	simm.s32 @p1 $0x1;
	p0 =	seq.s32 s7, s2  }
0x1e: {  	s7 =	smul.u32 @!p0 $0xF7A, s2;
	p2 =	seq.s32 @!p0 s5, $0x0  }
0x1f: {  	s9 =	smul.u32 $0xF7A, s1;
	s8 =	simm.s32 @!p0 $0x1BF5;
	p2 =	por !p2, p0  }
0x20: {  	[sflag:s8] =	ssyncset.s32 @!p0 $0xFFFFF086;
	s6 =	sadd.s32 @!p0 s3, s7;
	s7 =	simm.s32 @!p0 $0x108  }
0x21: {  	s3 =	sadd.s32 s3, s9;
	s6 =	sadd.s32 @!p0 $0x88, s6;
	s7 =	simm.s32 @p2 $0x1082  }
0x22: {  	[simem:s7], [sflag:s8] =	dma.local @!p0 [hbm:s6], $0xF7A  }
0x23: {  	s9 =	sor.u32 $0xD0000000, s2;
	s6 =	simm.s32 $0x108;
	_ =	swait.ge @!p0 [sflag:s8], $0x0  }
0x24: {  	s3 =	sadd.s32 $0x88, s3;
	s6 =	simm.s32 @!p1 $0x1082;
	[sflag:s4] =	ssyncset.s32 $0xFFFFF086  }
0x25: {  	[simem:s6], [sflag:s4] =	dma.local [hbm:s3], $0xF7A  }
0x26: {  	[smem:$0x3F9D] =	sst s1;
	(tag) =	ssettag s2;
	_ =	strace s9  }
0x27: {  	s1 =	sld [smem:$0x3FAD]  }
0x28: {  	s2 =	sld [smem:$0x3FAE]  }
0x29: {  	s4 =	sld [smem:$0x3FB0]  }
0x2a: {  	p0 =	seq.s32 s5, $0x0;
	s5 =	sld [smem:$0x3FB1]  }
0x2b: {  	s6 =	sld [smem:$0x3FB2]  }
0x2c: {  	s7 =	sld [smem:$0x3FB3]  }
0x2d: {  	s3 =	simm.s32 $0x108;
	s8 =	sld [smem:$0x3FB4]  }
0x2e: {  	s3 =	simm.s32 @!p0 $0x1082;
	s9 =	sld [smem:$0x3FB5]  }
0x2f: {  	lr =	sadd.s32 s0, s3;
	s0 =	sld [smem:$0x3FAC]  }
0x30: {  	s3 =	sld [smem:$0x3FAF]  }
0x31: {  	[smem:$0x3FB8] =	sst s10  }
0x32: {  	s10 =	sld [smem:$0x3FB6];
	_ =	sdelay $0x3  }
0x33: {  	p0 =	seq.s32 s10, $0x1;
	s10 =	sld [smem:$0x3FB8];
	_ =	sdelay $0x3  }
0x34: {  	[smem:$0x3FB8] =	sst s10  }
0x35: {  	s10 =	sld [smem:$0x3FB7];
	_ =	sdelay $0x3  }
0x36: {  	p1 =	seq.s32 s10, $0x1;
	s10 =	sld [smem:$0x3FB8];
	_ =	sdelay $0x3  }
0x37: {  	[smem:$0x3FB8] =	sst s10  }
0x38: {  	s10 =	sld [smem:$0x3FB9]  }
0x39: {  	_ = 	snop;
	(pc) =	sbr.ind lr, $3  }
0x3a: {  	_ = 	snop  }
0x3b: {  	_ = 	snop  }
0x3c: {  	p2 =	seq.s32 s10, $0x1;
	s10 =	sld [smem:$0x3FB8]  }
0x3d: {  	_ =	shalt  }
0x3e: {  	_ =	shalt  }
0x3f: {  	_ =	shalt  }
0x40: {  	_ =	shalt  }
0x41: {  	_ =	shalt  }
0x42: {  	_ =	shalt  }
0x43: {  	_ =	shalt  }
0x44: {  	_ =	shalt  }
0x45: {  	_ =	shalt  }
0x46: {  	_ =	shalt  }
0x47: {  	_ =	shalt  }
0x48: {  	_ =	shalt  }
0x49: {  	_ =	shalt  }
0x4a: {  	_ =	shalt  }
0x4b: {  	_ =	shalt  }
0x4c: {  	_ =	shalt  }
0x4d: {  	_ =	shalt  }
0x4e: {  	_ =	shalt  }
0x4f: {  	_ =	shalt  }
0x50: {  	_ =	shalt  }
0x51: {  	_ =	shalt  }
0x52: {  	_ =	shalt  }
0x53: {  	_ =	shalt  }
0x54: {  	_ =	shalt  }
0x55: {  	_ =	shalt  }
0x56: {  	_ =	shalt  }
0x57: {  	_ =	shalt  }
0x58: {  	_ =	shalt  }
0x59: {  	_ =	shalt  }
0x5a: {  	_ =	shalt  }
0x5b: {  	_ =	shalt  }
0x5c: {  	_ =	shalt  }
0x5d: {  	_ =	shalt  }
0x5e: {  	_ =	shalt  }
0x5f: {  	_ =	shalt  }
0x60: {  	_ =	shalt  }
0x61: {  	_ =	shalt  }
0x62: {  	_ =	shalt  }
0x63: {  	_ =	shalt  }
0x64: {  	_ =	shalt  }
0x65: {  	_ =	shalt  }
0x66: {  	_ =	shalt  }
0x67: {  	_ =	shalt  }
0x68: {  	_ =	shalt  }
0x69: {  	_ =	shalt  }
0x6a: {  	_ =	shalt  }
0x6b: {  	_ =	shalt  }
0x6c: {  	_ =	shalt  }
0x6d: {  	_ =	shalt  }
0x6e: {  	_ =	shalt  }
0x6f: {  	_ =	shalt  }
0x70: {  	_ =	shalt  }
0x71: {  	_ =	shalt  }
0x72: {  	_ =	shalt  }
0x73: {  	_ =	shalt  }
0x74: {  	_ =	shalt  }
0x75: {  	_ =	shalt  }
0x76: {  	_ =	shalt  }
0x77: {  	_ =	shalt  }
0x78: {  	_ =	shalt  }
0x79: {  	_ =	shalt  }
0x7a: {  	_ =	shalt  }
0x7b: {  	_ =	shalt  }
0x7c: {  	_ =	shalt  }
0x7d: {  	_ =	shalt  }
0x7e: {  	_ =	shalt  }
0x7f: {  	_ =	shalt  }
0x80: {  	_ =	shalt  }
0x81: {  	_ =	shalt  }
0x82: {  	_ =	shalt  }
0x83: {  	_ =	shalt  }
0x84: {  	_ =	shalt  }
0x85: {  	_ =	shalt  }
0x86: {  	_ =	shalt  }
0x87: {  	_ =	shalt  }
.Lfunc_end0:
.L_simem_size_0:
called_computation_lowered:
.L_overlay_start_0:
0x88: {  	s2 =	sld [smem:$0x3FD9]  }
0x89: {  	s3 =	sld [smem:$0x3FFE];
	_ =	sdelay $0x1  }
0x8a: {  	s1 =	srdreg.scid  }
0x8b: {  	s0 =	sand.u32 $0x1, s1  }
0x8c: {  	s17 =	sshll.u32 s0, $0xA;
	s2 =	sadd.s32 s3, s2  }
0x8d: {  	s2 =	sadd.s32 s2, s17  }
0x8e: {  	[smem:$0x3FC4] =	sst s2  }
0x8f: {  	_ = 	snop  }
0x90: {  	s2 =	sld [smem:$0x3FC9];
	(tm) =	ssettm $0x1  }
0x91: {  	s18 =	sld [smem:$0x3FFB];
	_ =	sdelay $0x3  }
0x92: {  	_ =	strace s18  }
0x93: {  	s3 =	sld [smem:$0x3FFC];
	_ =	sdelay $0x3  }
0x94: {  	_ =	strace s3  }
0x95: {  	s3 =	sld [smem:$0x3FFD];
	_ =	sdelay $0x3  }
0x96: {  	_ =	strace s3  }
0x97: {  	_ =	strace $0x8FFFFFFF  }
0x98: {  	s19 =	sld [smem:$0x3FDB];
	_ =	sdelay $0x1  }
0x99: {  	s4 =	simm.s32 $_scs_section_size  }
0x9a: {  	s5 =	simm.s32 $_size__tile_overlayer_lowered;
	s6 =	simm.s32 $_tile_overlayer_lowered  }
0x9b: {  	s22 =	simm.s32 $0x1BFF;
	s21 =	sshll.u32 s6, $0x1;
	s3 =	sadd.s32 s4, s19  }
0x9c: {  	s7 =	simm.s32 $0x0;
	s20 =	sshll.u32 s5, $0x1;
	s5 =	sadd.s32 s21, s3  }
0x9d: {  	[timem:s7], [sflag:s22] =	dma.local [hbm:s5], s20  }
0x9e: {  	_ =	swait.ge [sflag:s22], s20  }
0x9f: {  	s4 =	ssub.s32 $0x0, s20;
	[sflag:s22] =	ssyncset.done $0x0  }
0xa0: {  	[sflag:s22] =	ssyncadd.s32 s4;
	_ =	sdelay $0x1  }
0xa1: {  	s23 =	simm.s32 $0x1B8B  }
0xa2: {  	_ =	swait.ge [sflag:s23], $0x1  }
0xa3: {  	[sflag:s23] =	ssyncset.done $0x0  }
0xa4: {  	s25 =	simm.s32 $0x1B8E;
	s24 =	sld [smem:$0x3FFE];
	[sflag:s23] =	ssyncadd.s32 $0xFFFFFFFF  }
0xa5: {  	s26 =	simm.s32 $execute0_lowered;
	[smem:$0x3FD2] =	sst s25  }
0xa6: {  	s5 =	sshll.u32 s26, $0x1;
	_ =	strace $0x80000046;
	[dreg:$0x1] =	wrdreg $0xFFFFFFFF  }
0xa7: {  	s28 =	simm.s32 $_size_execute0_lowered;
	s3 =	sadd.s32 s3, s5;
	[dreg:$0x0] =	wrdreg $0x0  }
0xa8: {  	s5 =	sshll.u32 s28, $0x1;
	[dreg:$0x2] =	wrdreg s3  }
0xa9: {  	[dreg:$0x3] =	wrdreg s5  }
0xaa: {  	[dreg:$0x4] =	wrdreg $0xC0  }
0xab: {  	_ =	task [dreg:s7], $0x5FFFF  }
0xac: {  	[dreg:$0x1] =	wrdreg $0xFFFFFFFF  }
0xad: {  	[dreg:$0x0] =	wrdreg $0x60  }
0xae: {  	[dreg:$0x2] =	wrdreg s2  }
0xaf: {  	[dreg:$0x3] =	wrdreg s24  }
0xb0: {  	[dreg:$0x4] =	wrdreg $0x9  }
0xb1: {  	_ =	task.clear_ibuf [dreg:s7], $0x5FFFF;
	_ =	strace $0x90000046  }
0xb2: {  	s29 =	simm.s32 $0x9;
	_ =	strace $0x80000048  }
0xb3: {  	_ =	swait.ge [sflag:s29], $0x1  }
0xb4: {  	[sflag:s29] =	ssyncadd.s32 $0xFFFFFFFF  }
0xb5: {  	_ =	strace $0x90000048  }
0xb6: {  	_ =	sfence  }
0xb7: {  	s30 =	sld [smem:$0x0];
	_ =	sdelay $0x2  }
0xb8: {  	s31 =	sshll.u32 s1, $0xD;
	s1 =	sshrl.u32 s1, $0x2  }
0xb9: {  	s3 =	sand.u32 $0x4000, s31;
	s1 =	sadd.s32 s1, s30  }
0xba: {  	s0 =	sor.u32 s3, s0;
	s1 =	sshll.u32 s1, $0x11  }
0xbb: {  	s0 =	sor.u32 s1, s0  }
0xbc: {  	s0 =	sadd.s32 $0x8F2B, s0  }
0xbd: {  	[sflag:s0] =	ssyncadd.remote.s32 $0x1  }
0xbe: {  	_ =	sfence.sel $0xFFFF  }
0xbf: {  	[dreg:$0x0] =	wrdreg $0xFFFFFFFF;
	(pc) =	sbr.abs _section_cstart, $3  }
0xc0: {  	[dreg:$0x1] =	wrdreg $0xFFFFFFFF  }
0xc1: {  	_ =	task.clear_ibuf [dreg:s7], $0x2FFFF;
	_ =	strace $0x9FFFFFFF  }
0xc2: {  	(tm) =	ssettm $0x7FFFFFFF  }
0xc3: {  	_ =	shalt  }
tec
execute0_lowered:
.L_overlay_start_1:
0x0: {  	(tag) =	ssettag $0x1  }
0x1: {  	s0 =	srdreg.scid;
	s1 =	rddreg [dreg:$0x0]  }
0x2: {  	s2 =	stileid.u32;
	s6 =	rddreg [dreg:$0x1];
	s25 =	simm.s32 $0xC000  }
0x3: {  	s26 =	simm.s32 $0xC080;
	s8 =	simm.s32 $0x2;
	s10 =	simm.s32 $0x1000  }
0x4: {  	s11 =	simm.s32 $0x1800;
	s12 =	simm.s32 $0x2000;
	s13 =	simm.s32 $0x2800  }
0x5: {  	s14 =	simm.s32 $0x3000;
	s15 =	simm.s32 $0x3800;
	s16 =	simm.s32 $0x4000  }
0x6: {  	s17 =	simm.s32 $0x4800;
	s18 =	simm.s32 $0x5000;
	s19 =	simm.s32 $0x5800  }
0x7: {  	s20 =	simm.s32 $0x6000;
	s21 =	simm.s32 $0x6800;
	s22 =	simm.s32 $0x7000  }
0x8: {  	s23 =	simm.s32 $0x7800;
	s28 =	simm.s32 $0x9800;
	s29 =	simm.s32 $0xA000  }
0x9: {  	s30 =	simm.s32 $0xA800;
	s31 =	simm.s32 $0xB000;
	s0 =	sand.u32 $0x1, s0  }
0xa: {  	s3 =	sshll.u32 s2, $0x4;
	s2 =	simm.s32 $0x0;
	s4 =	sshll.u32 s0, $0x3  }
0xb: {  	[smem:$0x7FF] =	sst s2;
	s0 =	ssub.s32 $0x2, s0;
	s4 =	sor.u32 s4, s3  }
0xc: {  	_ =	strace $0x80000047;
	s3 =	sadd.s32 $0x400, s6;
	[dreg:$0x5] =	wrdreg s25  }
0xd: {  	s7 =	sshrl.u32 s0, $0x1;
	[dreg:$0x6] =	wrdreg s26;
	s25 =	simm.s32 $0x8800  }
0xe: {  	s26 =	simm.s32 $0x9000;
	s5 =	smul.u32 $0x300, s4;
	s4 =	sadd.s32 s6, s4  }
0xf: {  	s0 =	ssub.s32 s0, s7;
	[dreg:$0x7] =	wrdreg s4;
	s24 =	sadd.s32 $0x200, s4  }
0x10: {  	v2 =	vlaneseq.u32;
	s7 =	smax.u32 s0, $0x1;
	s0 =	simm.s32 $0x1;
	s1 =	sadd.s32 s1, s5  }
0x11: {  	vm0 =	vmmov $0xffff;
	v1 =	vshrl.u32 v2, $0x3;
	[dreg:$0x4] =	wrdreg s24;
	s5 =	sadd.s32 $0x500, s6;
	s6 =	sadd.s32 $0x600, s6  }
0x12: {  	v0 =	vand.u32 $0x7, v2;
	v2 =	vor.u32 $0x8, v2;
	v1 =	vmul.u32 $0x8, v1;
	s24 =	simm.s32 $0x8000;
	[dreg:$0x3] =	wrdreg s1;
	s1 =	simm.s32 $0xB800  }
.LBB2_1:
0x13: {  	s4 =	rddreg [dreg:$0x3]  }
0x14: {  	[tilespmem:s2], [sflag:$0x2] =	stream.linear.gather [hbm4b:s4+s2], $0xC000, $0x38;
	[tilespmem:$0xC100] =	vst v63  }
0x15: {  	_ =	swait.ge [sflag:s8], $0xC000  }
0x16: {  	s4 =	rddreg [dreg:$0x4];
	[sflag:s8] =	ssyncset.done $0x0  }
0x17: {  	s9 =	rddreg [dreg:$0x5];
	[sflag:s8] =	ssyncadd.s32 $0xFFFF4000  }
0x18: {  	[tilespmem:s9], [sflag:$0x2] =	stream.linear.gather [hbm4b:s4+s2], $0x40, $0x38;
	[tilespmem:$0xC100] =	vst v63  }
0x19: {  	_ =	swait.ge [sflag:s8], $0x40  }
0x1a: {  	s4 =	rddreg [dreg:$0x6];
	[sflag:s8] =	ssyncset.done $0x0  }
0x1b: {  	s9 =	rddreg [dreg:$0x7];
	[sflag:s8] =	ssyncadd.s32 $0xFFFFFFC0  }
0x1c: {  	[tilespmem:s4], [sflag:$0x2] =	stream.linear.gather [hbm4b:s9+s2], $0x40, $0x38;
	[tilespmem:$0xC100] =	vst v63  }
0x1d: {  	_ =	swait.ge [sflag:s8], $0x40  }
0x1e: {  	[sflag:s8] =	ssyncset.done $0x0  }
0x1f: {  	[sflag:s8] =	ssyncadd.s32 $0xFFFFFFC0  }
0x20: {  	v3 =	vld [tilespmem:$0xC000];
	_ =	sdelay $0x4  }
0x21: {  	v4 =	vshrl.u32 v3, $0x3  }
0x22: {  	v4 =	vmul.u32 $0x30, v4  }
0x23: {  	v3 =	vand.u32 $0x7, v3  }
0x24: {  	v3 =	vor.u32 v3, v4  }
0x25: {  	v4 =	vperm.xlane v3, v0;
	_ =	sdelay $0x1  }
0x26: {  	v4 =	vadd.s32 v1, v4;
	_ =	sdelay $0x3  }
0x27: {  	v3 =	vperm.xlane v3, v2  }
0x28: {  	[hbm4b:s3+s2] =	stream.indirect_vreg.scatter [tilespmem:s2], [sflag:$0x1], $0x80, v4, vm0, $0xb8;
	[tilespmem:$0xC100] =	vst v63  }
0x29: {  	s9 =	simm.s32 $0x800;
	v3 =	vadd.s32 v1, v3  }
0x2a: {  	[hbm4b:s5+s2] =	stream.indirect_vreg.scatter [tilespmem:s9], [sflag:$0x1], $0x80, v4, vm0, $0xb8;
	[tilespmem:$0xC100] =	vst v63  }
0x2b: {  	_ = 	snop  }
0x2c: {  	[hbm4b:s6+s2] =	stream.indirect_vreg.scatter [tilespmem:s10], [sflag:$0x1], $0x80, v4, vm0, $0xb8;
	[tilespmem:$0xC100] =	vst v63  }
0x2d: {  	_ = 	snop  }
0x2e: {  	[hbm4b:s3+s2] =	stream.indirect_vreg.scatter [tilespmem:s11], [sflag:$0x1], $0x80, v3, vm0, $0xb8;
	[tilespmem:$0xC100] =	vst v63  }
0x2f: {  	_ = 	snop  }
0x30: {  	[hbm4b:s5+s2] =	stream.indirect_vreg.scatter [tilespmem:s12], [sflag:$0x1], $0x80, v3, vm0, $0xb8;
	[tilespmem:$0xC100] =	vst v63  }
0x31: {  	_ = 	snop  }
0x32: {  	[hbm4b:s6+s2] =	stream.indirect_vreg.scatter [tilespmem:s13], [sflag:$0x1], $0x80, v3, vm0, $0xb8;
	[tilespmem:$0xC100] =	vst v63  }
0x33: {  	v3 =	vld [tilespmem:$0xC010];
	_ =	sdelay $0x4  }
0x34: {  	v57 =	vshrl.u32 v3, $0x3  }
0x35: {  	v4 =	vmul.u32 $0x30, v57  }
0x36: {  	v3 =	vand.u32 $0x7, v3  }
0x37: {  	v3 =	vor.u32 v3, v4  }
0x38: {  	v4 =	vperm.xlane v3, v0;
	_ =	sdelay $0x1  }
0x39: {  	v4 =	vadd.s32 v1, v4;
	_ =	sdelay $0x3  }
0x3a: {  	v3 =	vperm.xlane v3, v2  }
0x3b: {  	[hbm4b:s3+s2] =	stream.indirect_vreg.scatter [tilespmem:s14], [sflag:$0x1], $0x80, v4, vm0, $0xb8;
	[tilespmem:$0xC100] =	vst v63  }
0x3c: {  	v3 =	vadd.s32 v1, v3  }
0x3d: {  	[hbm4b:s5+s2] =	stream.indirect_vreg.scatter [tilespmem:s15], [sflag:$0x1], $0x80, v4, vm0, $0xb8;
	[tilespmem:$0xC100] =	vst v63  }
0x3e: {  	_ = 	snop  }
0x3f: {  	[hbm4b:s6+s2] =	stream.indirect_vreg.scatter [tilespmem:s16], [sflag:$0x1], $0x80, v4, vm0, $0xb8;
	[tilespmem:$0xC100] =	vst v63  }
0x40: {  	_ = 	snop  }
0x41: {  	[hbm4b:s3+s2] =	stream.indirect_vreg.scatter [tilespmem:s17], [sflag:$0x1], $0x80, v3, vm0, $0xb8;
	[tilespmem:$0xC100] =	vst v63  }
0x42: {  	_ = 	snop  }
0x43: {  	[hbm4b:s5+s2] =	stream.indirect_vreg.scatter [tilespmem:s18], [sflag:$0x1], $0x80, v3, vm0, $0xb8;
	[tilespmem:$0xC100] =	vst v63  }
0x44: {  	_ = 	snop  }
0x45: {  	[hbm4b:s6+s2] =	stream.indirect_vreg.scatter [tilespmem:s19], [sflag:$0x1], $0x80, v3, vm0, $0xb8;
	[tilespmem:$0xC100] =	vst v63  }
0x46: {  	v3 =	vld [tilespmem:$0xC020];
	_ =	sdelay $0x4  }
0x47: {  	v58 =	vshrl.u32 v3, $0x3  }
0x48: {  	v4 =	vmul.u32 $0x30, v58  }
0x49: {  	v3 =	vand.u32 $0x7, v3  }
0x4a: {  	v3 =	vor.u32 v3, v4  }
0x4b: {  	v4 =	vperm.xlane v3, v0;
	_ =	sdelay $0x1  }
0x4c: {  	v4 =	vadd.s32 v1, v4;
	_ =	sdelay $0x3  }
0x4d: {  	v3 =	vperm.xlane v3, v2  }
0x4e: {  	[hbm4b:s3+s2] =	stream.indirect_vreg.scatter [tilespmem:s20], [sflag:$0x1], $0x80, v4, vm0, $0xb8;
	[tilespmem:$0xC100] =	vst v63  }
0x4f: {  	v3 =	vadd.s32 v1, v3  }
0x50: {  	[hbm4b:s5+s2] =	stream.indirect_vreg.scatter [tilespmem:s21], [sflag:$0x1], $0x80, v4, vm0, $0xb8;
	[tilespmem:$0xC100] =	vst v63  }
0x51: {  	_ = 	snop  }
0x52: {  	[hbm4b:s6+s2] =	stream.indirect_vreg.scatter [tilespmem:s22], [sflag:$0x1], $0x80, v4, vm0, $0xb8;
	[tilespmem:$0xC100] =	vst v63  }
0x53: {  	_ = 	snop  }
0x54: {  	[hbm4b:s3+s2] =	stream.indirect_vreg.scatter [tilespmem:s23], [sflag:$0x1], $0x80, v3, vm0, $0xb8;
	[tilespmem:$0xC100] =	vst v63  }
0x55: {  	_ = 	snop  }
0x56: {  	[hbm4b:s5+s2] =	stream.indirect_vreg.scatter [tilespmem:s24], [sflag:$0x1], $0x80, v3, vm0, $0xb8;
	[tilespmem:$0xC100] =	vst v63  }
0x57: {  	_ = 	snop  }
0x58: {  	[hbm4b:s6+s2] =	stream.indirect_vreg.scatter [tilespmem:s25], [sflag:$0x1], $0x80, v3, vm0, $0xb8;
	[tilespmem:$0xC100] =	vst v63  }
0x59: {  	v3 =	vld [tilespmem:$0xC030];
	_ =	sdelay $0x4  }
0x5a: {  	v59 =	vshrl.u32 v3, $0x3  }
0x5b: {  	v4 =	vmul.u32 $0x30, v59  }
0x5c: {  	v3 =	vand.u32 $0x7, v3  }
0x5d: {  	v3 =	vor.u32 v3, v4  }
0x5e: {  	v4 =	vperm.xlane v3, v0;
	_ =	sdelay $0x1  }
0x5f: {  	v4 =	vadd.s32 v1, v4;
	_ =	sdelay $0x3  }
0x60: {  	v3 =	vperm.xlane v3, v2  }
0x61: {  	[hbm4b:s3+s2] =	stream.indirect_vreg.scatter [tilespmem:s26], [sflag:$0x1], $0x80, v4, vm0, $0xb8;
	[tilespmem:$0xC100] =	vst v63  }
0x62: {  	v3 =	vadd.s32 v1, v3  }
0x63: {  	[hbm4b:s5+s2] =	stream.indirect_vreg.scatter [tilespmem:s28], [sflag:$0x1], $0x80, v4, vm0, $0xb8;
	[tilespmem:$0xC100] =	vst v63  }
0x64: {  	_ = 	snop  }
0x65: {  	[hbm4b:s6+s2] =	stream.indirect_vreg.scatter [tilespmem:s29], [sflag:$0x1], $0x80, v4, vm0, $0xb8;
	[tilespmem:$0xC100] =	vst v63  }
0x66: {  	_ = 	snop  }
0x67: {  	[hbm4b:s3+s2] =	stream.indirect_vreg.scatter [tilespmem:s30], [sflag:$0x1], $0x80, v3, vm0, $0xb8;
	[tilespmem:$0xC100] =	vst v63  }
0x68: {  	_ = 	snop  }
0x69: {  	[hbm4b:s5+s2] =	stream.indirect_vreg.scatter [tilespmem:s31], [sflag:$0x1], $0x80, v3, vm0, $0xb8;
	[tilespmem:$0xC100] =	vst v63  }
0x6a: {  	_ = 	snop  }
0x6b: {  	[hbm4b:s6+s2] =	stream.indirect_vreg.scatter [tilespmem:s1], [sflag:$0x1], $0x80, v3, vm0, $0xb8;
	[tilespmem:$0xC100] =	vst v63  }
0x6c: {  	v3 =	vld [tilespmem:$0xC080];
	_ =	sdelay $0x4  }
0x6d: {  	v60 =	vshrl.u32 v3, $0x3  }
0x6e: {  	v4 =	vmul.u32 $0x30, v60  }
0x6f: {  	v3 =	vand.u32 $0x7, v3  }
0x70: {  	v3 =	vor.u32 v3, v4  }
0x71: {  	v4 =	vperm.xlane v3, v0;
	_ =	sdelay $0x1  }
0x72: {  	v4 =	vadd.s32 v1, v4;
	_ =	sdelay $0x3  }
0x73: {  	v3 =	vperm.xlane v3, v2  }
0x74: {  	[hbm4b:s3+s2] =	stream.indirect_vreg.scatter [tilespmem:s2], [sflag:$0x1], $0x80, v4, vm0, $0xb8;
	[tilespmem:$0xC100] =	vst v63  }
0x75: {  	v3 =	vadd.s32 v1, v3  }
0x76: {  	[hbm4b:s5+s2] =	stream.indirect_vreg.scatter [tilespmem:s9], [sflag:$0x1], $0x80, v4, vm0, $0xb8;
	[tilespmem:$0xC100] =	vst v63  }
0x77: {  	_ = 	snop  }
0x78: {  	[hbm4b:s6+s2] =	stream.indirect_vreg.scatter [tilespmem:s10], [sflag:$0x1], $0x80, v4, vm0, $0xb8;
	[tilespmem:$0xC100] =	vst v63  }
0x79: {  	_ = 	snop  }
0x7a: {  	[hbm4b:s3+s2] =	stream.indirect_vreg.scatter [tilespmem:s11], [sflag:$0x1], $0x80, v3, vm0, $0xb8;
	[tilespmem:$0xC100] =	vst v63  }
0x7b: {  	_ = 	snop  }
0x7c: {  	[hbm4b:s5+s2] =	stream.indirect_vreg.scatter [tilespmem:s12], [sflag:$0x1], $0x80, v3, vm0, $0xb8;
	[tilespmem:$0xC100] =	vst v63  }
0x7d: {  	_ = 	snop  }
0x7e: {  	[hbm4b:s6+s2] =	stream.indirect_vreg.scatter [tilespmem:s13], [sflag:$0x1], $0x80, v3, vm0, $0xb8;
	[tilespmem:$0xC100] =	vst v63  }
0x7f: {  	v3 =	vld [tilespmem:$0xC090];
	_ =	sdelay $0x4  }
0x80: {  	v61 =	vshrl.u32 v3, $0x3  }
0x81: {  	v4 =	vmul.u32 $0x30, v61  }
0x82: {  	v3 =	vand.u32 $0x7, v3  }
0x83: {  	v3 =	vor.u32 v3, v4  }
0x84: {  	v4 =	vperm.xlane v3, v0;
	_ =	sdelay $0x1  }
0x85: {  	v4 =	vadd.s32 v1, v4;
	_ =	sdelay $0x3  }
0x86: {  	v3 =	vperm.xlane v3, v2  }
0x87: {  	[hbm4b:s3+s2] =	stream.indirect_vreg.scatter [tilespmem:s14], [sflag:$0x1], $0x80, v4, vm0, $0xb8;
	[tilespmem:$0xC100] =	vst v63  }
0x88: {  	v3 =	vadd.s32 v1, v3  }
0x89: {  	[hbm4b:s5+s2] =	stream.indirect_vreg.scatter [tilespmem:s15], [sflag:$0x1], $0x80, v4, vm0, $0xb8;
	[tilespmem:$0xC100] =	vst v63  }
0x8a: {  	_ = 	snop  }
0x8b: {  	[hbm4b:s6+s2] =	stream.indirect_vreg.scatter [tilespmem:s16], [sflag:$0x1], $0x80, v4, vm0, $0xb8;
	[tilespmem:$0xC100] =	vst v63  }
0x8c: {  	_ = 	snop  }
0x8d: {  	[hbm4b:s3+s2] =	stream.indirect_vreg.scatter [tilespmem:s17], [sflag:$0x1], $0x80, v3, vm0, $0xb8;
	[tilespmem:$0xC100] =	vst v63  }
0x8e: {  	_ = 	snop  }
0x8f: {  	[hbm4b:s5+s2] =	stream.indirect_vreg.scatter [tilespmem:s18], [sflag:$0x1], $0x80, v3, vm0, $0xb8;
	[tilespmem:$0xC100] =	vst v63  }
0x90: {  	_ = 	snop  }
0x91: {  	[hbm4b:s6+s2] =	stream.indirect_vreg.scatter [tilespmem:s19], [sflag:$0x1], $0x80, v3, vm0, $0xb8;
	[tilespmem:$0xC100] =	vst v63  }
0x92: {  	v3 =	vld [tilespmem:$0xC0A0];
	_ =	sdelay $0x4  }
0x93: {  	v62 =	vshrl.u32 v3, $0x3  }
0x94: {  	v4 =	vmul.u32 $0x30, v62  }
0x95: {  	v3 =	vand.u32 $0x7, v3  }
0x96: {  	v3 =	vor.u32 v3, v4  }
0x97: {  	v4 =	vperm.xlane v3, v0;
	_ =	sdelay $0x1  }
0x98: {  	v4 =	vadd.s32 v1, v4;
	_ =	sdelay $0x3  }
0x99: {  	v3 =	vperm.xlane v3, v2  }
0x9a: {  	[hbm4b:s3+s2] =	stream.indirect_vreg.scatter [tilespmem:s20], [sflag:$0x1], $0x80, v4, vm0, $0xb8;
	[tilespmem:$0xC100] =	vst v63  }
0x9b: {  	v3 =	vadd.s32 v1, v3  }
0x9c: {  	[hbm4b:s5+s2] =	stream.indirect_vreg.scatter [tilespmem:s21], [sflag:$0x1], $0x80, v4, vm0, $0xb8;
	[tilespmem:$0xC100] =	vst v63  }
0x9d: {  	_ = 	snop  }
0x9e: {  	[hbm4b:s6+s2] =	stream.indirect_vreg.scatter [tilespmem:s22], [sflag:$0x1], $0x80, v4, vm0, $0xb8;
	[tilespmem:$0xC100] =	vst v63  }
0x9f: {  	_ = 	snop  }
0xa0: {  	[hbm4b:s3+s2] =	stream.indirect_vreg.scatter [tilespmem:s23], [sflag:$0x1], $0x80, v3, vm0, $0xb8;
	[tilespmem:$0xC100] =	vst v63  }
0xa1: {  	_ = 	snop  }
0xa2: {  	[hbm4b:s5+s2] =	stream.indirect_vreg.scatter [tilespmem:s24], [sflag:$0x1], $0x80, v3, vm0, $0xb8;
	[tilespmem:$0xC100] =	vst v63  }
0xa3: {  	_ = 	snop  }
0xa4: {  	[hbm4b:s6+s2] =	stream.indirect_vreg.scatter [tilespmem:s25], [sflag:$0x1], $0x80, v3, vm0, $0xb8;
	[tilespmem:$0xC100] =	vst v63  }
0xa5: {  	v3 =	vld [tilespmem:$0xC0B0];
	_ =	sdelay $0x4  }
0xa6: {  	v63 =	vshrl.u32 v3, $0x3  }
0xa7: {  	v4 =	vmul.u32 $0x30, v63  }
0xa8: {  	v3 =	vand.u32 $0x7, v3  }
0xa9: {  	v3 =	vor.u32 v3, v4  }
0xaa: {  	v4 =	vperm.xlane v3, v0;
	_ =	sdelay $0x1  }
0xab: {  	v4 =	vadd.s32 v1, v4;
	_ =	sdelay $0x3  }
0xac: {  	v3 =	vperm.xlane v3, v2  }
0xad: {  	[hbm4b:s3+s2] =	stream.indirect_vreg.scatter [tilespmem:s26], [sflag:$0x1], $0x80, v4, vm0, $0xb8;
	[tilespmem:$0xC100] =	vst v63  }
0xae: {  	v3 =	vadd.s32 v1, v3  }
0xaf: {  	[hbm4b:s5+s2] =	stream.indirect_vreg.scatter [tilespmem:s28], [sflag:$0x1], $0x80, v4, vm0, $0xb8;
	[tilespmem:$0xC100] =	vst v63  }
0xb0: {  	_ = 	snop  }
0xb1: {  	[hbm4b:s6+s2] =	stream.indirect_vreg.scatter [tilespmem:s29], [sflag:$0x1], $0x80, v4, vm0, $0xb8;
	[tilespmem:$0xC100] =	vst v63  }
0xb2: {  	_ = 	snop  }
0xb3: {  	[hbm4b:s3+s2] =	stream.indirect_vreg.scatter [tilespmem:s30], [sflag:$0x1], $0x80, v3, vm0, $0xb8;
	[tilespmem:$0xC100] =	vst v63  }
0xb4: {  	_ = 	snop  }
0xb5: {  	[hbm4b:s5+s2] =	stream.indirect_vreg.scatter [tilespmem:s31], [sflag:$0x1], $0x80, v3, vm0, $0xb8;
	[tilespmem:$0xC100] =	vst v63  }
0xb6: {  	_ = 	snop  }
0xb7: {  	[hbm4b:s6+s2] =	stream.indirect_vreg.scatter [tilespmem:s1], [sflag:$0x1], $0x80, v3, vm0, $0xb8;
	[tilespmem:$0xC100] =	vst v63  }
0xb8: {  	p0 =	sne.s32 s7, $0x1;
	_ =	swait.ge [sflag:s0], $0xC000  }
.Ltmp0:
0xb9: {  	[sflag:s0] =	ssyncset.done $0x0;
	(pc) =	sbr.rel @p0 .LBB2_1-.Ltmp0, $4  }
0xba: {  	[sflag:s0] =	ssyncadd.s32 $0xFFFF4000  }
0xbb: {  	_ =	swait.ge [sflag:s0], $0xC000  }
0xbc: {  	[sflag:s0] =	ssyncset.done $0x0  }
0xbd: {  	s7 =	sadd.s32 $0xFFFFFFFF, s7;
	[sflag:s0] =	ssyncadd.s32 $0xFFFF4000  }
0xbe: {  	_ =	sfence.sel $0x180000  }
0xbf: {  	[bflag:$0x0] =	sbarrier.arrive $0xFFFF  }
0xc0: {  	_ =	strace $0x90000047  }
0xc1: {  	s0 =	stileid.u32;
	[bflag:$0x2] =	sbarrier.arrive $0xFFFF  }
0xc2: {  	p0 =	sne.s32 s0, $0x0;
	s0 =	rddreg [dreg:$0x2]  }
0xc3: {  	s0 =	sadd.s32 @!p0 $0x100000, s0  }
0xc4: {  	[sflag:s0] =	ssyncadd.tile.s32 @!p0 $0x1;
	_ =	shalt  }
.Lfunc_end2:
_tile_overlayer_lowered:
.L_overlay_start_2:
0xc5: {  	(tag) =	ssettag $0x2  }
0xc6: {  	s0 =	rddreg [dreg:$0x0];
	s2 =	stileid.u32  }
0xc7: {  	s1 =	rddreg [dreg:$0x1];
	p0 =	sne.s32 s2, $0x0  }
0xc8: {  	s3 =	rddreg [dreg:$0x2];
	[bflag:$0x3] =	sbarrier.arrive $0xFFFF;
	s2 =	simm.s32 @!p0 $0x1C02  }
0xc9: {  	[timem:s3], [sflag:s2] =	dma.local @!p0 [hbm:s0], s1  }
0xca: {  	s0 =	simm.s32 @!p0 $0x2  }
0xcb: {  	_ =	swait.ge @!p0 [sflag:s0], s1  }
0xcc: {  	s1 =	ssub.s32 @!p0 $0x0, s1;
	[sflag:s0] =	ssyncset.done @!p0 $0x0  }
0xcd: {  	[sflag:s0] =	ssyncadd.s32 @!p0 s1  }
0xce: {  	[bflag:$0x3] =	sbarrier.arrive $0xFFFF  }
0xcf: {  	_ =	shalt  }

</sc_bundles>
